<compile_context>
chip_gen: v7x
topology: tpu7x:2x2x1
jax: 0.10.2.dev20260603
libtpu: 0.0.44.dev20260713+nightly
codegen_flags: <defaults>
</compile_context>

<pallas_src>
import functools

import numpy as np
import jax
import jax.numpy as jnp
from jax import lax
from jax.experimental import pallas as pl
from jax.experimental.pallas import tpu as pltpu
from jax.experimental.pallas import tpu_sc as plsc

B = 4096
NT = 26
V = 100000
D = 64
NI = NT + 1
R = B * NT
CH = 128
BB = 512

_LI = np.array([i for i in range(NI) for j in range(i)])
_LJ = np.array([j for i in range(NI) for j in range(i)])


@functools.lru_cache(maxsize=None)
def _sc_gather():
    try:
        info = plsc.get_sparse_core_info()
        nc, ns = info.num_cores, info.num_subcores
    except Exception:
        nc, ns = 2, 16
    nw = nc * ns
    cpt = B // CH
    nch = (R // CH) // nw

    def body(tbl_hbm, idx_hbm, oidx_hbm, out_hbm, idx_v, oidx_v, rows_v, gsem, ssem):
        wid = lax.axis_index("s") * nc + lax.axis_index("c")
        pltpu.sync_copy(idx_hbm.at[wid], idx_v)
        pltpu.sync_copy(oidx_hbm.at[wid], oidx_v)
        for c in range(nch):
            k = wid * nch + c
            t = k // cpt
            pltpu.async_copy(tbl_hbm.at[t].at[idx_v.at[c]], rows_v, gsem).wait()
            pltpu.async_copy(rows_v, out_hbm.at[oidx_v.at[c]], ssem).wait()

    return pl.kernel(
        body,
        mesh=plsc.VectorSubcoreMesh(core_axis_name="c", subcore_axis_name="s"),
        out_type=jax.ShapeDtypeStruct((R, 2 * D), jnp.float32),
        scratch_types=[
            pltpu.VMEM((nch, CH), jnp.int32),
            pltpu.VMEM((nch, CH), jnp.int32),
            pltpu.VMEM((CH, 2 * D), jnp.float32),
            pltpu.SemaphoreType.DMA,
            pltpu.SemaphoreType.DMA,
        ],
    )


def _oidx_pattern(nw):
    cpt = B // CH
    k = np.arange(R // CH)
    t = k // cpt
    b0 = (k % cpt) * CH
    o = b0[:, None] * NT + np.arange(CH)[None, :] * NT + t[:, None]
    return jnp.asarray(o.reshape(nw, -1, CH).astype(np.int32))


def _tc_body(dx_ref, ly_ref, bw0, bb0, bw1, bb1, bw2, bb2,
             w0x, w0z, tb0, tw1, tb1, tw2, tb2, out_ref):
    f32 = jnp.float32
    dn = (((1,), (1,)), ((), ()))
    x = dx_ref[...]
    h = jnp.maximum(lax.dot_general(x, bw0[...], dn, preferred_element_type=f32) + bb0[...], 0.0)
    h = jnp.maximum(lax.dot_general(h, bw1[...], dn, preferred_element_type=f32) + bb1[...], 0.0)
    xb = jnp.maximum(lax.dot_general(h, bw2[...], dn, preferred_element_type=f32) + bb2[...], 0.0)
    t = jnp.concatenate([xb[:, None, :], ly_ref[...]], axis=1)
    acc = lax.dot_general(xb, w0x[...], dn, preferred_element_type=f32) + tb0[...]
    for n in range(1, NI):
        zn = jnp.sum(t * t[:, n:n + 1, :], axis=-1)
        acc = acc + lax.dot_general(zn, w0z[n - 1], dn, preferred_element_type=f32)
    h1 = jnp.maximum(acc, 0.0)
    h2 = jnp.maximum(lax.dot_general(h1, tw1[...], dn, preferred_element_type=f32) + tb1[...], 0.0)
    h3 = jnp.sum(h2 * tw2[...], axis=1, keepdims=True) + tb2[0, 0]
    out_ref[...] = 1.0 / (1.0 + jnp.exp(-h3))


def _full(a):
    return pl.BlockSpec(a.shape, lambda i, _r=a.ndim: (0,) * _r)


def _tc_forward(dense_x, ly3, *ws):
    in_specs = [
        pl.BlockSpec((BB, 13), lambda i: (i, 0)),
        pl.BlockSpec((BB, NT, D), lambda i: (i, 0, 0)),
    ] + [_full(w) for w in ws]
    return pl.pallas_call(
        _tc_body,
        grid=(B // BB,),
        in_specs=in_specs,
        out_specs=pl.BlockSpec((BB, 1), lambda i: (i, 0)),
        out_shape=jax.ShapeDtypeStruct((B, 1), jnp.float32),
    )(dense_x, ly3, *ws)


def kernel(dense_x, lS_o, lS_i, emb_tables,
           bot_w0, bot_b0, bot_w1, bot_b1, bot_w2, bot_b2,
           top_w0, top_b0, top_w1, top_b1, top_w2, top_b2):
    del lS_o
    tbl2 = emb_tables.reshape(NT, V // 2, 2 * D)
    idx3 = (lS_i // 2).reshape(32, (R // CH) // 32, CH)
    ly = _sc_gather()(tbl2, idx3, _oidx_pattern(32))
    ly3 = ly.reshape(B, NT, 2 * D)
    return jnp.sum(ly3, axis=(1, 2), keepdims=False)[:, None]

    nout = top_w0.shape[0]
    w0x = top_w0[:, :D]
    w0z = jnp.zeros((NT, nout, NI), jnp.float32).at[_LI - 1, :, _LJ].set(top_w0[:, D:].T)

    return _tc_forward(
        dense_x, ly3,
        bot_w0, bot_b0[None, :], bot_w1, bot_b1[None, :], bot_w2, bot_b2[None, :],
        w0x, w0z, top_b0[None, :], top_w1, top_b1[None, :], top_w2, top_b2[None, :],
    )

# --- scband reference (transcript-rebuilt; emitter-appended) ---
"""Pipeline reference for scband-dlrm-net-25048249270804 (READ-ONLY COPY).

The authoritative reference and input builder live on the scoring server;
editing this copy changes nothing except your own understanding.
"""

import jax, jax.numpy as jnp
import numpy as np

B = 4096
NT = 26
V = 100000
D = 64
LN_BOT = [13, 512, 256, 64]
LN_TOP = [415, 512, 256, 1]


def _init_mlp(key, dims):
    Ws, bs = [], []
    for i in range(len(dims) - 1):
        n, m = dims[i], dims[i + 1]
        key, k1, k2 = jax.random.split(key, 3)
        Ws.append(jax.random.normal(k1, (m, n), dtype=jnp.float32) * np.sqrt(2.0 / (m + n)))
        bs.append(jax.random.normal(k2, (m,), dtype=jnp.float32) * np.sqrt(1.0 / m))
    return Ws, bs


def setup_inputs(seed: int = 0):
    key = jax.random.key(seed)
    k = jax.random.split(key, 6)
    dense_x = jax.random.normal(k[0], (B, 13), dtype=jnp.float32)
    lS_i = jax.random.randint(k[1], (NT, B), 0, V, dtype=jnp.int32)
    # EmbeddingBag offsets: one index per bag per table -> per-row arange
    lS_o = jnp.tile(jnp.arange(B, dtype=jnp.int32), (NT, 1))
    bound = np.sqrt(1.0 / V)
    emb_tables = jax.random.uniform(k[2], (NT, V, D), minval=-bound, maxval=bound, dtype=jnp.float32)
    bot_Ws, bot_bs = _init_mlp(k[3], LN_BOT)
    top_Ws, top_bs = _init_mlp(k[4], LN_TOP)
    inp = {"dense_x": dense_x, "lS_o": lS_o, "lS_i": lS_i, "emb_tables": emb_tables}
    for i in range(3):
        inp["bot_w%d" % i] = bot_Ws[i]
        inp["bot_b%d" % i] = bot_bs[i]
        inp["top_w%d" % i] = top_Ws[i]
        inp["top_b%d" % i] = top_bs[i]
    return inp


def _mlp(x, Ws, bs, sigmoid_layer):
    for i, (W, b) in enumerate(zip(Ws, bs)):
        x = x @ W.T + b
        if i == sigmoid_layer:
            x = jax.nn.sigmoid(x)
        else:
            x = jax.nn.relu(x)
    return x


def _apply_emb(emb_tables, lS_o, lS_i):
    # Faithful EmbeddingBag(mode='sum'): gather rows then segment-sum by bag id derived from offsets
    def one(table, offsets, indices):
        vals = table[indices]
        bag = jnp.searchsorted(offsets, jnp.arange(indices.shape[0]), side='right') - 1
        return jax.ops.segment_sum(vals, bag, num_segments=offsets.shape[0])
    return jax.vmap(one)(emb_tables, lS_o, lS_i)


def _forward(dense_x, lS_o, lS_i, emb_tables, bot_Ws, bot_bs, top_Ws, top_bs):
    x = _mlp(dense_x, bot_Ws, bot_bs, -1)
    ly = _apply_emb(emb_tables, lS_o, lS_i)  # [NT, B, D]
    T = jnp.concatenate([x[:, None, :], jnp.transpose(ly, (1, 0, 2))], axis=1)  # [B, 27, D]
    Z = jnp.einsum('bnd,bmd->bnm', T, T)
    ni = T.shape[1]
    li = np.array([i for i in range(ni) for j in range(i)])
    lj = np.array([j for i in range(ni) for j in range(i)])
    Zflat = Z[:, li, lj]
    R = jnp.concatenate([x, Zflat], axis=1)  # [B, 415]
    p = _mlp(R, top_Ws, top_bs, len(top_Ws) - 1)
    return p


def reference(dense_x, lS_o, lS_i, emb_tables, bot_w0, bot_b0, bot_w1, bot_b1, bot_w2, bot_b2, top_w0, top_b0, top_w1, top_b1, top_w2, top_b2):
    return _forward(dense_x, lS_o, lS_i, emb_tables,
                    [bot_w0, bot_w1, bot_w2], [bot_b0, bot_b1, bot_b2],
                    [top_w0, top_w1, top_w2], [top_b0, top_b1, top_b2])

if __name__ == "__main__":
    import jax
    _d = setup_inputs()
    print(jax.jit(kernel)(*tuple(_d.values())))

</pallas_src>

<mosaic_0001>
#map = affine_map<(d0, d1) -> (0, 0, 0)>
#map1 = affine_map<(d0, d1) -> (0, 0)>
module attributes {stable_mosaic.version = 14 : i64} {
  func.func @body(%arg0: i32, %arg1: i32, %arg2: memref<26x50000x128xf32, #tpu.memory_space<hbm>>, %arg3: memref<32x26x128xi32, #tpu.memory_space<hbm>>, %arg4: memref<32x26x128xi32, #tpu.memory_space<hbm>>, %arg5: memref<106496x128xf32, #tpu.memory_space<hbm>>, %arg6: memref<26x128xi32, #tpu.memory_space<vmem>>, %arg7: memref<26x128xi32, #tpu.memory_space<vmem>>, %arg8: memref<128x128xf32, #tpu.memory_space<vmem>>, %arg9: memref<!tpu.dma_semaphore, #tpu.memory_space<semaphore_mem>>, %arg10: memref<!tpu.dma_semaphore, #tpu.memory_space<semaphore_mem>>) attributes {dimension_semantics = [#tpu.dimension_semantics<core_parallel>, #tpu.dimension_semantics<subcore_parallel>], iteration_bounds = array<i64: 2, 16>, scalar_prefetch = 0 : i64, scratch_operands = 5 : i64, tpu.core_type = #tpu.core_type<sc_vector_subcore>, window_params = [{transform_indices = #map}, {transform_indices = #map}, {transform_indices = #map}, {transform_indices = #map1}]} {
    %mul3A = arith.constant 2 : i32
    %mul3A_0 = arith.muli %arg1, %mul3A : i32
    %add3A = arith.addi %mul3A_0, %arg0 : i32
    "tpu.region"() ({
      %run_scoped3A = tpu.sem_alloc : memref<!tpu.dma_semaphore, #tpu.memory_space<semaphore_mem>>
      %dma_start3A_1655 = arith.constant 0 : i32
      %dma_start3A_1656 = arith.constant 0 : i32
      %dma_start3A_1657 = tpu.memref_slice %arg3[%add3A, %dma_start3A_1655, %dma_start3A_1656] : memref<32x26x128xi32, #tpu.memory_space<hbm>> -> memref<1x26x128xi32, #tpu.memory_space<hbm>>
      %dma_start3A_1658 = tpu.memref_squeeze %dma_start3A_1657 : memref<1x26x128xi32, #tpu.memory_space<hbm>> -> memref<26x128xi32, #tpu.memory_space<hbm>>
      %dma_start3A_1659 = arith.constant 0 : i32
      %dma_start3A_1660 = arith.constant 0 : i32
      %dma_start3A_1661 = tpu.memref_slice %arg3[%add3A, %dma_start3A_1659, %dma_start3A_1660] : memref<32x26x128xi32, #tpu.memory_space<hbm>> -> memref<1x26x128xi32, #tpu.memory_space<hbm>>
      %dma_start3A_1662 = tpu.memref_squeeze %dma_start3A_1661 : memref<1x26x128xi32, #tpu.memory_space<hbm>> -> memref<26x128xi32, #tpu.memory_space<hbm>>
      tpu.enqueue_dma source(%dma_start3A_1662 : memref<26x128xi32, #tpu.memory_space<hbm>>) target(%arg6 : memref<26x128xi32, #tpu.memory_space<vmem>>) target_semaphore(%run_scoped3A : memref<!tpu.dma_semaphore, #tpu.memory_space<semaphore_mem>>)
      %dma_wait3A_1663 = arith.constant 0 : i32
      %dma_wait3A_1664 = arith.constant 0 : i32
      %dma_wait3A_1665 = tpu.memref_slice %arg3[%add3A, %dma_wait3A_1663, %dma_wait3A_1664] : memref<32x26x128xi32, #tpu.memory_space<hbm>> -> memref<1x26x128xi32, #tpu.memory_space<hbm>>
      %dma_wait3A_1666 = tpu.memref_squeeze %dma_wait3A_1665 : memref<1x26x128xi32, #tpu.memory_space<hbm>> -> memref<26x128xi32, #tpu.memory_space<hbm>>
      %dma_wait3A_1667 = arith.constant 0 : i32
      %dma_wait3A_1668 = arith.constant 0 : i32
      %dma_wait3A_1669 = tpu.memref_slice %arg3[%add3A, %dma_wait3A_1667, %dma_wait3A_1668] : memref<32x26x128xi32, #tpu.memory_space<hbm>> -> memref<1x26x128xi32, #tpu.memory_space<hbm>>
      %dma_wait3A_1670 = tpu.memref_squeeze %dma_wait3A_1669 : memref<1x26x128xi32, #tpu.memory_space<hbm>> -> memref<26x128xi32, #tpu.memory_space<hbm>>
      tpu.wait_dma2 semaphore(%run_scoped3A : memref<!tpu.dma_semaphore, #tpu.memory_space<semaphore_mem>>) src(%dma_wait3A_1670 : memref<26x128xi32, #tpu.memory_space<hbm>>) dst(%arg6 : memref<26x128xi32, #tpu.memory_space<vmem>>)
      tpu.yield
    }) : () -> ()
    "tpu.region"() ({
      %run_scoped3A = tpu.sem_alloc : memref<!tpu.dma_semaphore, #tpu.memory_space<semaphore_mem>>
      %dma_start3A_1655 = arith.constant 0 : i32
      %dma_start3A_1656 = arith.constant 0 : i32
      %dma_start3A_1657 = tpu.memref_slice %arg4[%add3A, %dma_start3A_1655, %dma_start3A_1656] : memref<32x26x128xi32, #tpu.memory_space<hbm>> -> memref<1x26x128xi32, #tpu.memory_space<hbm>>
      %dma_start3A_1658 = tpu.memref_squeeze %dma_start3A_1657 : memref<1x26x128xi32, #tpu.memory_space<hbm>> -> memref<26x128xi32, #tpu.memory_space<hbm>>
      %dma_start3A_1659 = arith.constant 0 : i32
      %dma_start3A_1660 = arith.constant 0 : i32
      %dma_start3A_1661 = tpu.memref_slice %arg4[%add3A, %dma_start3A_1659, %dma_start3A_1660] : memref<32x26x128xi32, #tpu.memory_space<hbm>> -> memref<1x26x128xi32, #tpu.memory_space<hbm>>
      %dma_start3A_1662 = tpu.memref_squeeze %dma_start3A_1661 : memref<1x26x128xi32, #tpu.memory_space<hbm>> -> memref<26x128xi32, #tpu.memory_space<hbm>>
      tpu.enqueue_dma source(%dma_start3A_1662 : memref<26x128xi32, #tpu.memory_space<hbm>>) target(%arg7 : memref<26x128xi32, #tpu.memory_space<vmem>>) target_semaphore(%run_scoped3A : memref<!tpu.dma_semaphore, #tpu.memory_space<semaphore_mem>>)
      %dma_wait3A_1663 = arith.constant 0 : i32
      %dma_wait3A_1664 = arith.constant 0 : i32
      %dma_wait3A_1665 = tpu.memref_slice %arg4[%add3A, %dma_wait3A_1663, %dma_wait3A_1664] : memref<32x26x128xi32, #tpu.memory_space<hbm>> -> memref<1x26x128xi32, #tpu.memory_space<hbm>>
      %dma_wait3A_1666 = tpu.memref_squeeze %dma_wait3A_1665 : memref<1x26x128xi32, #tpu.memory_space<hbm>> -> memref<26x128xi32, #tpu.memory_space<hbm>>
      %dma_wait3A_1667 = arith.constant 0 : i32
      %dma_wait3A_1668 = arith.constant 0 : i32
      %dma_wait3A_1669 = tpu.memref_slice %arg4[%add3A, %dma_wait3A_1667, %dma_wait3A_1668] : memref<32x26x128xi32, #tpu.memory_space<hbm>> -> memref<1x26x128xi32, #tpu.memory_space<hbm>>
      %dma_wait3A_1670 = tpu.memref_squeeze %dma_wait3A_1669 : memref<1x26x128xi32, #tpu.memory_space<hbm>> -> memref<26x128xi32, #tpu.memory_space<hbm>>
      tpu.wait_dma2 semaphore(%run_scoped3A : memref<!tpu.dma_semaphore, #tpu.memory_space<semaphore_mem>>) src(%dma_wait3A_1670 : memref<26x128xi32, #tpu.memory_space<hbm>>) dst(%arg7 : memref<26x128xi32, #tpu.memory_space<vmem>>)
      tpu.yield
    }) : () -> ()
    %mul3A_1 = arith.constant 26 : i32
    %mul3A_2 = arith.muli %add3A, %mul3A_1 : i32
    %add3A_3 = arith.constant 0 : i32
    %add3A_4 = arith.addi %mul3A_2, %add3A_3 : i32
    %jit3A = arith.constant 32 : i32
    %div3A = arith.divsi %add3A_4, %jit3A : i32
    %sign3A = arith.constant 0 : i32
    %sign3A_5 = arith.cmpi sgt, %add3A_4, %sign3A : i32
    %sign3A_6 = arith.extui %sign3A_5 : i1 to i32
    %sign3A_7 = arith.constant 0 : i32
    %sign3A_8 = arith.cmpi slt, %add3A_4, %sign3A_7 : i32
    %sign3A_9 = arith.extui %sign3A_8 : i1 to i32
    %sign3A_10 = arith.subi %sign3A_6, %sign3A_9 : i32
    %sign3A_11 = arith.constant 0 : i32
    %sign3A_12 = arith.cmpi sgt, %jit3A, %sign3A_11 : i32
    %sign3A_13 = arith.extui %sign3A_12 : i1 to i32
    %sign3A_14 = arith.constant 0 : i32
    %sign3A_15 = arith.cmpi slt, %jit3A, %sign3A_14 : i32
    %sign3A_16 = arith.extui %sign3A_15 : i1 to i32
    %sign3A_17 = arith.subi %sign3A_13, %sign3A_16 : i32
    %ne3A = arith.cmpi ne, %sign3A_10, %sign3A_17 : i32
    %rem3A = arith.remsi %add3A_4, %jit3A : i32
    %ne3A_18 = arith.constant 0 : i32
    %ne3A_19 = arith.cmpi ne, %rem3A, %ne3A_18 : i32
    %and3A = arith.andi %ne3A, %ne3A_19 : i1
    %sub3A = arith.constant 1 : i32
    %sub3A_20 = arith.subi %div3A, %sub3A : i32
    %select_n3A = arith.select %and3A, %sub3A_20, %div3A : i32
    %dma_start3A = arith.constant 0 : i32
    %dma_start3A_21 = arith.constant 0 : i32
    %dma_start3A_22 = tpu.memref_slice %arg6[%dma_start3A, %dma_start3A_21] : memref<26x128xi32, #tpu.memory_space<vmem>> -> memref<1x128xi32, #tpu.memory_space<vmem>>
    %dma_start3A_23 = tpu.memref_squeeze %dma_start3A_22 : memref<1x128xi32, #tpu.memory_space<vmem>> -> memref<128xi32, #tpu.memory_space<vmem>>
    %dma_start3A_24 = arith.constant 0 : i32
    %dma_start3A_25 = arith.constant 0 : i32
    %dma_start3A_26 = tpu.memref_slice %arg2[%select_n3A, %dma_start3A_24, %dma_start3A_25] : memref<26x50000x128xf32, #tpu.memory_space<hbm>> -> memref<1x50000x128xf32, #tpu.memory_space<hbm>>
    %dma_start3A_27 = tpu.memref_squeeze %dma_start3A_26 : memref<1x50000x128xf32, #tpu.memory_space<hbm>> -> memref<50000x128xf32, #tpu.memory_space<hbm>>
    %dma_start3A_28 = arith.constant 0 : i32
    %dma_start3A_29 = arith.constant 0 : i32
    %dma_start3A_30 = tpu.memref_slice %dma_start3A_27[%dma_start3A_28, %dma_start3A_29] : memref<50000x128xf32, #tpu.memory_space<hbm>> -> memref<50000x128xf32, #tpu.memory_space<hbm>>
    tpu.enqueue_indirect_dma source(%dma_start3A_30 : memref<50000x128xf32, #tpu.memory_space<hbm>>) target(%arg8 : memref<128x128xf32, #tpu.memory_space<vmem>>) offsets(%dma_start3A_23 : memref<128xi32, #tpu.memory_space<vmem>>) semaphore(%arg9 : memref<!tpu.dma_semaphore, #tpu.memory_space<semaphore_mem>>)
    %dma_wait3A = arith.constant 0 : i32
    %dma_wait3A_31 = arith.constant 0 : i32
    %dma_wait3A_32 = tpu.memref_slice %arg6[%dma_wait3A, %dma_wait3A_31] : memref<26x128xi32, #tpu.memory_space<vmem>> -> memref<1x128xi32, #tpu.memory_space<vmem>>
    %dma_wait3A_33 = tpu.memref_squeeze %dma_wait3A_32 : memref<1x128xi32, #tpu.memory_space<vmem>> -> memref<128xi32, #tpu.memory_space<vmem>>
    %dma_wait3A_34 = arith.constant 0 : i32
    %dma_wait3A_35 = arith.constant 0 : i32
    %dma_wait3A_36 = tpu.memref_slice %arg2[%select_n3A, %dma_wait3A_34, %dma_wait3A_35] : memref<26x50000x128xf32, #tpu.memory_space<hbm>> -> memref<1x50000x128xf32, #tpu.memory_space<hbm>>
    %dma_wait3A_37 = tpu.memref_squeeze %dma_wait3A_36 : memref<1x50000x128xf32, #tpu.memory_space<hbm>> -> memref<50000x128xf32, #tpu.memory_space<hbm>>
    %dma_wait3A_38 = arith.constant 0 : i32
    %dma_wait3A_39 = arith.constant 0 : i32
    %dma_wait3A_40 = tpu.memref_slice %dma_wait3A_37[%dma_wait3A_38, %dma_wait3A_39] : memref<50000x128xf32, #tpu.memory_space<hbm>> -> memref<50000x128xf32, #tpu.memory_space<hbm>>
    tpu.wait_indirect_dma semaphore(%arg9 : memref<!tpu.dma_semaphore, #tpu.memory_space<semaphore_mem>>) src(%dma_wait3A_40 : memref<50000x128xf32, #tpu.memory_space<hbm>>) dst(%arg8 : memref<128x128xf32, #tpu.memory_space<vmem>>)
    %dma_start3A_41 = arith.constant 0 : i32
    %dma_start3A_42 = arith.constant 0 : i32
    %dma_start3A_43 = tpu.memref_slice %arg7[%dma_start3A_41, %dma_start3A_42] : memref<26x128xi32, #tpu.memory_space<vmem>> -> memref<1x128xi32, #tpu.memory_space<vmem>>
    %dma_start3A_44 = tpu.memref_squeeze %dma_start3A_43 : memref<1x128xi32, #tpu.memory_space<vmem>> -> memref<128xi32, #tpu.memory_space<vmem>>
    %dma_start3A_45 = arith.constant 0 : i32
    %dma_start3A_46 = arith.constant 0 : i32
    %dma_start3A_47 = tpu.memref_slice %arg5[%dma_start3A_45, %dma_start3A_46] : memref<106496x128xf32, #tpu.memory_space<hbm>> -> memref<106496x128xf32, #tpu.memory_space<hbm>>
    tpu.enqueue_indirect_dma source(%arg8 : memref<128x128xf32, #tpu.memory_space<vmem>>) target(%dma_start3A_47 : memref<106496x128xf32, #tpu.memory_space<hbm>>) offsets(%dma_start3A_44 : memref<128xi32, #tpu.memory_space<vmem>>) semaphore(%arg10 : memref<!tpu.dma_semaphore, #tpu.memory_space<semaphore_mem>>)
    %dma_wait3A_48 = arith.constant 0 : i32
    %dma_wait3A_49 = arith.constant 0 : i32
    %dma_wait3A_50 = tpu.memref_slice %arg7[%dma_wait3A_48, %dma_wait3A_49] : memref<26x128xi32, #tpu.memory_space<vmem>> -> memref<1x128xi32, #tpu.memory_space<vmem>>
    %dma_wait3A_51 = tpu.memref_squeeze %dma_wait3A_50 : memref<1x128xi32, #tpu.memory_space<vmem>> -> memref<128xi32, #tpu.memory_space<vmem>>
    %dma_wait3A_52 = arith.constant 0 : i32
    %dma_wait3A_53 = arith.constant 0 : i32
    %dma_wait3A_54 = tpu.memref_slice %arg5[%dma_wait3A_52, %dma_wait3A_53] : memref<106496x128xf32, #tpu.memory_space<hbm>> -> memref<106496x128xf32, #tpu.memory_space<hbm>>
    tpu.wait_indirect_dma semaphore(%arg10 : memref<!tpu.dma_semaphore, #tpu.memory_space<semaphore_mem>>) src(%arg8 : memref<128x128xf32, #tpu.memory_space<vmem>>) dst(%dma_wait3A_54 : memref<106496x128xf32, #tpu.memory_space<hbm>>)
    %mul3A_55 = arith.constant 26 : i32
    %mul3A_56 = arith.muli %add3A, %mul3A_55 : i32
    %add3A_57 = arith.constant 1 : i32
    %add3A_58 = arith.addi %mul3A_56, %add3A_57 : i32
    %jit3A_59 = arith.constant 32 : i32
    %div3A_60 = arith.divsi %add3A_58, %jit3A_59 : i32
    %sign3A_61 = arith.constant 0 : i32
    %sign3A_62 = arith.cmpi sgt, %add3A_58, %sign3A_61 : i32
    %sign3A_63 = arith.extui %sign3A_62 : i1 to i32
    %sign3A_64 = arith.constant 0 : i32
    %sign3A_65 = arith.cmpi slt, %add3A_58, %sign3A_64 : i32
    %sign3A_66 = arith.extui %sign3A_65 : i1 to i32
    %sign3A_67 = arith.subi %sign3A_63, %sign3A_66 : i32
    %sign3A_68 = arith.constant 0 : i32
    %sign3A_69 = arith.cmpi sgt, %jit3A_59, %sign3A_68 : i32
    %sign3A_70 = arith.extui %sign3A_69 : i1 to i32
    %sign3A_71 = arith.constant 0 : i32
    %sign3A_72 = arith.cmpi slt, %jit3A_59, %sign3A_71 : i32
    %sign3A_73 = arith.extui %sign3A_72 : i1 to i32
    %sign3A_74 = arith.subi %sign3A_70, %sign3A_73 : i32
    %ne3A_75 = arith.cmpi ne, %sign3A_67, %sign3A_74 : i32
    %rem3A_76 = arith.remsi %add3A_58, %jit3A_59 : i32
    %ne3A_77 = arith.constant 0 : i32
    %ne3A_78 = arith.cmpi ne, %rem3A_76, %ne3A_77 : i32
    %and3A_79 = arith.andi %ne3A_75, %ne3A_78 : i1
    %sub3A_80 = arith.constant 1 : i32
    %sub3A_81 = arith.subi %div3A_60, %sub3A_80 : i32
    %select_n3A_82 = arith.select %and3A_79, %sub3A_81, %div3A_60 : i32
    %dma_start3A_83 = arith.constant 1 : i32
    %dma_start3A_84 = arith.constant 0 : i32
    %dma_start3A_85 = tpu.memref_slice %arg6[%dma_start3A_83, %dma_start3A_84] : memref<26x128xi32, #tpu.memory_space<vmem>> -> memref<1x128xi32, #tpu.memory_space<vmem>>
    %dma_start3A_86 = tpu.memref_squeeze %dma_start3A_85 : memref<1x128xi32, #tpu.memory_space<vmem>> -> memref<128xi32, #tpu.memory_space<vmem>>
    %dma_start3A_87 = arith.constant 0 : i32
    %dma_start3A_88 = arith.constant 0 : i32
    %dma_start3A_89 = tpu.memref_slice %arg2[%select_n3A_82, %dma_start3A_87, %dma_start3A_88] : memref<26x50000x128xf32, #tpu.memory_space<hbm>> -> memref<1x50000x128xf32, #tpu.memory_space<hbm>>
    %dma_start3A_90 = tpu.memref_squeeze %dma_start3A_89 : memref<1x50000x128xf32, #tpu.memory_space<hbm>> -> memref<50000x128xf32, #tpu.memory_space<hbm>>
    %dma_start3A_91 = arith.constant 0 : i32
    %dma_start3A_92 = arith.constant 0 : i32
    %dma_start3A_93 = tpu.memref_slice %dma_start3A_90[%dma_start3A_91, %dma_start3A_92] : memref<50000x128xf32, #tpu.memory_space<hbm>> -> memref<50000x128xf32, #tpu.memory_space<hbm>>
    tpu.enqueue_indirect_dma source(%dma_start3A_93 : memref<50000x128xf32, #tpu.memory_space<hbm>>) target(%arg8 : memref<128x128xf32, #tpu.memory_space<vmem>>) offsets(%dma_start3A_86 : memref<128xi32, #tpu.memory_space<vmem>>) semaphore(%arg9 : memref<!tpu.dma_semaphore, #tpu.memory_space<semaphore_mem>>)
    %dma_wait3A_94 = arith.constant 1 : i32
    %dma_wait3A_95 = arith.constant 0 : i32
    %dma_wait3A_96 = tpu.memref_slice %arg6[%dma_wait3A_94, %dma_wait3A_95] : memref<26x128xi32, #tpu.memory_space<vmem>> -> memref<1x128xi32, #tpu.memory_space<vmem>>
    %dma_wait3A_97 = tpu.memref_squeeze %dma_wait3A_96 : memref<1x128xi32, #tpu.memory_space<vmem>> -> memref<128xi32, #tpu.memory_space<vmem>>
    %dma_wait3A_98 = arith.constant 0 : i32
    %dma_wait3A_99 = arith.constant 0 : i32
    %dma_wait3A_100 = tpu.memref_slice %arg2[%select_n3A_82, %dma_wait3A_98, %dma_wait3A_99] : memref<26x50000x128xf32, #tpu.memory_space<hbm>> -> memref<1x50000x128xf32, #tpu.memory_space<hbm>>
    %dma_wait3A_101 = tpu.memref_squeeze %dma_wait3A_100 : memref<1x50000x128xf32, #tpu.memory_space<hbm>> -> memref<50000x128xf32, #tpu.memory_space<hbm>>
    %dma_wait3A_102 = arith.constant 0 : i32
    %dma_wait3A_103 = arith.constant 0 : i32
    %dma_wait3A_104 = tpu.memref_slice %dma_wait3A_101[%dma_wait3A_102, %dma_wait3A_103] : memref<50000x128xf32, #tpu.memory_space<hbm>> -> memref<50000x128xf32, #tpu.memory_space<hbm>>
    tpu.wait_indirect_dma semaphore(%arg9 : memref<!tpu.dma_semaphore, #tpu.memory_space<semaphore_mem>>) src(%dma_wait3A_104 : memref<50000x128xf32, #tpu.memory_space<hbm>>) dst(%arg8 : memref<128x128xf32, #tpu.memory_space<vmem>>)
    %dma_start3A_105 = arith.constant 1 : i32
    %dma_start3A_106 = arith.constant 0 : i32
    %dma_start3A_107 = tpu.memref_slice %arg7[%dma_start3A_105, %dma_start3A_106] : memref<26x128xi32, #tpu.memory_space<vmem>> -> memref<1x128xi32, #tpu.memory_space<vmem>>
    %dma_start3A_108 = tpu.memref_squeeze %dma_start3A_107 : memref<1x128xi32, #tpu.memory_space<vmem>> -> memref<128xi32, #tpu.memory_space<vmem>>
    %dma_start3A_109 = arith.constant 0 : i32
    %dma_start3A_110 = arith.constant 0 : i32
    %dma_start3A_111 = tpu.memref_slice %arg5[%dma_start3A_109, %dma_start3A_110] : memref<106496x128xf32, #tpu.memory_space<hbm>> -> memref<106496x128xf32, #tpu.memory_space<hbm>>
    tpu.enqueue_indirect_dma source(%arg8 : memref<128x128xf32, #tpu.memory_space<vmem>>) target(%dma_start3A_111 : memref<106496x128xf32, #tpu.memory_space<hbm>>) offsets(%dma_start3A_108 : memref<128xi32, #tpu.memory_space<vmem>>) semaphore(%arg10 : memref<!tpu.dma_semaphore, #tpu.memory_space<semaphore_mem>>)
    %dma_wait3A_112 = arith.constant 1 : i32
    %dma_wait3A_113 = arith.constant 0 : i32
    %dma_wait3A_114 = tpu.memref_slice %arg7[%dma_wait3A_112, %dma_wait3A_113] : memref<26x128xi32, #tpu.memory_space<vmem>> -> memref<1x128xi32, #tpu.memory_space<vmem>>
    %dma_wait3A_115 = tpu.memref_squeeze %dma_wait3A_114 : memref<1x128xi32, #tpu.memory_space<vmem>> -> memref<128xi32, #tpu.memory_space<vmem>>
    %dma_wait3A_116 = arith.constant 0 : i32
    %dma_wait3A_117 = arith.constant 0 : i32
    %dma_wait3A_118 = tpu.memref_slice %arg5[%dma_wait3A_116, %dma_wait3A_117] : memref<106496x128xf32, #tpu.memory_space<hbm>> -> memref<106496x128xf32, #tpu.memory_space<hbm>>
    tpu.wait_indirect_dma semaphore(%arg10 : memref<!tpu.dma_semaphore, #tpu.memory_space<semaphore_mem>>) src(%arg8 : memref<128x128xf32, #tpu.memory_space<vmem>>) dst(%dma_wait3A_118 : memref<106496x128xf32, #tpu.memory_space<hbm>>)
    %mul3A_119 = arith.constant 26 : i32
    %mul3A_120 = arith.muli %add3A, %mul3A_119 : i32
    %add3A_121 = arith.constant 2 : i32
    %add3A_122 = arith.addi %mul3A_120, %add3A_121 : i32
    %jit3A_123 = arith.constant 32 : i32
    %div3A_124 = arith.divsi %add3A_122, %jit3A_123 : i32
    %sign3A_125 = arith.constant 0 : i32
    %sign3A_126 = arith.cmpi sgt, %add3A_122, %sign3A_125 : i32
    %sign3A_127 = arith.extui %sign3A_126 : i1 to i32
    %sign3A_128 = arith.constant 0 : i32
    %sign3A_129 = arith.cmpi slt, %add3A_122, %sign3A_128 : i32
    %sign3A_130 = arith.extui %sign3A_129 : i1 to i32
    %sign3A_131 = arith.subi %sign3A_127, %sign3A_130 : i32
    %sign3A_132 = arith.constant 0 : i32
    %sign3A_133 = arith.cmpi sgt, %jit3A_123, %sign3A_132 : i32
    %sign3A_134 = arith.extui %sign3A_133 : i1 to i32
    %sign3A_135 = arith.constant 0 : i32
    %sign3A_136 = arith.cmpi slt, %jit3A_123, %sign3A_135 : i32
    %sign3A_137 = arith.extui %sign3A_136 : i1 to i32
    %sign3A_138 = arith.subi %sign3A_134, %sign3A_137 : i32
    %ne3A_139 = arith.cmpi ne, %sign3A_131, %sign3A_138 : i32
    %rem3A_140 = arith.remsi %add3A_122, %jit3A_123 : i32
    %ne3A_141 = arith.constant 0 : i32
    %ne3A_142 = arith.cmpi ne, %rem3A_140, %ne3A_141 : i32
    %and3A_143 = arith.andi %ne3A_139, %ne3A_142 : i1
    %sub3A_144 = arith.constant 1 : i32
    %sub3A_145 = arith.subi %div3A_124, %sub3A_144 : i32
    %select_n3A_146 = arith.select %and3A_143, %sub3A_145, %div3A_124 : i32
    %dma_start3A_147 = arith.constant 2 : i32
    %dma_start3A_148 = arith.constant 0 : i32
    %dma_start3A_149 = tpu.memref_slice %arg6[%dma_start3A_147, %dma_start3A_148] : memref<26x128xi32, #tpu.memory_space<vmem>> -> memref<1x128xi32, #tpu.memory_space<vmem>>
    %dma_start3A_150 = tpu.memref_squeeze %dma_start3A_149 : memref<1x128xi32, #tpu.memory_space<vmem>> -> memref<128xi32, #tpu.memory_space<vmem>>
    %dma_start3A_151 = arith.constant 0 : i32
    %dma_start3A_152 = arith.constant 0 : i32
    %dma_start3A_153 = tpu.memref_slice %arg2[%select_n3A_146, %dma_start3A_151, %dma_start3A_152] : memref<26x50000x128xf32, #tpu.memory_space<hbm>> -> memref<1x50000x128xf32, #tpu.memory_space<hbm>>
    %dma_start3A_154 = tpu.memref_squeeze %dma_start3A_153 : memref<1x50000x128xf32, #tpu.memory_space<hbm>> -> memref<50000x128xf32, #tpu.memory_space<hbm>>
    %dma_start3A_155 = arith.constant 0 : i32
    %dma_start3A_156 = arith.constant 0 : i32
    %dma_start3A_157 = tpu.memref_slice %dma_start3A_154[%dma_start3A_155, %dma_start3A_156] : memref<50000x128xf32, #tpu.memory_space<hbm>> -> memref<50000x128xf32, #tpu.memory_space<hbm>>
    tpu.enqueue_indirect_dma source(%dma_start3A_157 : memref<50000x128xf32, #tpu.memory_space<hbm>>) target(%arg8 : memref<128x128xf32, #tpu.memory_space<vmem>>) offsets(%dma_start3A_150 : memref<128xi32, #tpu.memory_space<vmem>>) semaphore(%arg9 : memref<!tpu.dma_semaphore, #tpu.memory_space<semaphore_mem>>)
    %dma_wait3A_158 = arith.constant 2 : i32
    %dma_wait3A_159 = arith.constant 0 : i32
    %dma_wait3A_160 = tpu.memref_slice %arg6[%dma_wait3A_158, %dma_wait3A_159] : memref<26x128xi32, #tpu.memory_space<vmem>> -> memref<1x128xi32, #tpu.memory_space<vmem>>
    %dma_wait3A_161 = tpu.memref_squeeze %dma_wait3A_160 : memref<1x128xi32, #tpu.memory_space<vmem>> -> memref<128xi32, #tpu.memory_space<vmem>>
    %dma_wait3A_162 = arith.constant 0 : i32
    %dma_wait3A_163 = arith.constant 0 : i32
    %dma_wait3A_164 = tpu.memref_slice %arg2[%select_n3A_146, %dma_wait3A_162, %dma_wait3A_163] : memref<26x50000x128xf32, #tpu.memory_space<hbm>> -> memref<1x50000x128xf32, #tpu.memory_space<hbm>>
    %dma_wait3A_165 = tpu.memref_squeeze %dma_wait3A_164 : memref<1x50000x128xf32, #tpu.memory_space<hbm>> -> memref<50000x128xf32, #tpu.memory_space<hbm>>
    %dma_wait3A_166 = arith.constant 0 : i32
    %dma_wait3A_167 = arith.constant 0 : i32
    %dma_wait3A_168 = tpu.memref_slice %dma_wait3A_165[%dma_wait3A_166, %dma_wait3A_167] : memref<50000x128xf32, #tpu.memory_space<hbm>> -> memref<50000x128xf32, #tpu.memory_space<hbm>>
    tpu.wait_indirect_dma semaphore(%arg9 : memref<!tpu.dma_semaphore, #tpu.memory_space<semaphore_mem>>) src(%dma_wait3A_168 : memref<50000x128xf32, #tpu.memory_space<hbm>>) dst(%arg8 : memref<128x128xf32, #tpu.memory_space<vmem>>)
    %dma_start3A_169 = arith.constant 2 : i32
    %dma_start3A_170 = arith.constant 0 : i32
    %dma_start3A_171 = tpu.memref_slice %arg7[%dma_start3A_169, %dma_start3A_170] : memref<26x128xi32, #tpu.memory_space<vmem>> -> memref<1x128xi32, #tpu.memory_space<vmem>>
    %dma_start3A_172 = tpu.memref_squeeze %dma_start3A_171 : memref<1x128xi32, #tpu.memory_space<vmem>> -> memref<128xi32, #tpu.memory_space<vmem>>
    %dma_start3A_173 = arith.constant 0 : i32
    %dma_start3A_174 = arith.constant 0 : i32
    %dma_start3A_175 = tpu.memref_slice %arg5[%dma_start3A_173, %dma_start3A_174] : memref<106496x128xf32, #tpu.memory_space<hbm>> -> memref<106496x128xf32, #tpu.memory_space<hbm>>
    tpu.enqueue_indirect_dma source(%arg8 : memref<128x128xf32, #tpu.memory_space<vmem>>) target(%dma_start3A_175 : memref<106496x128xf32, #tpu.memory_space<hbm>>) offsets(%dma_start3A_172 : memref<128xi32, #tpu.memory_space<vmem>>) semaphore(%arg10 : memref<!tpu.dma_semaphore, #tpu.memory_space<semaphore_mem>>)
    %dma_wait3A_176 = arith.constant 2 : i32
    %dma_wait3A_177 = arith.constant 0 : i32
    %dma_wait3A_178 = tpu.memref_slice %arg7[%dma_wait3A_176, %dma_wait3A_177] : memref<26x128xi32, #tpu.memory_space<vmem>> -> memref<1x128xi32, #tpu.memory_space<vmem>>
    %dma_wait3A_179 = tpu.memref_squeeze %dma_wait3A_178 : memref<1x128xi32, #tpu.memory_space<vmem>> -> memref<128xi32, #tpu.memory_space<vmem>>
    %dma_wait3A_180 = arith.constant 0 : i32
    %dma_wait3A_181 = arith.constant 0 : i32
    %dma_wait3A_182 = tpu.memref_slice %arg5[%dma_wait3A_180, %dma_wait3A_181] : memref<106496x128xf32, #tpu.memory_space<hbm>> -> memref<106496x128xf32, #tpu.memory_space<hbm>>
    tpu.wait_indirect_dma semaphore(%arg10 : memref<!tpu.dma_semaphore, #tpu.memory_space<semaphore_mem>>) src(%arg8 : memref<128x128xf32, #tpu.memory_space<vmem>>) dst(%dma_wait3A_182 : memref<106496x128xf32, #tpu.memory_space<hbm>>)
    %mul3A_183 = arith.constant 26 : i32
    %mul3A_184 = arith.muli %add3A, %mul3A_183 : i32
    %add3A_185 = arith.constant 3 : i32
    %add3A_186 = arith.addi %mul3A_184, %add3A_185 : i32
    %jit3A_187 = arith.constant 32 : i32
    %div3A_188 = arith.divsi %add3A_186, %jit3A_187 : i32
    %sign3A_189 = arith.constant 0 : i32
    %sign3A_190 = arith.cmpi sgt, %add3A_186, %sign3A_189 : i32
    %sign3A_191 = arith.extui %sign3A_190 : i1 to i32
    %sign3A_192 = arith.constant 0 : i32
    %sign3A_193 = arith.cmpi slt, %add3A_186, %sign3A_192 : i32
    %sign3A_194 = arith.extui %sign3A_193 : i1 to i32
    %sign3A_195 = arith.subi %sign3A_191, %sign3A_194 : i32
    %sign3A_196 = arith.constant 0 : i32
    %sign3A_197 = arith.cmpi sgt, %jit3A_187, %sign3A_196 : i32
    %sign3A_198 = arith.extui %sign3A_197 : i1 to i32
    %sign3A_199 = arith.constant 0 : i32
    %sign3A_200 = arith.cmpi slt, %jit3A_187, %sign3A_199 : i32
    %sign3A_201 = arith.extui %sign3A_200 : i1 to i32
    %sign3A_202 = arith.subi %sign3A_198, %sign3A_201 : i32
    %ne3A_203 = arith.cmpi ne, %sign3A_195, %sign3A_202 : i32
    %rem3A_204 = arith.remsi %add3A_186, %jit3A_187 : i32
    %ne3A_205 = arith.constant 0 : i32
    %ne3A_206 = arith.cmpi ne, %rem3A_204, %ne3A_205 : i32
    %and3A_207 = arith.andi %ne3A_203, %ne3A_206 : i1
    %sub3A_208 = arith.constant 1 : i32
    %sub3A_209 = arith.subi %div3A_188, %sub3A_208 : i32
    %select_n3A_210 = arith.select %and3A_207, %sub3A_209, %div3A_188 : i32
    %dma_start3A_211 = arith.constant 3 : i32
    %dma_start3A_212 = arith.constant 0 : i32
    %dma_start3A_213 = tpu.memref_slice %arg6[%dma_start3A_211, %dma_start3A_212] : memref<26x128xi32, #tpu.memory_space<vmem>> -> memref<1x128xi32, #tpu.memory_space<vmem>>
    %dma_start3A_214 = tpu.memref_squeeze %dma_start3A_213 : memref<1x128xi32, #tpu.memory_space<vmem>> -> memref<128xi32, #tpu.memory_space<vmem>>
    %dma_start3A_215 = arith.constant 0 : i32
    %dma_start3A_216 = arith.constant 0 : i32
    %dma_start3A_217 = tpu.memref_slice %arg2[%select_n3A_210, %dma_start3A_215, %dma_start3A_216] : memref<26x50000x128xf32, #tpu.memory_space<hbm>> -> memref<1x50000x128xf32, #tpu.memory_space<hbm>>
    %dma_start3A_218 = tpu.memref_squeeze %dma_start3A_217 : memref<1x50000x128xf32, #tpu.memory_space<hbm>> -> memref<50000x128xf32, #tpu.memory_space<hbm>>
    %dma_start3A_219 = arith.constant 0 : i32
    %dma_start3A_220 = arith.constant 0 : i32
    %dma_start3A_221 = tpu.memref_slice %dma_start3A_218[%dma_start3A_219, %dma_start3A_220] : memref<50000x128xf32, #tpu.memory_space<hbm>> -> memref<50000x128xf32, #tpu.memory_space<hbm>>
    tpu.enqueue_indirect_dma source(%dma_start3A_221 : memref<50000x128xf32, #tpu.memory_space<hbm>>) target(%arg8 : memref<128x128xf32, #tpu.memory_space<vmem>>) offsets(%dma_start3A_214 : memref<128xi32, #tpu.memory_space<vmem>>) semaphore(%arg9 : memref<!tpu.dma_semaphore, #tpu.memory_space<semaphore_mem>>)
    %dma_wait3A_222 = arith.constant 3 : i32
    %dma_wait3A_223 = arith.constant 0 : i32
    %dma_wait3A_224 = tpu.memref_slice %arg6[%dma_wait3A_222, %dma_wait3A_223] : memref<26x128xi32, #tpu.memory_space<vmem>> -> memref<1x128xi32, #tpu.memory_space<vmem>>
    %dma_wait3A_225 = tpu.memref_squeeze %dma_wait3A_224 : memref<1x128xi32, #tpu.memory_space<vmem>> -> memref<128xi32, #tpu.memory_space<vmem>>
    %dma_wait3A_226 = arith.constant 0 : i32
    %dma_wait3A_227 = arith.constant 0 : i32
    %dma_wait3A_228 = tpu.memref_slice %arg2[%select_n3A_210, %dma_wait3A_226, %dma_wait3A_227] : memref<26x50000x128xf32, #tpu.memory_space<hbm>> -> memref<1x50000x128xf32, #tpu.memory_space<hbm>>
    %dma_wait3A_229 = tpu.memref_squeeze %dma_wait3A_228 : memref<1x50000x128xf32, #tpu.memory_space<hbm>> -> memref<50000x128xf32, #tpu.memory_space<hbm>>
    %dma_wait3A_230 = arith.constant 0 : i32
    %dma_wait3A_231 = arith.constant 0 : i32
    %dma_wait3A_232 = tpu.memref_slice %dma_wait3A_229[%dma_wait3A_230, %dma_wait3A_231] : memref<50000x128xf32, #tpu.memory_space<hbm>> -> memref<50000x128xf32, #tpu.memory_space<hbm>>
    tpu.wait_indirect_dma semaphore(%arg9 : memref<!tpu.dma_semaphore, #tpu.memory_space<semaphore_mem>>) src(%dma_wait3A_232 : memref<50000x128xf32, #tpu.memory_space<hbm>>) dst(%arg8 : memref<128x128xf32, #tpu.memory_space<vmem>>)
    %dma_start3A_233 = arith.constant 3 : i32
    %dma_start3A_234 = arith.constant 0 : i32
    %dma_start3A_235 = tpu.memref_slice %arg7[%dma_start3A_233, %dma_start3A_234] : memref<26x128xi32, #tpu.memory_space<vmem>> -> memref<1x128xi32, #tpu.memory_space<vmem>>
    %dma_start3A_236 = tpu.memref_squeeze %dma_start3A_235 : memref<1x128xi32, #tpu.memory_space<vmem>> -> memref<128xi32, #tpu.memory_space<vmem>>
    %dma_start3A_237 = arith.constant 0 : i32
    %dma_start3A_238 = arith.constant 0 : i32
    %dma_start3A_239 = tpu.memref_slice %arg5[%dma_start3A_237, %dma_start3A_238] : memref<106496x128xf32, #tpu.memory_space<hbm>> -> memref<106496x128xf32, #tpu.memory_space<hbm>>
    tpu.enqueue_indirect_dma source(%arg8 : memref<128x128xf32, #tpu.memory_space<vmem>>) target(%dma_start3A_239 : memref<106496x128xf32, #tpu.memory_space<hbm>>) offsets(%dma_start3A_236 : memref<128xi32, #tpu.memory_space<vmem>>) semaphore(%arg10 : memref<!tpu.dma_semaphore, #tpu.memory_space<semaphore_mem>>)
    %dma_wait3A_240 = arith.constant 3 : i32
    %dma_wait3A_241 = arith.constant 0 : i32
    %dma_wait3A_242 = tpu.memref_slice %arg7[%dma_wait3A_240, %dma_wait3A_241] : memref<26x128xi32, #tpu.memory_space<vmem>> -> memref<1x128xi32, #tpu.memory_space<vmem>>
    %dma_wait3A_243 = tpu.memref_squeeze %dma_wait3A_242 : memref<1x128xi32, #tpu.memory_space<vmem>> -> memref<128xi32, #tpu.memory_space<vmem>>
    %dma_wait3A_244 = arith.constant 0 : i32
    %dma_wait3A_245 = arith.constant 0 : i32
    %dma_wait3A_246 = tpu.memref_slice %arg5[%dma_wait3A_244, %dma_wait3A_245] : memref<106496x128xf32, #tpu.memory_space<hbm>> -> memref<106496x128xf32, #tpu.memory_space<hbm>>
    tpu.wait_indirect_dma semaphore(%arg10 : memref<!tpu.dma_semaphore, #tpu.memory_space<semaphore_mem>>) src(%arg8 : memref<128x128xf32, #tpu.memory_space<vmem>>) dst(%dma_wait3A_246 : memref<106496x128xf32, #tpu.memory_space<hbm>>)
    %mul3A_247 = arith.constant 26 : i32
    %mul3A_248 = arith.muli %add3A, %mul3A_247 : i32
    %add3A_249 = arith.constant 4 : i32
    %add3A_250 = arith.addi %mul3A_248, %add3A_249 : i32
    %jit3A_251 = arith.constant 32 : i32
    %div3A_252 = arith.divsi %add3A_250, %jit3A_251 : i32
    %sign3A_253 = arith.constant 0 : i32
    %sign3A_254 = arith.cmpi sgt, %add3A_250, %sign3A_253 : i32
    %sign3A_255 = arith.extui %sign3A_254 : i1 to i32
    %sign3A_256 = arith.constant 0 : i32
    %sign3A_257 = arith.cmpi slt, %add3A_250, %sign3A_256 : i32
    %sign3A_258 = arith.extui %sign3A_257 : i1 to i32
    %sign3A_259 = arith.subi %sign3A_255, %sign3A_258 : i32
    %sign3A_260 = arith.constant 0 : i32
    %sign3A_261 = arith.cmpi sgt, %jit3A_251, %sign3A_260 : i32
    %sign3A_262 = arith.extui %sign3A_261 : i1 to i32
    %sign3A_263 = arith.constant 0 : i32
    %sign3A_264 = arith.cmpi slt, %jit3A_251, %sign3A_263 : i32
    %sign3A_265 = arith.extui %sign3A_264 : i1 to i32
    %sign3A_266 = arith.subi %sign3A_262, %sign3A_265 : i32
    %ne3A_267 = arith.cmpi ne, %sign3A_259, %sign3A_266 : i32
    %rem3A_268 = arith.remsi %add3A_250, %jit3A_251 : i32
    %ne3A_269 = arith.constant 0 : i32
    %ne3A_270 = arith.cmpi ne, %rem3A_268, %ne3A_269 : i32
    %and3A_271 = arith.andi %ne3A_267, %ne3A_270 : i1
    %sub3A_272 = arith.constant 1 : i32
    %sub3A_273 = arith.subi %div3A_252, %sub3A_272 : i32
    %select_n3A_274 = arith.select %and3A_271, %sub3A_273, %div3A_252 : i32
    %dma_start3A_275 = arith.constant 4 : i32
    %dma_start3A_276 = arith.constant 0 : i32
    %dma_start3A_277 = tpu.memref_slice %arg6[%dma_start3A_275, %dma_start3A_276] : memref<26x128xi32, #tpu.memory_space<vmem>> -> memref<1x128xi32, #tpu.memory_space<vmem>>
    %dma_start3A_278 = tpu.memref_squeeze %dma_start3A_277 : memref<1x128xi32, #tpu.memory_space<vmem>> -> memref<128xi32, #tpu.memory_space<vmem>>
    %dma_start3A_279 = arith.constant 0 : i32
    %dma_start3A_280 = arith.constant 0 : i32
    %dma_start3A_281 = tpu.memref_slice %arg2[%select_n3A_274, %dma_start3A_279, %dma_start3A_280] : memref<26x50000x128xf32, #tpu.memory_space<hbm>> -> memref<1x50000x128xf32, #tpu.memory_space<hbm>>
    %dma_start3A_282 = tpu.memref_squeeze %dma_start3A_281 : memref<1x50000x128xf32, #tpu.memory_space<hbm>> -> memref<50000x128xf32, #tpu.memory_space<hbm>>
    %dma_start3A_283 = arith.constant 0 : i32
    %dma_start3A_284 = arith.constant 0 : i32
    %dma_start3A_285 = tpu.memref_slice %dma_start3A_282[%dma_start3A_283, %dma_start3A_284] : memref<50000x128xf32, #tpu.memory_space<hbm>> -> memref<50000x128xf32, #tpu.memory_space<hbm>>
    tpu.enqueue_indirect_dma source(%dma_start3A_285 : memref<50000x128xf32, #tpu.memory_space<hbm>>) target(%arg8 : memref<128x128xf32, #tpu.memory_space<vmem>>) offsets(%dma_start3A_278 : memref<128xi32, #tpu.memory_space<vmem>>) semaphore(%arg9 : memref<!tpu.dma_semaphore, #tpu.memory_space<semaphore_mem>>)
    %dma_wait3A_286 = arith.constant 4 : i32
    %dma_wait3A_287 = arith.constant 0 : i32
    %dma_wait3A_288 = tpu.memref_slice %arg6[%dma_wait3A_286, %dma_wait3A_287] : memref<26x128xi32, #tpu.memory_space<vmem>> -> memref<1x128xi32, #tpu.memory_space<vmem>>
    %dma_wait3A_289 = tpu.memref_squeeze %dma_wait3A_288 : memref<1x128xi32, #tpu.memory_space<vmem>> -> memref<128xi32, #tpu.memory_space<vmem>>
    %dma_wait3A_290 = arith.constant 0 : i32
    %dma_wait3A_291 = arith.constant 0 : i32
    %dma_wait3A_292 = tpu.memref_slice %arg2[%select_n3A_274, %dma_wait3A_290, %dma_wait3A_291] : memref<26x50000x128xf32, #tpu.memory_space<hbm>> -> memref<1x50000x128xf32, #tpu.memory_space<hbm>>
    %dma_wait3A_293 = tpu.memref_squeeze %dma_wait3A_292 : memref<1x50000x128xf32, #tpu.memory_space<hbm>> -> memref<50000x128xf32, #tpu.memory_space<hbm>>
    %dma_wait3A_294 = arith.constant 0 : i32
    %dma_wait3A_295 = arith.constant 0 : i32
    %dma_wait3A_296 = tpu.memref_slice %dma_wait3A_293[%dma_wait3A_294, %dma_wait3A_295] : memref<50000x128xf32, #tpu.memory_space<hbm>> -> memref<50000x128xf32, #tpu.memory_space<hbm>>
    tpu.wait_indirect_dma semaphore(%arg9 : memref<!tpu.dma_semaphore, #tpu.memory_space<semaphore_mem>>) src(%dma_wait3A_296 : memref<50000x128xf32, #tpu.memory_space<hbm>>) dst(%arg8 : memref<128x128xf32, #tpu.memory_space<vmem>>)
    %dma_start3A_297 = arith.constant 4 : i32
    %dma_start3A_298 = arith.constant 0 : i32
    %dma_start3A_299 = tpu.memref_slice %arg7[%dma_start3A_297, %dma_start3A_298] : memref<26x128xi32, #tpu.memory_space<vmem>> -> memref<1x128xi32, #tpu.memory_space<vmem>>
    %dma_start3A_300 = tpu.memref_squeeze %dma_start3A_299 : memref<1x128xi32, #tpu.memory_space<vmem>> -> memref<128xi32, #tpu.memory_space<vmem>>
    %dma_start3A_301 = arith.constant 0 : i32
    %dma_start3A_302 = arith.constant 0 : i32
    %dma_start3A_303 = tpu.memref_slice %arg5[%dma_start3A_301, %dma_start3A_302] : memref<106496x128xf32, #tpu.memory_space<hbm>> -> memref<106496x128xf32, #tpu.memory_space<hbm>>
    tpu.enqueue_indirect_dma source(%arg8 : memref<128x128xf32, #tpu.memory_space<vmem>>) target(%dma_start3A_303 : memref<106496x128xf32, #tpu.memory_space<hbm>>) offsets(%dma_start3A_300 : memref<128xi32, #tpu.memory_space<vmem>>) semaphore(%arg10 : memref<!tpu.dma_semaphore, #tpu.memory_space<semaphore_mem>>)
    %dma_wait3A_304 = arith.constant 4 : i32
    %dma_wait3A_305 = arith.constant 0 : i32
    %dma_wait3A_306 = tpu.memref_slice %arg7[%dma_wait3A_304, %dma_wait3A_305] : memref<26x128xi32, #tpu.memory_space<vmem>> -> memref<1x128xi32, #tpu.memory_space<vmem>>
    %dma_wait3A_307 = tpu.memref_squeeze %dma_wait3A_306 : memref<1x128xi32, #tpu.memory_space<vmem>> -> memref<128xi32, #tpu.memory_space<vmem>>
    %dma_wait3A_308 = arith.constant 0 : i32
    %dma_wait3A_309 = arith.constant 0 : i32
    %dma_wait3A_310 = tpu.memref_slice %arg5[%dma_wait3A_308, %dma_wait3A_309] : memref<106496x128xf32, #tpu.memory_space<hbm>> -> memref<106496x128xf32, #tpu.memory_space<hbm>>
    tpu.wait_indirect_dma semaphore(%arg10 : memref<!tpu.dma_semaphore, #tpu.memory_space<semaphore_mem>>) src(%arg8 : memref<128x128xf32, #tpu.memory_space<vmem>>) dst(%dma_wait3A_310 : memref<106496x128xf32, #tpu.memory_space<hbm>>)
    %mul3A_311 = arith.constant 26 : i32
    %mul3A_312 = arith.muli %add3A, %mul3A_311 : i32
    %add3A_313 = arith.constant 5 : i32
    %add3A_314 = arith.addi %mul3A_312, %add3A_313 : i32
    %jit3A_315 = arith.constant 32 : i32
    %div3A_316 = arith.divsi %add3A_314, %jit3A_315 : i32
    %sign3A_317 = arith.constant 0 : i32
    %sign3A_318 = arith.cmpi sgt, %add3A_314, %sign3A_317 : i32
    %sign3A_319 = arith.extui %sign3A_318 : i1 to i32
    %sign3A_320 = arith.constant 0 : i32
    %sign3A_321 = arith.cmpi slt, %add3A_314, %sign3A_320 : i32
    %sign3A_322 = arith.extui %sign3A_321 : i1 to i32
    %sign3A_323 = arith.subi %sign3A_319, %sign3A_322 : i32
    %sign3A_324 = arith.constant 0 : i32
    %sign3A_325 = arith.cmpi sgt, %jit3A_315, %sign3A_324 : i32
    %sign3A_326 = arith.extui %sign3A_325 : i1 to i32
    %sign3A_327 = arith.constant 0 : i32
    %sign3A_328 = arith.cmpi slt, %jit3A_315, %sign3A_327 : i32
    %sign3A_329 = arith.extui %sign3A_328 : i1 to i32
    %sign3A_330 = arith.subi %sign3A_326, %sign3A_329 : i32
    %ne3A_331 = arith.cmpi ne, %sign3A_323, %sign3A_330 : i32
    %rem3A_332 = arith.remsi %add3A_314, %jit3A_315 : i32
    %ne3A_333 = arith.constant 0 : i32
    %ne3A_334 = arith.cmpi ne, %rem3A_332, %ne3A_333 : i32
    %and3A_335 = arith.andi %ne3A_331, %ne3A_334 : i1
    %sub3A_336 = arith.constant 1 : i32
    %sub3A_337 = arith.subi %div3A_316, %sub3A_336 : i32
    %select_n3A_338 = arith.select %and3A_335, %sub3A_337, %div3A_316 : i32
    %dma_start3A_339 = arith.constant 5 : i32
    %dma_start3A_340 = arith.constant 0 : i32
    %dma_start3A_341 = tpu.memref_slice %arg6[%dma_start3A_339, %dma_start3A_340] : memref<26x128xi32, #tpu.memory_space<vmem>> -> memref<1x128xi32, #tpu.memory_space<vmem>>
    %dma_start3A_342 = tpu.memref_squeeze %dma_start3A_341 : memref<1x128xi32, #tpu.memory_space<vmem>> -> memref<128xi32, #tpu.memory_space<vmem>>
    %dma_start3A_343 = arith.constant 0 : i32
    %dma_start3A_344 = arith.constant 0 : i32
    %dma_start3A_345 = tpu.memref_slice %arg2[%select_n3A_338, %dma_start3A_343, %dma_start3A_344] : memref<26x50000x128xf32, #tpu.memory_space<hbm>> -> memref<1x50000x128xf32, #tpu.memory_space<hbm>>
    %dma_start3A_346 = tpu.memref_squeeze %dma_start3A_345 : memref<1x50000x128xf32, #tpu.memory_space<hbm>> -> memref<50000x128xf32, #tpu.memory_space<hbm>>
    %dma_start3A_347 = arith.constant 0 : i32
    %dma_start3A_348 = arith.constant 0 : i32
    %dma_start3A_349 = tpu.memref_slice %dma_start3A_346[%dma_start3A_347, %dma_start3A_348] : memref<50000x128xf32, #tpu.memory_space<hbm>> -> memref<50000x128xf32, #tpu.memory_space<hbm>>
    tpu.enqueue_indirect_dma source(%dma_start3A_349 : memref<50000x128xf32, #tpu.memory_space<hbm>>) target(%arg8 : memref<128x128xf32, #tpu.memory_space<vmem>>) offsets(%dma_start3A_342 : memref<128xi32, #tpu.memory_space<vmem>>) semaphore(%arg9 : memref<!tpu.dma_semaphore, #tpu.memory_space<semaphore_mem>>)
    %dma_wait3A_350 = arith.constant 5 : i32
    %dma_wait3A_351 = arith.constant 0 : i32
    %dma_wait3A_352 = tpu.memref_slice %arg6[%dma_wait3A_350, %dma_wait3A_351] : memref<26x128xi32, #tpu.memory_space<vmem>> -> memref<1x128xi32, #tpu.memory_space<vmem>>
    %dma_wait3A_353 = tpu.memref_squeeze %dma_wait3A_352 : memref<1x128xi32, #tpu.memory_space<vmem>> -> memref<128xi32, #tpu.memory_space<vmem>>
    %dma_wait3A_354 = arith.constant 0 : i32
    %dma_wait3A_355 = arith.constant 0 : i32
    %dma_wait3A_356 = tpu.memref_slice %arg2[%select_n3A_338, %dma_wait3A_354, %dma_wait3A_355] : memref<26x50000x128xf32, #tpu.memory_space<hbm>> -> memref<1x50000x128xf32, #tpu.memory_space<hbm>>
    %dma_wait3A_357 = tpu.memref_squeeze %dma_wait3A_356 : memref<1x50000x128xf32, #tpu.memory_space<hbm>> -> memref<50000x128xf32, #tpu.memory_space<hbm>>
    %dma_wait3A_358 = arith.constant 0 : i32
    %dma_wait3A_359 = arith.constant 0 : i32
    %dma_wait3A_360 = tpu.memref_slice %dma_wait3A_357[%dma_wait3A_358, %dma_wait3A_359] : memref<50000x128xf32, #tpu.memory_space<hbm>> -> memref<50000x128xf32, #tpu.memory_space<hbm>>
    tpu.wait_indirect_dma semaphore(%arg9 : memref<!tpu.dma_semaphore, #tpu.memory_space<semaphore_mem>>) src(%dma_wait3A_360 : memref<50000x128xf32, #tpu.memory_space<hbm>>) dst(%arg8 : memref<128x128xf32, #tpu.memory_space<vmem>>)
    %dma_start3A_361 = arith.constant 5 : i32
    %dma_start3A_362 = arith.constant 0 : i32
    %dma_start3A_363 = tpu.memref_slice %arg7[%dma_start3A_361, %dma_start3A_362] : memref<26x128xi32, #tpu.memory_space<vmem>> -> memref<1x128xi32, #tpu.memory_space<vmem>>
    %dma_start3A_364 = tpu.memref_squeeze %dma_start3A_363 : memref<1x128xi32, #tpu.memory_space<vmem>> -> memref<128xi32, #tpu.memory_space<vmem>>
    %dma_start3A_365 = arith.constant 0 : i32
    %dma_start3A_366 = arith.constant 0 : i32
    %dma_start3A_367 = tpu.memref_slice %arg5[%dma_start3A_365, %dma_start3A_366] : memref<106496x128xf32, #tpu.memory_space<hbm>> -> memref<106496x128xf32, #tpu.memory_space<hbm>>
    tpu.enqueue_indirect_dma source(%arg8 : memref<128x128xf32, #tpu.memory_space<vmem>>) target(%dma_start3A_367 : memref<106496x128xf32, #tpu.memory_space<hbm>>) offsets(%dma_start3A_364 : memref<128xi32, #tpu.memory_space<vmem>>) semaphore(%arg10 : memref<!tpu.dma_semaphore, #tpu.memory_space<semaphore_mem>>)
    %dma_wait3A_368 = arith.constant 5 : i32
    %dma_wait3A_369 = arith.constant 0 : i32
    %dma_wait3A_370 = tpu.memref_slice %arg7[%dma_wait3A_368, %dma_wait3A_369] : memref<26x128xi32, #tpu.memory_space<vmem>> -> memref<1x128xi32, #tpu.memory_space<vmem>>
    %dma_wait3A_371 = tpu.memref_squeeze %dma_wait3A_370 : memref<1x128xi32, #tpu.memory_space<vmem>> -> memref<128xi32, #tpu.memory_space<vmem>>
    %dma_wait3A_372 = arith.constant 0 : i32
    %dma_wait3A_373 = arith.constant 0 : i32
    %dma_wait3A_374 = tpu.memref_slice %arg5[%dma_wait3A_372, %dma_wait3A_373] : memref<106496x128xf32, #tpu.memory_space<hbm>> -> memref<106496x128xf32, #tpu.memory_space<hbm>>
    tpu.wait_indirect_dma semaphore(%arg10 : memref<!tpu.dma_semaphore, #tpu.memory_space<semaphore_mem>>) src(%arg8 : memref<128x128xf32, #tpu.memory_space<vmem>>) dst(%dma_wait3A_374 : memref<106496x128xf32, #tpu.memory_space<hbm>>)
    %mul3A_375 = arith.constant 26 : i32
    %mul3A_376 = arith.muli %add3A, %mul3A_375 : i32
    %add3A_377 = arith.constant 6 : i32
    %add3A_378 = arith.addi %mul3A_376, %add3A_377 : i32
    %jit3A_379 = arith.constant 32 : i32
    %div3A_380 = arith.divsi %add3A_378, %jit3A_379 : i32
    %sign3A_381 = arith.constant 0 : i32
    %sign3A_382 = arith.cmpi sgt, %add3A_378, %sign3A_381 : i32
    %sign3A_383 = arith.extui %sign3A_382 : i1 to i32
    %sign3A_384 = arith.constant 0 : i32
    %sign3A_385 = arith.cmpi slt, %add3A_378, %sign3A_384 : i32
    %sign3A_386 = arith.extui %sign3A_385 : i1 to i32
    %sign3A_387 = arith.subi %sign3A_383, %sign3A_386 : i32
    %sign3A_388 = arith.constant 0 : i32
    %sign3A_389 = arith.cmpi sgt, %jit3A_379, %sign3A_388 : i32
    %sign3A_390 = arith.extui %sign3A_389 : i1 to i32
    %sign3A_391 = arith.constant 0 : i32
    %sign3A_392 = arith.cmpi slt, %jit3A_379, %sign3A_391 : i32
    %sign3A_393 = arith.extui %sign3A_392 : i1 to i32
    %sign3A_394 = arith.subi %sign3A_390, %sign3A_393 : i32
    %ne3A_395 = arith.cmpi ne, %sign3A_387, %sign3A_394 : i32
    %rem3A_396 = arith.remsi %add3A_378, %jit3A_379 : i32
    %ne3A_397 = arith.constant 0 : i32
    %ne3A_398 = arith.cmpi ne, %rem3A_396, %ne3A_397 : i32
    %and3A_399 = arith.andi %ne3A_395, %ne3A_398 : i1
    %sub3A_400 = arith.constant 1 : i32
    %sub3A_401 = arith.subi %div3A_380, %sub3A_400 : i32
    %select_n3A_402 = arith.select %and3A_399, %sub3A_401, %div3A_380 : i32
    %dma_start3A_403 = arith.constant 6 : i32
    %dma_start3A_404 = arith.constant 0 : i32
    %dma_start3A_405 = tpu.memref_slice %arg6[%dma_start3A_403, %dma_start3A_404] : memref<26x128xi32, #tpu.memory_space<vmem>> -> memref<1x128xi32, #tpu.memory_space<vmem>>
    %dma_start3A_406 = tpu.memref_squeeze %dma_start3A_405 : memref<1x128xi32, #tpu.memory_space<vmem>> -> memref<128xi32, #tpu.memory_space<vmem>>
    %dma_start3A_407 = arith.constant 0 : i32
    %dma_start3A_408 = arith.constant 0 : i32
    %dma_start3A_409 = tpu.memref_slice %arg2[%select_n3A_402, %dma_start3A_407, %dma_start3A_408] : memref<26x50000x128xf32, #tpu.memory_space<hbm>> -> memref<1x50000x128xf32, #tpu.memory_space<hbm>>
    %dma_start3A_410 = tpu.memref_squeeze %dma_start3A_409 : memref<1x50000x128xf32, #tpu.memory_space<hbm>> -> memref<50000x128xf32, #tpu.memory_space<hbm>>
    %dma_start3A_411 = arith.constant 0 : i32
    %dma_start3A_412 = arith.constant 0 : i32
    %dma_start3A_413 = tpu.memref_slice %dma_start3A_410[%dma_start3A_411, %dma_start3A_412] : memref<50000x128xf32, #tpu.memory_space<hbm>> -> memref<50000x128xf32, #tpu.memory_space<hbm>>
    tpu.enqueue_indirect_dma source(%dma_start3A_413 : memref<50000x128xf32, #tpu.memory_space<hbm>>) target(%arg8 : memref<128x128xf32, #tpu.memory_space<vmem>>) offsets(%dma_start3A_406 : memref<128xi32, #tpu.memory_space<vmem>>) semaphore(%arg9 : memref<!tpu.dma_semaphore, #tpu.memory_space<semaphore_mem>>)
    %dma_wait3A_414 = arith.constant 6 : i32
    %dma_wait3A_415 = arith.constant 0 : i32
    %dma_wait3A_416 = tpu.memref_slice %arg6[%dma_wait3A_414, %dma_wait3A_415] : memref<26x128xi32, #tpu.memory_space<vmem>> -> memref<1x128xi32, #tpu.memory_space<vmem>>
    %dma_wait3A_417 = tpu.memref_squeeze %dma_wait3A_416 : memref<1x128xi32, #tpu.memory_space<vmem>> -> memref<128xi32, #tpu.memory_space<vmem>>
    %dma_wait3A_418 = arith.constant 0 : i32
    %dma_wait3A_419 = arith.constant 0 : i32
    %dma_wait3A_420 = tpu.memref_slice %arg2[%select_n3A_402, %dma_wait3A_418, %dma_wait3A_419] : memref<26x50000x128xf32, #tpu.memory_space<hbm>> -> memref<1x50000x128xf32, #tpu.memory_space<hbm>>
    %dma_wait3A_421 = tpu.memref_squeeze %dma_wait3A_420 : memref<1x50000x128xf32, #tpu.memory_space<hbm>> -> memref<50000x128xf32, #tpu.memory_space<hbm>>
    %dma_wait3A_422 = arith.constant 0 : i32
    %dma_wait3A_423 = arith.constant 0 : i32
    %dma_wait3A_424 = tpu.memref_slice %dma_wait3A_421[%dma_wait3A_422, %dma_wait3A_423] : memref<50000x128xf32, #tpu.memory_space<hbm>> -> memref<50000x128xf32, #tpu.memory_space<hbm>>
    tpu.wait_indirect_dma semaphore(%arg9 : memref<!tpu.dma_semaphore, #tpu.memory_space<semaphore_mem>>) src(%dma_wait3A_424 : memref<50000x128xf32, #tpu.memory_space<hbm>>) dst(%arg8 : memref<128x128xf32, #tpu.memory_space<vmem>>)
    %dma_start3A_425 = arith.constant 6 : i32
    %dma_start3A_426 = arith.constant 0 : i32
    %dma_start3A_427 = tpu.memref_slice %arg7[%dma_start3A_425, %dma_start3A_426] : memref<26x128xi32, #tpu.memory_space<vmem>> -> memref<1x128xi32, #tpu.memory_space<vmem>>
    %dma_start3A_428 = tpu.memref_squeeze %dma_start3A_427 : memref<1x128xi32, #tpu.memory_space<vmem>> -> memref<128xi32, #tpu.memory_space<vmem>>
    %dma_start3A_429 = arith.constant 0 : i32
    %dma_start3A_430 = arith.constant 0 : i32
    %dma_start3A_431 = tpu.memref_slice %arg5[%dma_start3A_429, %dma_start3A_430] : memref<106496x128xf32, #tpu.memory_space<hbm>> -> memref<106496x128xf32, #tpu.memory_space<hbm>>
    tpu.enqueue_indirect_dma source(%arg8 : memref<128x128xf32, #tpu.memory_space<vmem>>) target(%dma_start3A_431 : memref<106496x128xf32, #tpu.memory_space<hbm>>) offsets(%dma_start3A_428 : memref<128xi32, #tpu.memory_space<vmem>>) semaphore(%arg10 : memref<!tpu.dma_semaphore, #tpu.memory_space<semaphore_mem>>)
    %dma_wait3A_432 = arith.constant 6 : i32
    %dma_wait3A_433 = arith.constant 0 : i32
    %dma_wait3A_434 = tpu.memref_slice %arg7[%dma_wait3A_432, %dma_wait3A_433] : memref<26x128xi32, #tpu.memory_space<vmem>> -> memref<1x128xi32, #tpu.memory_space<vmem>>
    %dma_wait3A_435 = tpu.memref_squeeze %dma_wait3A_434 : memref<1x128xi32, #tpu.memory_space<vmem>> -> memref<128xi32, #tpu.memory_space<vmem>>
    %dma_wait3A_436 = arith.constant 0 : i32
    %dma_wait3A_437 = arith.constant 0 : i32
    %dma_wait3A_438 = tpu.memref_slice %arg5[%dma_wait3A_436, %dma_wait3A_437] : memref<106496x128xf32, #tpu.memory_space<hbm>> -> memref<106496x128xf32, #tpu.memory_space<hbm>>
    tpu.wait_indirect_dma semaphore(%arg10 : memref<!tpu.dma_semaphore, #tpu.memory_space<semaphore_mem>>) src(%arg8 : memref<128x128xf32, #tpu.memory_space<vmem>>) dst(%dma_wait3A_438 : memref<106496x128xf32, #tpu.memory_space<hbm>>)
    %mul3A_439 = arith.constant 26 : i32
    %mul3A_440 = arith.muli %add3A, %mul3A_439 : i32
    %add3A_441 = arith.constant 7 : i32
    %add3A_442 = arith.addi %mul3A_440, %add3A_441 : i32
    %jit3A_443 = arith.constant 32 : i32
    %div3A_444 = arith.divsi %add3A_442, %jit3A_443 : i32
    %sign3A_445 = arith.constant 0 : i32
    %sign3A_446 = arith.cmpi sgt, %add3A_442, %sign3A_445 : i32
    %sign3A_447 = arith.extui %sign3A_446 : i1 to i32
    %sign3A_448 = arith.constant 0 : i32
    %sign3A_449 = arith.cmpi slt, %add3A_442, %sign3A_448 : i32
    %sign3A_450 = arith.extui %sign3A_449 : i1 to i32
    %sign3A_451 = arith.subi %sign3A_447, %sign3A_450 : i32
    %sign3A_452 = arith.constant 0 : i32
    %sign3A_453 = arith.cmpi sgt, %jit3A_443, %sign3A_452 : i32
    %sign3A_454 = arith.extui %sign3A_453 : i1 to i32
    %sign3A_455 = arith.constant 0 : i32
    %sign3A_456 = arith.cmpi slt, %jit3A_443, %sign3A_455 : i32
    %sign3A_457 = arith.extui %sign3A_456 : i1 to i32
    %sign3A_458 = arith.subi %sign3A_454, %sign3A_457 : i32
    %ne3A_459 = arith.cmpi ne, %sign3A_451, %sign3A_458 : i32
    %rem3A_460 = arith.remsi %add3A_442, %jit3A_443 : i32
    %ne3A_461 = arith.constant 0 : i32
    %ne3A_462 = arith.cmpi ne, %rem3A_460, %ne3A_461 : i32
    %and3A_463 = arith.andi %ne3A_459, %ne3A_462 : i1
    %sub3A_464 = arith.constant 1 : i32
    %sub3A_465 = arith.subi %div3A_444, %sub3A_464 : i32
    %select_n3A_466 = arith.select %and3A_463, %sub3A_465, %div3A_444 : i32
    %dma_start3A_467 = arith.constant 7 : i32
    %dma_start3A_468 = arith.constant 0 : i32
    %dma_start3A_469 = tpu.memref_slice %arg6[%dma_start3A_467, %dma_start3A_468] : memref<26x128xi32, #tpu.memory_space<vmem>> -> memref<1x128xi32, #tpu.memory_space<vmem>>
    %dma_start3A_470 = tpu.memref_squeeze %dma_start3A_469 : memref<1x128xi32, #tpu.memory_space<vmem>> -> memref<128xi32, #tpu.memory_space<vmem>>
    %dma_start3A_471 = arith.constant 0 : i32
    %dma_start3A_472 = arith.constant 0 : i32
    %dma_start3A_473 = tpu.memref_slice %arg2[%select_n3A_466, %dma_start3A_471, %dma_start3A_472] : memref<26x50000x128xf32, #tpu.memory_space<hbm>> -> memref<1x50000x128xf32, #tpu.memory_space<hbm>>
    %dma_start3A_474 = tpu.memref_squeeze %dma_start3A_473 : memref<1x50000x128xf32, #tpu.memory_space<hbm>> -> memref<50000x128xf32, #tpu.memory_space<hbm>>
    %dma_start3A_475 = arith.constant 0 : i32
    %dma_start3A_476 = arith.constant 0 : i32
    %dma_start3A_477 = tpu.memref_slice %dma_start3A_474[%dma_start3A_475, %dma_start3A_476] : memref<50000x128xf32, #tpu.memory_space<hbm>> -> memref<50000x128xf32, #tpu.memory_space<hbm>>
    tpu.enqueue_indirect_dma source(%dma_start3A_477 : memref<50000x128xf32, #tpu.memory_space<hbm>>) target(%arg8 : memref<128x128xf32, #tpu.memory_space<vmem>>) offsets(%dma_start3A_470 : memref<128xi32, #tpu.memory_space<vmem>>) semaphore(%arg9 : memref<!tpu.dma_semaphore, #tpu.memory_space<semaphore_mem>>)
    %dma_wait3A_478 = arith.constant 7 : i32
    %dma_wait3A_479 = arith.constant 0 : i32
    %dma_wait3A_480 = tpu.memref_slice %arg6[%dma_wait3A_478, %dma_wait3A_479] : memref<26x128xi32, #tpu.memory_space<vmem>> -> memref<1x128xi32, #tpu.memory_space<vmem>>
    %dma_wait3A_481 = tpu.memref_squeeze %dma_wait3A_480 : memref<1x128xi32, #tpu.memory_space<vmem>> -> memref<128xi32, #tpu.memory_space<vmem>>
    %dma_wait3A_482 = arith.constant 0 : i32
    %dma_wait3A_483 = arith.constant 0 : i32
    %dma_wait3A_484 = tpu.memref_slice %arg2[%select_n3A_466, %dma_wait3A_482, %dma_wait3A_483] : memref<26x50000x128xf32, #tpu.memory_space<hbm>> -> memref<1x50000x128xf32, #tpu.memory_space<hbm>>
    %dma_wait3A_485 = tpu.memref_squeeze %dma_wait3A_484 : memref<1x50000x128xf32, #tpu.memory_space<hbm>> -> memref<50000x128xf32, #tpu.memory_space<hbm>>
    %dma_wait3A_486 = arith.constant 0 : i32
    %dma_wait3A_487 = arith.constant 0 : i32
    %dma_wait3A_488 = tpu.memref_slice %dma_wait3A_485[%dma_wait3A_486, %dma_wait3A_487] : memref<50000x128xf32, #tpu.memory_space<hbm>> -> memref<50000x128xf32, #tpu.memory_space<hbm>>
    tpu.wait_indirect_dma semaphore(%arg9 : memref<!tpu.dma_semaphore, #tpu.memory_space<semaphore_mem>>) src(%dma_wait3A_488 : memref<50000x128xf32, #tpu.memory_space<hbm>>) dst(%arg8 : memref<128x128xf32, #tpu.memory_space<vmem>>)
    %dma_start3A_489 = arith.constant 7 : i32
    %dma_start3A_490 = arith.constant 0 : i32
    %dma_start3A_491 = tpu.memref_slice %arg7[%dma_start3A_489, %dma_start3A_490] : memref<26x128xi32, #tpu.memory_space<vmem>> -> memref<1x128xi32, #tpu.memory_space<vmem>>
    %dma_start3A_492 = tpu.memref_squeeze %dma_start3A_491 : memref<1x128xi32, #tpu.memory_space<vmem>> -> memref<128xi32, #tpu.memory_space<vmem>>
    %dma_start3A_493 = arith.constant 0 : i32
    %dma_start3A_494 = arith.constant 0 : i32
    %dma_start3A_495 = tpu.memref_slice %arg5[%dma_start3A_493, %dma_start3A_494] : memref<106496x128xf32, #tpu.memory_space<hbm>> -> memref<106496x128xf32, #tpu.memory_space<hbm>>
    tpu.enqueue_indirect_dma source(%arg8 : memref<128x128xf32, #tpu.memory_space<vmem>>) target(%dma_start3A_495 : memref<106496x128xf32, #tpu.memory_space<hbm>>) offsets(%dma_start3A_492 : memref<128xi32, #tpu.memory_space<vmem>>) semaphore(%arg10 : memref<!tpu.dma_semaphore, #tpu.memory_space<semaphore_mem>>)
    %dma_wait3A_496 = arith.constant 7 : i32
    %dma_wait3A_497 = arith.constant 0 : i32
    %dma_wait3A_498 = tpu.memref_slice %arg7[%dma_wait3A_496, %dma_wait3A_497] : memref<26x128xi32, #tpu.memory_space<vmem>> -> memref<1x128xi32, #tpu.memory_space<vmem>>
    %dma_wait3A_499 = tpu.memref_squeeze %dma_wait3A_498 : memref<1x128xi32, #tpu.memory_space<vmem>> -> memref<128xi32, #tpu.memory_space<vmem>>
    %dma_wait3A_500 = arith.constant 0 : i32
    %dma_wait3A_501 = arith.constant 0 : i32
    %dma_wait3A_502 = tpu.memref_slice %arg5[%dma_wait3A_500, %dma_wait3A_501] : memref<106496x128xf32, #tpu.memory_space<hbm>> -> memref<106496x128xf32, #tpu.memory_space<hbm>>
    tpu.wait_indirect_dma semaphore(%arg10 : memref<!tpu.dma_semaphore, #tpu.memory_space<semaphore_mem>>) src(%arg8 : memref<128x128xf32, #tpu.memory_space<vmem>>) dst(%dma_wait3A_502 : memref<106496x128xf32, #tpu.memory_space<hbm>>)
    %mul3A_503 = arith.constant 26 : i32
    %mul3A_504 = arith.muli %add3A, %mul3A_503 : i32
    %add3A_505 = arith.constant 8 : i32
    %add3A_506 = arith.addi %mul3A_504, %add3A_505 : i32
    %jit3A_507 = arith.constant 32 : i32
    %div3A_508 = arith.divsi %add3A_506, %jit3A_507 : i32
    %sign3A_509 = arith.constant 0 : i32
    %sign3A_510 = arith.cmpi sgt, %add3A_506, %sign3A_509 : i32
    %sign3A_511 = arith.extui %sign3A_510 : i1 to i32
    %sign3A_512 = arith.constant 0 : i32
    %sign3A_513 = arith.cmpi slt, %add3A_506, %sign3A_512 : i32
    %sign3A_514 = arith.extui %sign3A_513 : i1 to i32
    %sign3A_515 = arith.subi %sign3A_511, %sign3A_514 : i32
    %sign3A_516 = arith.constant 0 : i32
    %sign3A_517 = arith.cmpi sgt, %jit3A_507, %sign3A_516 : i32
    %sign3A_518 = arith.extui %sign3A_517 : i1 to i32
    %sign3A_519 = arith.constant 0 : i32
    %sign3A_520 = arith.cmpi slt, %jit3A_507, %sign3A_519 : i32
    %sign3A_521 = arith.extui %sign3A_520 : i1 to i32
    %sign3A_522 = arith.subi %sign3A_518, %sign3A_521 : i32
    %ne3A_523 = arith.cmpi ne, %sign3A_515, %sign3A_522 : i32
    %rem3A_524 = arith.remsi %add3A_506, %jit3A_507 : i32
    %ne3A_525 = arith.constant 0 : i32
    %ne3A_526 = arith.cmpi ne, %rem3A_524, %ne3A_525 : i32
    %and3A_527 = arith.andi %ne3A_523, %ne3A_526 : i1
    %sub3A_528 = arith.constant 1 : i32
    %sub3A_529 = arith.subi %div3A_508, %sub3A_528 : i32
    %select_n3A_530 = arith.select %and3A_527, %sub3A_529, %div3A_508 : i32
    %dma_start3A_531 = arith.constant 8 : i32
    %dma_start3A_532 = arith.constant 0 : i32
    %dma_start3A_533 = tpu.memref_slice %arg6[%dma_start3A_531, %dma_start3A_532] : memref<26x128xi32, #tpu.memory_space<vmem>> -> memref<1x128xi32, #tpu.memory_space<vmem>>
    %dma_start3A_534 = tpu.memref_squeeze %dma_start3A_533 : memref<1x128xi32, #tpu.memory_space<vmem>> -> memref<128xi32, #tpu.memory_space<vmem>>
    %dma_start3A_535 = arith.constant 0 : i32
    %dma_start3A_536 = arith.constant 0 : i32
    %dma_start3A_537 = tpu.memref_slice %arg2[%select_n3A_530, %dma_start3A_535, %dma_start3A_536] : memref<26x50000x128xf32, #tpu.memory_space<hbm>> -> memref<1x50000x128xf32, #tpu.memory_space<hbm>>
    %dma_start3A_538 = tpu.memref_squeeze %dma_start3A_537 : memref<1x50000x128xf32, #tpu.memory_space<hbm>> -> memref<50000x128xf32, #tpu.memory_space<hbm>>
    %dma_start3A_539 = arith.constant 0 : i32
    %dma_start3A_540 = arith.constant 0 : i32
    %dma_start3A_541 = tpu.memref_slice %dma_start3A_538[%dma_start3A_539, %dma_start3A_540] : memref<50000x128xf32, #tpu.memory_space<hbm>> -> memref<50000x128xf32, #tpu.memory_space<hbm>>
    tpu.enqueue_indirect_dma source(%dma_start3A_541 : memref<50000x128xf32, #tpu.memory_space<hbm>>) target(%arg8 : memref<128x128xf32, #tpu.memory_space<vmem>>) offsets(%dma_start3A_534 : memref<128xi32, #tpu.memory_space<vmem>>) semaphore(%arg9 : memref<!tpu.dma_semaphore, #tpu.memory_space<semaphore_mem>>)
    %dma_wait3A_542 = arith.constant 8 : i32
    %dma_wait3A_543 = arith.constant 0 : i32
    %dma_wait3A_544 = tpu.memref_slice %arg6[%dma_wait3A_542, %dma_wait3A_543] : memref<26x128xi32, #tpu.memory_space<vmem>> -> memref<1x128xi32, #tpu.memory_space<vmem>>
    %dma_wait3A_545 = tpu.memref_squeeze %dma_wait3A_544 : memref<1x128xi32, #tpu.memory_space<vmem>> -> memref<128xi32, #tpu.memory_space<vmem>>
    %dma_wait3A_546 = arith.constant 0 : i32
    %dma_wait3A_547 = arith.constant 0 : i32
    %dma_wait3A_548 = tpu.memref_slice %arg2[%select_n3A_530, %dma_wait3A_546, %dma_wait3A_547] : memref<26x50000x128xf32, #tpu.memory_space<hbm>> -> memref<1x50000x128xf32, #tpu.memory_space<hbm>>
    %dma_wait3A_549 = tpu.memref_squeeze %dma_wait3A_548 : memref<1x50000x128xf32, #tpu.memory_space<hbm>> -> memref<50000x128xf32, #tpu.memory_space<hbm>>
    %dma_wait3A_550 = arith.constant 0 : i32
    %dma_wait3A_551 = arith.constant 0 : i32
    %dma_wait3A_552 = tpu.memref_slice %dma_wait3A_549[%dma_wait3A_550, %dma_wait3A_551] : memref<50000x128xf32, #tpu.memory_space<hbm>> -> memref<50000x128xf32, #tpu.memory_space<hbm>>
    tpu.wait_indirect_dma semaphore(%arg9 : memref<!tpu.dma_semaphore, #tpu.memory_space<semaphore_mem>>) src(%dma_wait3A_552 : memref<50000x128xf32, #tpu.memory_space<hbm>>) dst(%arg8 : memref<128x128xf32, #tpu.memory_space<vmem>>)
    %dma_start3A_553 = arith.constant 8 : i32
    %dma_start3A_554 = arith.constant 0 : i32
    %dma_start3A_555 = tpu.memref_slice %arg7[%dma_start3A_553, %dma_start3A_554] : memref<26x128xi32, #tpu.memory_space<vmem>> -> memref<1x128xi32, #tpu.memory_space<vmem>>
    %dma_start3A_556 = tpu.memref_squeeze %dma_start3A_555 : memref<1x128xi32, #tpu.memory_space<vmem>> -> memref<128xi32, #tpu.memory_space<vmem>>
    %dma_start3A_557 = arith.constant 0 : i32
    %dma_start3A_558 = arith.constant 0 : i32
    %dma_start3A_559 = tpu.memref_slice %arg5[%dma_start3A_557, %dma_start3A_558] : memref<106496x128xf32, #tpu.memory_space<hbm>> -> memref<106496x128xf32, #tpu.memory_space<hbm>>
    tpu.enqueue_indirect_dma source(%arg8 : memref<128x128xf32, #tpu.memory_space<vmem>>) target(%dma_start3A_559 : memref<106496x128xf32, #tpu.memory_space<hbm>>) offsets(%dma_start3A_556 : memref<128xi32, #tpu.memory_space<vmem>>) semaphore(%arg10 : memref<!tpu.dma_semaphore, #tpu.memory_space<semaphore_mem>>)
    %dma_wait3A_560 = arith.constant 8 : i32
    %dma_wait3A_561 = arith.constant 0 : i32
    %dma_wait3A_562 = tpu.memref_slice %arg7[%dma_wait3A_560, %dma_wait3A_561] : memref<26x128xi32, #tpu.memory_space<vmem>> -> memref<1x128xi32, #tpu.memory_space<vmem>>
    %dma_wait3A_563 = tpu.memref_squeeze %dma_wait3A_562 : memref<1x128xi32, #tpu.memory_space<vmem>> -> memref<128xi32, #tpu.memory_space<vmem>>
    %dma_wait3A_564 = arith.constant 0 : i32
    %dma_wait3A_565 = arith.constant 0 : i32
    %dma_wait3A_566 = tpu.memref_slice %arg5[%dma_wait3A_564, %dma_wait3A_565] : memref<106496x128xf32, #tpu.memory_space<hbm>> -> memref<106496x128xf32, #tpu.memory_space<hbm>>
    tpu.wait_indirect_dma semaphore(%arg10 : memref<!tpu.dma_semaphore, #tpu.memory_space<semaphore_mem>>) src(%arg8 : memref<128x128xf32, #tpu.memory_space<vmem>>) dst(%dma_wait3A_566 : memref<106496x128xf32, #tpu.memory_space<hbm>>)
    %mul3A_567 = arith.constant 26 : i32
    %mul3A_568 = arith.muli %add3A, %mul3A_567 : i32
    %add3A_569 = arith.constant 9 : i32
    %add3A_570 = arith.addi %mul3A_568, %add3A_569 : i32
    %jit3A_571 = arith.constant 32 : i32
    %div3A_572 = arith.divsi %add3A_570, %jit3A_571 : i32
    %sign3A_573 = arith.constant 0 : i32
    %sign3A_574 = arith.cmpi sgt, %add3A_570, %sign3A_573 : i32
    %sign3A_575 = arith.extui %sign3A_574 : i1 to i32
    %sign3A_576 = arith.constant 0 : i32
    %sign3A_577 = arith.cmpi slt, %add3A_570, %sign3A_576 : i32
    %sign3A_578 = arith.extui %sign3A_577 : i1 to i32
    %sign3A_579 = arith.subi %sign3A_575, %sign3A_578 : i32
    %sign3A_580 = arith.constant 0 : i32
    %sign3A_581 = arith.cmpi sgt, %jit3A_571, %sign3A_580 : i32
    %sign3A_582 = arith.extui %sign3A_581 : i1 to i32
    %sign3A_583 = arith.constant 0 : i32
    %sign3A_584 = arith.cmpi slt, %jit3A_571, %sign3A_583 : i32
    %sign3A_585 = arith.extui %sign3A_584 : i1 to i32
    %sign3A_586 = arith.subi %sign3A_582, %sign3A_585 : i32
    %ne3A_587 = arith.cmpi ne, %sign3A_579, %sign3A_586 : i32
    %rem3A_588 = arith.remsi %add3A_570, %jit3A_571 : i32
    %ne3A_589 = arith.constant 0 : i32
    %ne3A_590 = arith.cmpi ne, %rem3A_588, %ne3A_589 : i32
    %and3A_591 = arith.andi %ne3A_587, %ne3A_590 : i1
    %sub3A_592 = arith.constant 1 : i32
    %sub3A_593 = arith.subi %div3A_572, %sub3A_592 : i32
    %select_n3A_594 = arith.select %and3A_591, %sub3A_593, %div3A_572 : i32
    %dma_start3A_595 = arith.constant 9 : i32
    %dma_start3A_596 = arith.constant 0 : i32
    %dma_start3A_597 = tpu.memref_slice %arg6[%dma_start3A_595, %dma_start3A_596] : memref<26x128xi32, #tpu.memory_space<vmem>> -> memref<1x128xi32, #tpu.memory_space<vmem>>
    %dma_start3A_598 = tpu.memref_squeeze %dma_start3A_597 : memref<1x128xi32, #tpu.memory_space<vmem>> -> memref<128xi32, #tpu.memory_space<vmem>>
    %dma_start3A_599 = arith.constant 0 : i32
    %dma_start3A_600 = arith.constant 0 : i32
    %dma_start3A_601 = tpu.memref_slice %arg2[%select_n3A_594, %dma_start3A_599, %dma_start3A_600] : memref<26x50000x128xf32, #tpu.memory_space<hbm>> -> memref<1x50000x128xf32, #tpu.memory_space<hbm>>
    %dma_start3A_602 = tpu.memref_squeeze %dma_start3A_601 : memref<1x50000x128xf32, #tpu.memory_space<hbm>> -> memref<50000x128xf32, #tpu.memory_space<hbm>>
    %dma_start3A_603 = arith.constant 0 : i32
    %dma_start3A_604 = arith.constant 0 : i32
    %dma_start3A_605 = tpu.memref_slice %dma_start3A_602[%dma_start3A_603, %dma_start3A_604] : memref<50000x128xf32, #tpu.memory_space<hbm>> -> memref<50000x128xf32, #tpu.memory_space<hbm>>
    tpu.enqueue_indirect_dma source(%dma_start3A_605 : memref<50000x128xf32, #tpu.memory_space<hbm>>) target(%arg8 : memref<128x128xf32, #tpu.memory_space<vmem>>) offsets(%dma_start3A_598 : memref<128xi32, #tpu.memory_space<vmem>>) semaphore(%arg9 : memref<!tpu.dma_semaphore, #tpu.memory_space<semaphore_mem>>)
    %dma_wait3A_606 = arith.constant 9 : i32
    %dma_wait3A_607 = arith.constant 0 : i32
    %dma_wait3A_608 = tpu.memref_slice %arg6[%dma_wait3A_606, %dma_wait3A_607] : memref<26x128xi32, #tpu.memory_space<vmem>> -> memref<1x128xi32, #tpu.memory_space<vmem>>
    %dma_wait3A_609 = tpu.memref_squeeze %dma_wait3A_608 : memref<1x128xi32, #tpu.memory_space<vmem>> -> memref<128xi32, #tpu.memory_space<vmem>>
    %dma_wait3A_610 = arith.constant 0 : i32
    %dma_wait3A_611 = arith.constant 0 : i32
    %dma_wait3A_612 = tpu.memref_slice %arg2[%select_n3A_594, %dma_wait3A_610, %dma_wait3A_611] : memref<26x50000x128xf32, #tpu.memory_space<hbm>> -> memref<1x50000x128xf32, #tpu.memory_space<hbm>>
    %dma_wait3A_613 = tpu.memref_squeeze %dma_wait3A_612 : memref<1x50000x128xf32, #tpu.memory_space<hbm>> -> memref<50000x128xf32, #tpu.memory_space<hbm>>
    %dma_wait3A_614 = arith.constant 0 : i32
    %dma_wait3A_615 = arith.constant 0 : i32
    %dma_wait3A_616 = tpu.memref_slice %dma_wait3A_613[%dma_wait3A_614, %dma_wait3A_615] : memref<50000x128xf32, #tpu.memory_space<hbm>> -> memref<50000x128xf32, #tpu.memory_space<hbm>>
    tpu.wait_indirect_dma semaphore(%arg9 : memref<!tpu.dma_semaphore, #tpu.memory_space<semaphore_mem>>) src(%dma_wait3A_616 : memref<50000x128xf32, #tpu.memory_space<hbm>>) dst(%arg8 : memref<128x128xf32, #tpu.memory_space<vmem>>)
    %dma_start3A_617 = arith.constant 9 : i32
    %dma_start3A_618 = arith.constant 0 : i32
    %dma_start3A_619 = tpu.memref_slice %arg7[%dma_start3A_617, %dma_start3A_618] : memref<26x128xi32, #tpu.memory_space<vmem>> -> memref<1x128xi32, #tpu.memory_space<vmem>>
    %dma_start3A_620 = tpu.memref_squeeze %dma_start3A_619 : memref<1x128xi32, #tpu.memory_space<vmem>> -> memref<128xi32, #tpu.memory_space<vmem>>
    %dma_start3A_621 = arith.constant 0 : i32
    %dma_start3A_622 = arith.constant 0 : i32
    %dma_start3A_623 = tpu.memref_slice %arg5[%dma_start3A_621, %dma_start3A_622] : memref<106496x128xf32, #tpu.memory_space<hbm>> -> memref<106496x128xf32, #tpu.memory_space<hbm>>
    tpu.enqueue_indirect_dma source(%arg8 : memref<128x128xf32, #tpu.memory_space<vmem>>) target(%dma_start3A_623 : memref<106496x128xf32, #tpu.memory_space<hbm>>) offsets(%dma_start3A_620 : memref<128xi32, #tpu.memory_space<vmem>>) semaphore(%arg10 : memref<!tpu.dma_semaphore, #tpu.memory_space<semaphore_mem>>)
    %dma_wait3A_624 = arith.constant 9 : i32
    %dma_wait3A_625 = arith.constant 0 : i32
    %dma_wait3A_626 = tpu.memref_slice %arg7[%dma_wait3A_624, %dma_wait3A_625] : memref<26x128xi32, #tpu.memory_space<vmem>> -> memref<1x128xi32, #tpu.memory_space<vmem>>
    %dma_wait3A_627 = tpu.memref_squeeze %dma_wait3A_626 : memref<1x128xi32, #tpu.memory_space<vmem>> -> memref<128xi32, #tpu.memory_space<vmem>>
    %dma_wait3A_628 = arith.constant 0 : i32
    %dma_wait3A_629 = arith.constant 0 : i32
    %dma_wait3A_630 = tpu.memref_slice %arg5[%dma_wait3A_628, %dma_wait3A_629] : memref<106496x128xf32, #tpu.memory_space<hbm>> -> memref<106496x128xf32, #tpu.memory_space<hbm>>
    tpu.wait_indirect_dma semaphore(%arg10 : memref<!tpu.dma_semaphore, #tpu.memory_space<semaphore_mem>>) src(%arg8 : memref<128x128xf32, #tpu.memory_space<vmem>>) dst(%dma_wait3A_630 : memref<106496x128xf32, #tpu.memory_space<hbm>>)
    %mul3A_631 = arith.constant 26 : i32
    %mul3A_632 = arith.muli %add3A, %mul3A_631 : i32
    %add3A_633 = arith.constant 10 : i32
    %add3A_634 = arith.addi %mul3A_632, %add3A_633 : i32
    %jit3A_635 = arith.constant 32 : i32
    %div3A_636 = arith.divsi %add3A_634, %jit3A_635 : i32
    %sign3A_637 = arith.constant 0 : i32
    %sign3A_638 = arith.cmpi sgt, %add3A_634, %sign3A_637 : i32
    %sign3A_639 = arith.extui %sign3A_638 : i1 to i32
    %sign3A_640 = arith.constant 0 : i32
    %sign3A_641 = arith.cmpi slt, %add3A_634, %sign3A_640 : i32
    %sign3A_642 = arith.extui %sign3A_641 : i1 to i32
    %sign3A_643 = arith.subi %sign3A_639, %sign3A_642 : i32
    %sign3A_644 = arith.constant 0 : i32
    %sign3A_645 = arith.cmpi sgt, %jit3A_635, %sign3A_644 : i32
    %sign3A_646 = arith.extui %sign3A_645 : i1 to i32
    %sign3A_647 = arith.constant 0 : i32
    %sign3A_648 = arith.cmpi slt, %jit3A_635, %sign3A_647 : i32
    %sign3A_649 = arith.extui %sign3A_648 : i1 to i32
    %sign3A_650 = arith.subi %sign3A_646, %sign3A_649 : i32
    %ne3A_651 = arith.cmpi ne, %sign3A_643, %sign3A_650 : i32
    %rem3A_652 = arith.remsi %add3A_634, %jit3A_635 : i32
    %ne3A_653 = arith.constant 0 : i32
    %ne3A_654 = arith.cmpi ne, %rem3A_652, %ne3A_653 : i32
    %and3A_655 = arith.andi %ne3A_651, %ne3A_654 : i1
    %sub3A_656 = arith.constant 1 : i32
    %sub3A_657 = arith.subi %div3A_636, %sub3A_656 : i32
    %select_n3A_658 = arith.select %and3A_655, %sub3A_657, %div3A_636 : i32
    %dma_start3A_659 = arith.constant 10 : i32
    %dma_start3A_660 = arith.constant 0 : i32
    %dma_start3A_661 = tpu.memref_slice %arg6[%dma_start3A_659, %dma_start3A_660] : memref<26x128xi32, #tpu.memory_space<vmem>> -> memref<1x128xi32, #tpu.memory_space<vmem>>
    %dma_start3A_662 = tpu.memref_squeeze %dma_start3A_661 : memref<1x128xi32, #tpu.memory_space<vmem>> -> memref<128xi32, #tpu.memory_space<vmem>>
    %dma_start3A_663 = arith.constant 0 : i32
    %dma_start3A_664 = arith.constant 0 : i32
    %dma_start3A_665 = tpu.memref_slice %arg2[%select_n3A_658, %dma_start3A_663, %dma_start3A_664] : memref<26x50000x128xf32, #tpu.memory_space<hbm>> -> memref<1x50000x128xf32, #tpu.memory_space<hbm>>
    %dma_start3A_666 = tpu.memref_squeeze %dma_start3A_665 : memref<1x50000x128xf32, #tpu.memory_space<hbm>> -> memref<50000x128xf32, #tpu.memory_space<hbm>>
    %dma_start3A_667 = arith.constant 0 : i32
    %dma_start3A_668 = arith.constant 0 : i32
    %dma_start3A_669 = tpu.memref_slice %dma_start3A_666[%dma_start3A_667, %dma_start3A_668] : memref<50000x128xf32, #tpu.memory_space<hbm>> -> memref<50000x128xf32, #tpu.memory_space<hbm>>
    tpu.enqueue_indirect_dma source(%dma_start3A_669 : memref<50000x128xf32, #tpu.memory_space<hbm>>) target(%arg8 : memref<128x128xf32, #tpu.memory_space<vmem>>) offsets(%dma_start3A_662 : memref<128xi32, #tpu.memory_space<vmem>>) semaphore(%arg9 : memref<!tpu.dma_semaphore, #tpu.memory_space<semaphore_mem>>)
    %dma_wait3A_670 = arith.constant 10 : i32
    %dma_wait3A_671 = arith.constant 0 : i32
    %dma_wait3A_672 = tpu.memref_slice %arg6[%dma_wait3A_670, %dma_wait3A_671] : memref<26x128xi32, #tpu.memory_space<vmem>> -> memref<1x128xi32, #tpu.memory_space<vmem>>
    %dma_wait3A_673 = tpu.memref_squeeze %dma_wait3A_672 : memref<1x128xi32, #tpu.memory_space<vmem>> -> memref<128xi32, #tpu.memory_space<vmem>>
    %dma_wait3A_674 = arith.constant 0 : i32
    %dma_wait3A_675 = arith.constant 0 : i32
    %dma_wait3A_676 = tpu.memref_slice %arg2[%select_n3A_658, %dma_wait3A_674, %dma_wait3A_675] : memref<26x50000x128xf32, #tpu.memory_space<hbm>> -> memref<1x50000x128xf32, #tpu.memory_space<hbm>>
    %dma_wait3A_677 = tpu.memref_squeeze %dma_wait3A_676 : memref<1x50000x128xf32, #tpu.memory_space<hbm>> -> memref<50000x128xf32, #tpu.memory_space<hbm>>
    %dma_wait3A_678 = arith.constant 0 : i32
    %dma_wait3A_679 = arith.constant 0 : i32
    %dma_wait3A_680 = tpu.memref_slice %dma_wait3A_677[%dma_wait3A_678, %dma_wait3A_679] : memref<50000x128xf32, #tpu.memory_space<hbm>> -> memref<50000x128xf32, #tpu.memory_space<hbm>>
    tpu.wait_indirect_dma semaphore(%arg9 : memref<!tpu.dma_semaphore, #tpu.memory_space<semaphore_mem>>) src(%dma_wait3A_680 : memref<50000x128xf32, #tpu.memory_space<hbm>>) dst(%arg8 : memref<128x128xf32, #tpu.memory_space<vmem>>)
    %dma_start3A_681 = arith.constant 10 : i32
    %dma_start3A_682 = arith.constant 0 : i32
    %dma_start3A_683 = tpu.memref_slice %arg7[%dma_start3A_681, %dma_start3A_682] : memref<26x128xi32, #tpu.memory_space<vmem>> -> memref<1x128xi32, #tpu.memory_space<vmem>>
    %dma_start3A_684 = tpu.memref_squeeze %dma_start3A_683 : memref<1x128xi32, #tpu.memory_space<vmem>> -> memref<128xi32, #tpu.memory_space<vmem>>
    %dma_start3A_685 = arith.constant 0 : i32
    %dma_start3A_686 = arith.constant 0 : i32
    %dma_start3A_687 = tpu.memref_slice %arg5[%dma_start3A_685, %dma_start3A_686] : memref<106496x128xf32, #tpu.memory_space<hbm>> -> memref<106496x128xf32, #tpu.memory_space<hbm>>
    tpu.enqueue_indirect_dma source(%arg8 : memref<128x128xf32, #tpu.memory_space<vmem>>) target(%dma_start3A_687 : memref<106496x128xf32, #tpu.memory_space<hbm>>) offsets(%dma_start3A_684 : memref<128xi32, #tpu.memory_space<vmem>>) semaphore(%arg10 : memref<!tpu.dma_semaphore, #tpu.memory_space<semaphore_mem>>)
    %dma_wait3A_688 = arith.constant 10 : i32
    %dma_wait3A_689 = arith.constant 0 : i32
    %dma_wait3A_690 = tpu.memref_slice %arg7[%dma_wait3A_688, %dma_wait3A_689] : memref<26x128xi32, #tpu.memory_space<vmem>> -> memref<1x128xi32, #tpu.memory_space<vmem>>
    %dma_wait3A_691 = tpu.memref_squeeze %dma_wait3A_690 : memref<1x128xi32, #tpu.memory_space<vmem>> -> memref<128xi32, #tpu.memory_space<vmem>>
    %dma_wait3A_692 = arith.constant 0 : i32
    %dma_wait3A_693 = arith.constant 0 : i32
    %dma_wait3A_694 = tpu.memref_slice %arg5[%dma_wait3A_692, %dma_wait3A_693] : memref<106496x128xf32, #tpu.memory_space<hbm>> -> memref<106496x128xf32, #tpu.memory_space<hbm>>
    tpu.wait_indirect_dma semaphore(%arg10 : memref<!tpu.dma_semaphore, #tpu.memory_space<semaphore_mem>>) src(%arg8 : memref<128x128xf32, #tpu.memory_space<vmem>>) dst(%dma_wait3A_694 : memref<106496x128xf32, #tpu.memory_space<hbm>>)
    %mul3A_695 = arith.constant 26 : i32
    %mul3A_696 = arith.muli %add3A, %mul3A_695 : i32
    %add3A_697 = arith.constant 11 : i32
    %add3A_698 = arith.addi %mul3A_696, %add3A_697 : i32
    %jit3A_699 = arith.constant 32 : i32
    %div3A_700 = arith.divsi %add3A_698, %jit3A_699 : i32
    %sign3A_701 = arith.constant 0 : i32
    %sign3A_702 = arith.cmpi sgt, %add3A_698, %sign3A_701 : i32
    %sign3A_703 = arith.extui %sign3A_702 : i1 to i32
    %sign3A_704 = arith.constant 0 : i32
    %sign3A_705 = arith.cmpi slt, %add3A_698, %sign3A_704 : i32
    %sign3A_706 = arith.extui %sign3A_705 : i1 to i32
    %sign3A_707 = arith.subi %sign3A_703, %sign3A_706 : i32
    %sign3A_708 = arith.constant 0 : i32
    %sign3A_709 = arith.cmpi sgt, %jit3A_699, %sign3A_708 : i32
    %sign3A_710 = arith.extui %sign3A_709 : i1 to i32
    %sign3A_711 = arith.constant 0 : i32
    %sign3A_712 = arith.cmpi slt, %jit3A_699, %sign3A_711 : i32
    %sign3A_713 = arith.extui %sign3A_712 : i1 to i32
    %sign3A_714 = arith.subi %sign3A_710, %sign3A_713 : i32
    %ne3A_715 = arith.cmpi ne, %sign3A_707, %sign3A_714 : i32
    %rem3A_716 = arith.remsi %add3A_698, %jit3A_699 : i32
    %ne3A_717 = arith.constant 0 : i32
    %ne3A_718 = arith.cmpi ne, %rem3A_716, %ne3A_717 : i32
    %and3A_719 = arith.andi %ne3A_715, %ne3A_718 : i1
    %sub3A_720 = arith.constant 1 : i32
    %sub3A_721 = arith.subi %div3A_700, %sub3A_720 : i32
    %select_n3A_722 = arith.select %and3A_719, %sub3A_721, %div3A_700 : i32
    %dma_start3A_723 = arith.constant 11 : i32
    %dma_start3A_724 = arith.constant 0 : i32
    %dma_start3A_725 = tpu.memref_slice %arg6[%dma_start3A_723, %dma_start3A_724] : memref<26x128xi32, #tpu.memory_space<vmem>> -> memref<1x128xi32, #tpu.memory_space<vmem>>
    %dma_start3A_726 = tpu.memref_squeeze %dma_start3A_725 : memref<1x128xi32, #tpu.memory_space<vmem>> -> memref<128xi32, #tpu.memory_space<vmem>>
    %dma_start3A_727 = arith.constant 0 : i32
    %dma_start3A_728 = arith.constant 0 : i32
    %dma_start3A_729 = tpu.memref_slice %arg2[%select_n3A_722, %dma_start3A_727, %dma_start3A_728] : memref<26x50000x128xf32, #tpu.memory_space<hbm>> -> memref<1x50000x128xf32, #tpu.memory_space<hbm>>
    %dma_start3A_730 = tpu.memref_squeeze %dma_start3A_729 : memref<1x50000x128xf32, #tpu.memory_space<hbm>> -> memref<50000x128xf32, #tpu.memory_space<hbm>>
    %dma_start3A_731 = arith.constant 0 : i32
    %dma_start3A_732 = arith.constant 0 : i32
    %dma_start3A_733 = tpu.memref_slice %dma_start3A_730[%dma_start3A_731, %dma_start3A_732] : memref<50000x128xf32, #tpu.memory_space<hbm>> -> memref<50000x128xf32, #tpu.memory_space<hbm>>
    tpu.enqueue_indirect_dma source(%dma_start3A_733 : memref<50000x128xf32, #tpu.memory_space<hbm>>) target(%arg8 : memref<128x128xf32, #tpu.memory_space<vmem>>) offsets(%dma_start3A_726 : memref<128xi32, #tpu.memory_space<vmem>>) semaphore(%arg9 : memref<!tpu.dma_semaphore, #tpu.memory_space<semaphore_mem>>)
    %dma_wait3A_734 = arith.constant 11 : i32
    %dma_wait3A_735 = arith.constant 0 : i32
    %dma_wait3A_736 = tpu.memref_slice %arg6[%dma_wait3A_734, %dma_wait3A_735] : memref<26x128xi32, #tpu.memory_space<vmem>> -> memref<1x128xi32, #tpu.memory_space<vmem>>
    %dma_wait3A_737 = tpu.memref_squeeze %dma_wait3A_736 : memref<1x128xi32, #tpu.memory_space<vmem>> -> memref<128xi32, #tpu.memory_space<vmem>>
    %dma_wait3A_738 = arith.constant 0 : i32
    %dma_wait3A_739 = arith.constant 0 : i32
    %dma_wait3A_740 = tpu.memref_slice %arg2[%select_n3A_722, %dma_wait3A_738, %dma_wait3A_739] : memref<26x50000x128xf32, #tpu.memory_space<hbm>> -> memref<1x50000x128xf32, #tpu.memory_space<hbm>>
    %dma_wait3A_741 = tpu.memref_squeeze %dma_wait3A_740 : memref<1x50000x128xf32, #tpu.memory_space<hbm>> -> memref<50000x128xf32, #tpu.memory_space<hbm>>
    %dma_wait3A_742 = arith.constant 0 : i32
    %dma_wait3A_743 = arith.constant 0 : i32
    %dma_wait3A_744 = tpu.memref_slice %dma_wait3A_741[%dma_wait3A_742, %dma_wait3A_743] : memref<50000x128xf32, #tpu.memory_space<hbm>> -> memref<50000x128xf32, #tpu.memory_space<hbm>>
    tpu.wait_indirect_dma semaphore(%arg9 : memref<!tpu.dma_semaphore, #tpu.memory_space<semaphore_mem>>) src(%dma_wait3A_744 : memref<50000x128xf32, #tpu.memory_space<hbm>>) dst(%arg8 : memref<128x128xf32, #tpu.memory_space<vmem>>)
    %dma_start3A_745 = arith.constant 11 : i32
    %dma_start3A_746 = arith.constant 0 : i32
    %dma_start3A_747 = tpu.memref_slice %arg7[%dma_start3A_745, %dma_start3A_746] : memref<26x128xi32, #tpu.memory_space<vmem>> -> memref<1x128xi32, #tpu.memory_space<vmem>>
    %dma_start3A_748 = tpu.memref_squeeze %dma_start3A_747 : memref<1x128xi32, #tpu.memory_space<vmem>> -> memref<128xi32, #tpu.memory_space<vmem>>
    %dma_start3A_749 = arith.constant 0 : i32
    %dma_start3A_750 = arith.constant 0 : i32
    %dma_start3A_751 = tpu.memref_slice %arg5[%dma_start3A_749, %dma_start3A_750] : memref<106496x128xf32, #tpu.memory_space<hbm>> -> memref<106496x128xf32, #tpu.memory_space<hbm>>
    tpu.enqueue_indirect_dma source(%arg8 : memref<128x128xf32, #tpu.memory_space<vmem>>) target(%dma_start3A_751 : memref<106496x128xf32, #tpu.memory_space<hbm>>) offsets(%dma_start3A_748 : memref<128xi32, #tpu.memory_space<vmem>>) semaphore(%arg10 : memref<!tpu.dma_semaphore, #tpu.memory_space<semaphore_mem>>)
    %dma_wait3A_752 = arith.constant 11 : i32
    %dma_wait3A_753 = arith.constant 0 : i32
    %dma_wait3A_754 = tpu.memref_slice %arg7[%dma_wait3A_752, %dma_wait3A_753] : memref<26x128xi32, #tpu.memory_space<vmem>> -> memref<1x128xi32, #tpu.memory_space<vmem>>
    %dma_wait3A_755 = tpu.memref_squeeze %dma_wait3A_754 : memref<1x128xi32, #tpu.memory_space<vmem>> -> memref<128xi32, #tpu.memory_space<vmem>>
    %dma_wait3A_756 = arith.constant 0 : i32
    %dma_wait3A_757 = arith.constant 0 : i32
    %dma_wait3A_758 = tpu.memref_slice %arg5[%dma_wait3A_756, %dma_wait3A_757] : memref<106496x128xf32, #tpu.memory_space<hbm>> -> memref<106496x128xf32, #tpu.memory_space<hbm>>
    tpu.wait_indirect_dma semaphore(%arg10 : memref<!tpu.dma_semaphore, #tpu.memory_space<semaphore_mem>>) src(%arg8 : memref<128x128xf32, #tpu.memory_space<vmem>>) dst(%dma_wait3A_758 : memref<106496x128xf32, #tpu.memory_space<hbm>>)
    %mul3A_759 = arith.constant 26 : i32
    %mul3A_760 = arith.muli %add3A, %mul3A_759 : i32
    %add3A_761 = arith.constant 12 : i32
    %add3A_762 = arith.addi %mul3A_760, %add3A_761 : i32
    %jit3A_763 = arith.constant 32 : i32
    %div3A_764 = arith.divsi %add3A_762, %jit3A_763 : i32
    %sign3A_765 = arith.constant 0 : i32
    %sign3A_766 = arith.cmpi sgt, %add3A_762, %sign3A_765 : i32
    %sign3A_767 = arith.extui %sign3A_766 : i1 to i32
    %sign3A_768 = arith.constant 0 : i32
    %sign3A_769 = arith.cmpi slt, %add3A_762, %sign3A_768 : i32
    %sign3A_770 = arith.extui %sign3A_769 : i1 to i32
    %sign3A_771 = arith.subi %sign3A_767, %sign3A_770 : i32
    %sign3A_772 = arith.constant 0 : i32
    %sign3A_773 = arith.cmpi sgt, %jit3A_763, %sign3A_772 : i32
    %sign3A_774 = arith.extui %sign3A_773 : i1 to i32
    %sign3A_775 = arith.constant 0 : i32
    %sign3A_776 = arith.cmpi slt, %jit3A_763, %sign3A_775 : i32
    %sign3A_777 = arith.extui %sign3A_776 : i1 to i32
    %sign3A_778 = arith.subi %sign3A_774, %sign3A_777 : i32
    %ne3A_779 = arith.cmpi ne, %sign3A_771, %sign3A_778 : i32
    %rem3A_780 = arith.remsi %add3A_762, %jit3A_763 : i32
    %ne3A_781 = arith.constant 0 : i32
    %ne3A_782 = arith.cmpi ne, %rem3A_780, %ne3A_781 : i32
    %and3A_783 = arith.andi %ne3A_779, %ne3A_782 : i1
    %sub3A_784 = arith.constant 1 : i32
    %sub3A_785 = arith.subi %div3A_764, %sub3A_784 : i32
    %select_n3A_786 = arith.select %and3A_783, %sub3A_785, %div3A_764 : i32
    %dma_start3A_787 = arith.constant 12 : i32
    %dma_start3A_788 = arith.constant 0 : i32
    %dma_start3A_789 = tpu.memref_slice %arg6[%dma_start3A_787, %dma_start3A_788] : memref<26x128xi32, #tpu.memory_space<vmem>> -> memref<1x128xi32, #tpu.memory_space<vmem>>
    %dma_start3A_790 = tpu.memref_squeeze %dma_start3A_789 : memref<1x128xi32, #tpu.memory_space<vmem>> -> memref<128xi32, #tpu.memory_space<vmem>>
    %dma_start3A_791 = arith.constant 0 : i32
    %dma_start3A_792 = arith.constant 0 : i32
    %dma_start3A_793 = tpu.memref_slice %arg2[%select_n3A_786, %dma_start3A_791, %dma_start3A_792] : memref<26x50000x128xf32, #tpu.memory_space<hbm>> -> memref<1x50000x128xf32, #tpu.memory_space<hbm>>
    %dma_start3A_794 = tpu.memref_squeeze %dma_start3A_793 : memref<1x50000x128xf32, #tpu.memory_space<hbm>> -> memref<50000x128xf32, #tpu.memory_space<hbm>>
    %dma_start3A_795 = arith.constant 0 : i32
    %dma_start3A_796 = arith.constant 0 : i32
    %dma_start3A_797 = tpu.memref_slice %dma_start3A_794[%dma_start3A_795, %dma_start3A_796] : memref<50000x128xf32, #tpu.memory_space<hbm>> -> memref<50000x128xf32, #tpu.memory_space<hbm>>
    tpu.enqueue_indirect_dma source(%dma_start3A_797 : memref<50000x128xf32, #tpu.memory_space<hbm>>) target(%arg8 : memref<128x128xf32, #tpu.memory_space<vmem>>) offsets(%dma_start3A_790 : memref<128xi32, #tpu.memory_space<vmem>>) semaphore(%arg9 : memref<!tpu.dma_semaphore, #tpu.memory_space<semaphore_mem>>)
    %dma_wait3A_798 = arith.constant 12 : i32
    %dma_wait3A_799 = arith.constant 0 : i32
    %dma_wait3A_800 = tpu.memref_slice %arg6[%dma_wait3A_798, %dma_wait3A_799] : memref<26x128xi32, #tpu.memory_space<vmem>> -> memref<1x128xi32, #tpu.memory_space<vmem>>
    %dma_wait3A_801 = tpu.memref_squeeze %dma_wait3A_800 : memref<1x128xi32, #tpu.memory_space<vmem>> -> memref<128xi32, #tpu.memory_space<vmem>>
    %dma_wait3A_802 = arith.constant 0 : i32
    %dma_wait3A_803 = arith.constant 0 : i32
    %dma_wait3A_804 = tpu.memref_slice %arg2[%select_n3A_786, %dma_wait3A_802, %dma_wait3A_803] : memref<26x50000x128xf32, #tpu.memory_space<hbm>> -> memref<1x50000x128xf32, #tpu.memory_space<hbm>>
    %dma_wait3A_805 = tpu.memref_squeeze %dma_wait3A_804 : memref<1x50000x128xf32, #tpu.memory_space<hbm>> -> memref<50000x128xf32, #tpu.memory_space<hbm>>
    %dma_wait3A_806 = arith.constant 0 : i32
    %dma_wait3A_807 = arith.constant 0 : i32
    %dma_wait3A_808 = tpu.memref_slice %dma_wait3A_805[%dma_wait3A_806, %dma_wait3A_807] : memref<50000x128xf32, #tpu.memory_space<hbm>> -> memref<50000x128xf32, #tpu.memory_space<hbm>>
    tpu.wait_indirect_dma semaphore(%arg9 : memref<!tpu.dma_semaphore, #tpu.memory_space<semaphore_mem>>) src(%dma_wait3A_808 : memref<50000x128xf32, #tpu.memory_space<hbm>>) dst(%arg8 : memref<128x128xf32, #tpu.memory_space<vmem>>)
    %dma_start3A_809 = arith.constant 12 : i32
    %dma_start3A_810 = arith.constant 0 : i32
    %dma_start3A_811 = tpu.memref_slice %arg7[%dma_start3A_809, %dma_start3A_810] : memref<26x128xi32, #tpu.memory_space<vmem>> -> memref<1x128xi32, #tpu.memory_space<vmem>>
    %dma_start3A_812 = tpu.memref_squeeze %dma_start3A_811 : memref<1x128xi32, #tpu.memory_space<vmem>> -> memref<128xi32, #tpu.memory_space<vmem>>
    %dma_start3A_813 = arith.constant 0 : i32
    %dma_start3A_814 = arith.constant 0 : i32
    %dma_start3A_815 = tpu.memref_slice %arg5[%dma_start3A_813, %dma_start3A_814] : memref<106496x128xf32, #tpu.memory_space<hbm>> -> memref<106496x128xf32, #tpu.memory_space<hbm>>
    tpu.enqueue_indirect_dma source(%arg8 : memref<128x128xf32, #tpu.memory_space<vmem>>) target(%dma_start3A_815 : memref<106496x128xf32, #tpu.memory_space<hbm>>) offsets(%dma_start3A_812 : memref<128xi32, #tpu.memory_space<vmem>>) semaphore(%arg10 : memref<!tpu.dma_semaphore, #tpu.memory_space<semaphore_mem>>)
    %dma_wait3A_816 = arith.constant 12 : i32
    %dma_wait3A_817 = arith.constant 0 : i32
    %dma_wait3A_818 = tpu.memref_slice %arg7[%dma_wait3A_816, %dma_wait3A_817] : memref<26x128xi32, #tpu.memory_space<vmem>> -> memref<1x128xi32, #tpu.memory_space<vmem>>
    %dma_wait3A_819 = tpu.memref_squeeze %dma_wait3A_818 : memref<1x128xi32, #tpu.memory_space<vmem>> -> memref<128xi32, #tpu.memory_space<vmem>>
    %dma_wait3A_820 = arith.constant 0 : i32
    %dma_wait3A_821 = arith.constant 0 : i32
    %dma_wait3A_822 = tpu.memref_slice %arg5[%dma_wait3A_820, %dma_wait3A_821] : memref<106496x128xf32, #tpu.memory_space<hbm>> -> memref<106496x128xf32, #tpu.memory_space<hbm>>
    tpu.wait_indirect_dma semaphore(%arg10 : memref<!tpu.dma_semaphore, #tpu.memory_space<semaphore_mem>>) src(%arg8 : memref<128x128xf32, #tpu.memory_space<vmem>>) dst(%dma_wait3A_822 : memref<106496x128xf32, #tpu.memory_space<hbm>>)
    %mul3A_823 = arith.constant 26 : i32
    %mul3A_824 = arith.muli %add3A, %mul3A_823 : i32
    %add3A_825 = arith.constant 13 : i32
    %add3A_826 = arith.addi %mul3A_824, %add3A_825 : i32
    %jit3A_827 = arith.constant 32 : i32
    %div3A_828 = arith.divsi %add3A_826, %jit3A_827 : i32
    %sign3A_829 = arith.constant 0 : i32
    %sign3A_830 = arith.cmpi sgt, %add3A_826, %sign3A_829 : i32
    %sign3A_831 = arith.extui %sign3A_830 : i1 to i32
    %sign3A_832 = arith.constant 0 : i32
    %sign3A_833 = arith.cmpi slt, %add3A_826, %sign3A_832 : i32
    %sign3A_834 = arith.extui %sign3A_833 : i1 to i32
    %sign3A_835 = arith.subi %sign3A_831, %sign3A_834 : i32
    %sign3A_836 = arith.constant 0 : i32
    %sign3A_837 = arith.cmpi sgt, %jit3A_827, %sign3A_836 : i32
    %sign3A_838 = arith.extui %sign3A_837 : i1 to i32
    %sign3A_839 = arith.constant 0 : i32
    %sign3A_840 = arith.cmpi slt, %jit3A_827, %sign3A_839 : i32
    %sign3A_841 = arith.extui %sign3A_840 : i1 to i32
    %sign3A_842 = arith.subi %sign3A_838, %sign3A_841 : i32
    %ne3A_843 = arith.cmpi ne, %sign3A_835, %sign3A_842 : i32
    %rem3A_844 = arith.remsi %add3A_826, %jit3A_827 : i32
    %ne3A_845 = arith.constant 0 : i32
    %ne3A_846 = arith.cmpi ne, %rem3A_844, %ne3A_845 : i32
    %and3A_847 = arith.andi %ne3A_843, %ne3A_846 : i1
    %sub3A_848 = arith.constant 1 : i32
    %sub3A_849 = arith.subi %div3A_828, %sub3A_848 : i32
    %select_n3A_850 = arith.select %and3A_847, %sub3A_849, %div3A_828 : i32
    %dma_start3A_851 = arith.constant 13 : i32
    %dma_start3A_852 = arith.constant 0 : i32
    %dma_start3A_853 = tpu.memref_slice %arg6[%dma_start3A_851, %dma_start3A_852] : memref<26x128xi32, #tpu.memory_space<vmem>> -> memref<1x128xi32, #tpu.memory_space<vmem>>
    %dma_start3A_854 = tpu.memref_squeeze %dma_start3A_853 : memref<1x128xi32, #tpu.memory_space<vmem>> -> memref<128xi32, #tpu.memory_space<vmem>>
    %dma_start3A_855 = arith.constant 0 : i32
    %dma_start3A_856 = arith.constant 0 : i32
    %dma_start3A_857 = tpu.memref_slice %arg2[%select_n3A_850, %dma_start3A_855, %dma_start3A_856] : memref<26x50000x128xf32, #tpu.memory_space<hbm>> -> memref<1x50000x128xf32, #tpu.memory_space<hbm>>
    %dma_start3A_858 = tpu.memref_squeeze %dma_start3A_857 : memref<1x50000x128xf32, #tpu.memory_space<hbm>> -> memref<50000x128xf32, #tpu.memory_space<hbm>>
    %dma_start3A_859 = arith.constant 0 : i32
    %dma_start3A_860 = arith.constant 0 : i32
    %dma_start3A_861 = tpu.memref_slice %dma_start3A_858[%dma_start3A_859, %dma_start3A_860] : memref<50000x128xf32, #tpu.memory_space<hbm>> -> memref<50000x128xf32, #tpu.memory_space<hbm>>
    tpu.enqueue_indirect_dma source(%dma_start3A_861 : memref<50000x128xf32, #tpu.memory_space<hbm>>) target(%arg8 : memref<128x128xf32, #tpu.memory_space<vmem>>) offsets(%dma_start3A_854 : memref<128xi32, #tpu.memory_space<vmem>>) semaphore(%arg9 : memref<!tpu.dma_semaphore, #tpu.memory_space<semaphore_mem>>)
    %dma_wait3A_862 = arith.constant 13 : i32
    %dma_wait3A_863 = arith.constant 0 : i32
    %dma_wait3A_864 = tpu.memref_slice %arg6[%dma_wait3A_862, %dma_wait3A_863] : memref<26x128xi32, #tpu.memory_space<vmem>> -> memref<1x128xi32, #tpu.memory_space<vmem>>
    %dma_wait3A_865 = tpu.memref_squeeze %dma_wait3A_864 : memref<1x128xi32, #tpu.memory_space<vmem>> -> memref<128xi32, #tpu.memory_space<vmem>>
    %dma_wait3A_866 = arith.constant 0 : i32
    %dma_wait3A_867 = arith.constant 0 : i32
    %dma_wait3A_868 = tpu.memref_slice %arg2[%select_n3A_850, %dma_wait3A_866, %dma_wait3A_867] : memref<26x50000x128xf32, #tpu.memory_space<hbm>> -> memref<1x50000x128xf32, #tpu.memory_space<hbm>>
    %dma_wait3A_869 = tpu.memref_squeeze %dma_wait3A_868 : memref<1x50000x128xf32, #tpu.memory_space<hbm>> -> memref<50000x128xf32, #tpu.memory_space<hbm>>
    %dma_wait3A_870 = arith.constant 0 : i32
    %dma_wait3A_871 = arith.constant 0 : i32
    %dma_wait3A_872 = tpu.memref_slice %dma_wait3A_869[%dma_wait3A_870, %dma_wait3A_871] : memref<50000x128xf32, #tpu.memory_space<hbm>> -> memref<50000x128xf32, #tpu.memory_space<hbm>>
    tpu.wait_indirect_dma semaphore(%arg9 : memref<!tpu.dma_semaphore, #tpu.memory_space<semaphore_mem>>) src(%dma_wait3A_872 : memref<50000x128xf32, #tpu.memory_space<hbm>>) dst(%arg8 : memref<128x128xf32, #tpu.memory_space<vmem>>)
    %dma_start3A_873 = arith.constant 13 : i32
    %dma_start3A_874 = arith.constant 0 : i32
    %dma_start3A_875 = tpu.memref_slice %arg7[%dma_start3A_873, %dma_start3A_874] : memref<26x128xi32, #tpu.memory_space<vmem>> -> memref<1x128xi32, #tpu.memory_space<vmem>>
    %dma_start3A_876 = tpu.memref_squeeze %dma_start3A_875 : memref<1x128xi32, #tpu.memory_space<vmem>> -> memref<128xi32, #tpu.memory_space<vmem>>
    %dma_start3A_877 = arith.constant 0 : i32
    %dma_start3A_878 = arith.constant 0 : i32
    %dma_start3A_879 = tpu.memref_slice %arg5[%dma_start3A_877, %dma_start3A_878] : memref<106496x128xf32, #tpu.memory_space<hbm>> -> memref<106496x128xf32, #tpu.memory_space<hbm>>
    tpu.enqueue_indirect_dma source(%arg8 : memref<128x128xf32, #tpu.memory_space<vmem>>) target(%dma_start3A_879 : memref<106496x128xf32, #tpu.memory_space<hbm>>) offsets(%dma_start3A_876 : memref<128xi32, #tpu.memory_space<vmem>>) semaphore(%arg10 : memref<!tpu.dma_semaphore, #tpu.memory_space<semaphore_mem>>)
    %dma_wait3A_880 = arith.constant 13 : i32
    %dma_wait3A_881 = arith.constant 0 : i32
    %dma_wait3A_882 = tpu.memref_slice %arg7[%dma_wait3A_880, %dma_wait3A_881] : memref<26x128xi32, #tpu.memory_space<vmem>> -> memref<1x128xi32, #tpu.memory_space<vmem>>
    %dma_wait3A_883 = tpu.memref_squeeze %dma_wait3A_882 : memref<1x128xi32, #tpu.memory_space<vmem>> -> memref<128xi32, #tpu.memory_space<vmem>>
    %dma_wait3A_884 = arith.constant 0 : i32
    %dma_wait3A_885 = arith.constant 0 : i32
    %dma_wait3A_886 = tpu.memref_slice %arg5[%dma_wait3A_884, %dma_wait3A_885] : memref<106496x128xf32, #tpu.memory_space<hbm>> -> memref<106496x128xf32, #tpu.memory_space<hbm>>
    tpu.wait_indirect_dma semaphore(%arg10 : memref<!tpu.dma_semaphore, #tpu.memory_space<semaphore_mem>>) src(%arg8 : memref<128x128xf32, #tpu.memory_space<vmem>>) dst(%dma_wait3A_886 : memref<106496x128xf32, #tpu.memory_space<hbm>>)
    %mul3A_887 = arith.constant 26 : i32
    %mul3A_888 = arith.muli %add3A, %mul3A_887 : i32
    %add3A_889 = arith.constant 14 : i32
    %add3A_890 = arith.addi %mul3A_888, %add3A_889 : i32
    %jit3A_891 = arith.constant 32 : i32
    %div3A_892 = arith.divsi %add3A_890, %jit3A_891 : i32
    %sign3A_893 = arith.constant 0 : i32
    %sign3A_894 = arith.cmpi sgt, %add3A_890, %sign3A_893 : i32
    %sign3A_895 = arith.extui %sign3A_894 : i1 to i32
    %sign3A_896 = arith.constant 0 : i32
    %sign3A_897 = arith.cmpi slt, %add3A_890, %sign3A_896 : i32
    %sign3A_898 = arith.extui %sign3A_897 : i1 to i32
    %sign3A_899 = arith.subi %sign3A_895, %sign3A_898 : i32
    %sign3A_900 = arith.constant 0 : i32
    %sign3A_901 = arith.cmpi sgt, %jit3A_891, %sign3A_900 : i32
    %sign3A_902 = arith.extui %sign3A_901 : i1 to i32
    %sign3A_903 = arith.constant 0 : i32
    %sign3A_904 = arith.cmpi slt, %jit3A_891, %sign3A_903 : i32
    %sign3A_905 = arith.extui %sign3A_904 : i1 to i32
    %sign3A_906 = arith.subi %sign3A_902, %sign3A_905 : i32
    %ne3A_907 = arith.cmpi ne, %sign3A_899, %sign3A_906 : i32
    %rem3A_908 = arith.remsi %add3A_890, %jit3A_891 : i32
    %ne3A_909 = arith.constant 0 : i32
    %ne3A_910 = arith.cmpi ne, %rem3A_908, %ne3A_909 : i32
    %and3A_911 = arith.andi %ne3A_907, %ne3A_910 : i1
    %sub3A_912 = arith.constant 1 : i32
    %sub3A_913 = arith.subi %div3A_892, %sub3A_912 : i32
    %select_n3A_914 = arith.select %and3A_911, %sub3A_913, %div3A_892 : i32
    %dma_start3A_915 = arith.constant 14 : i32
    %dma_start3A_916 = arith.constant 0 : i32
    %dma_start3A_917 = tpu.memref_slice %arg6[%dma_start3A_915, %dma_start3A_916] : memref<26x128xi32, #tpu.memory_space<vmem>> -> memref<1x128xi32, #tpu.memory_space<vmem>>
    %dma_start3A_918 = tpu.memref_squeeze %dma_start3A_917 : memref<1x128xi32, #tpu.memory_space<vmem>> -> memref<128xi32, #tpu.memory_space<vmem>>
    %dma_start3A_919 = arith.constant 0 : i32
    %dma_start3A_920 = arith.constant 0 : i32
    %dma_start3A_921 = tpu.memref_slice %arg2[%select_n3A_914, %dma_start3A_919, %dma_start3A_920] : memref<26x50000x128xf32, #tpu.memory_space<hbm>> -> memref<1x50000x128xf32, #tpu.memory_space<hbm>>
    %dma_start3A_922 = tpu.memref_squeeze %dma_start3A_921 : memref<1x50000x128xf32, #tpu.memory_space<hbm>> -> memref<50000x128xf32, #tpu.memory_space<hbm>>
    %dma_start3A_923 = arith.constant 0 : i32
    %dma_start3A_924 = arith.constant 0 : i32
    %dma_start3A_925 = tpu.memref_slice %dma_start3A_922[%dma_start3A_923, %dma_start3A_924] : memref<50000x128xf32, #tpu.memory_space<hbm>> -> memref<50000x128xf32, #tpu.memory_space<hbm>>
    tpu.enqueue_indirect_dma source(%dma_start3A_925 : memref<50000x128xf32, #tpu.memory_space<hbm>>) target(%arg8 : memref<128x128xf32, #tpu.memory_space<vmem>>) offsets(%dma_start3A_918 : memref<128xi32, #tpu.memory_space<vmem>>) semaphore(%arg9 : memref<!tpu.dma_semaphore, #tpu.memory_space<semaphore_mem>>)
    %dma_wait3A_926 = arith.constant 14 : i32
    %dma_wait3A_927 = arith.constant 0 : i32
    %dma_wait3A_928 = tpu.memref_slice %arg6[%dma_wait3A_926, %dma_wait3A_927] : memref<26x128xi32, #tpu.memory_space<vmem>> -> memref<1x128xi32, #tpu.memory_space<vmem>>
    %dma_wait3A_929 = tpu.memref_squeeze %dma_wait3A_928 : memref<1x128xi32, #tpu.memory_space<vmem>> -> memref<128xi32, #tpu.memory_space<vmem>>
    %dma_wait3A_930 = arith.constant 0 : i32
    %dma_wait3A_931 = arith.constant 0 : i32
    %dma_wait3A_932 = tpu.memref_slice %arg2[%select_n3A_914, %dma_wait3A_930, %dma_wait3A_931] : memref<26x50000x128xf32, #tpu.memory_space<hbm>> -> memref<1x50000x128xf32, #tpu.memory_space<hbm>>
    %dma_wait3A_933 = tpu.memref_squeeze %dma_wait3A_932 : memref<1x50000x128xf32, #tpu.memory_space<hbm>> -> memref<50000x128xf32, #tpu.memory_space<hbm>>
    %dma_wait3A_934 = arith.constant 0 : i32
    %dma_wait3A_935 = arith.constant 0 : i32
    %dma_wait3A_936 = tpu.memref_slice %dma_wait3A_933[%dma_wait3A_934, %dma_wait3A_935] : memref<50000x128xf32, #tpu.memory_space<hbm>> -> memref<50000x128xf32, #tpu.memory_space<hbm>>
    tpu.wait_indirect_dma semaphore(%arg9 : memref<!tpu.dma_semaphore, #tpu.memory_space<semaphore_mem>>) src(%dma_wait3A_936 : memref<50000x128xf32, #tpu.memory_space<hbm>>) dst(%arg8 : memref<128x128xf32, #tpu.memory_space<vmem>>)
    %dma_start3A_937 = arith.constant 14 : i32
    %dma_start3A_938 = arith.constant 0 : i32
    %dma_start3A_939 = tpu.memref_slice %arg7[%dma_start3A_937, %dma_start3A_938] : memref<26x128xi32, #tpu.memory_space<vmem>> -> memref<1x128xi32, #tpu.memory_space<vmem>>
    %dma_start3A_940 = tpu.memref_squeeze %dma_start3A_939 : memref<1x128xi32, #tpu.memory_space<vmem>> -> memref<128xi32, #tpu.memory_space<vmem>>
    %dma_start3A_941 = arith.constant 0 : i32
    %dma_start3A_942 = arith.constant 0 : i32
    %dma_start3A_943 = tpu.memref_slice %arg5[%dma_start3A_941, %dma_start3A_942] : memref<106496x128xf32, #tpu.memory_space<hbm>> -> memref<106496x128xf32, #tpu.memory_space<hbm>>
    tpu.enqueue_indirect_dma source(%arg8 : memref<128x128xf32, #tpu.memory_space<vmem>>) target(%dma_start3A_943 : memref<106496x128xf32, #tpu.memory_space<hbm>>) offsets(%dma_start3A_940 : memref<128xi32, #tpu.memory_space<vmem>>) semaphore(%arg10 : memref<!tpu.dma_semaphore, #tpu.memory_space<semaphore_mem>>)
    %dma_wait3A_944 = arith.constant 14 : i32
    %dma_wait3A_945 = arith.constant 0 : i32
    %dma_wait3A_946 = tpu.memref_slice %arg7[%dma_wait3A_944, %dma_wait3A_945] : memref<26x128xi32, #tpu.memory_space<vmem>> -> memref<1x128xi32, #tpu.memory_space<vmem>>
    %dma_wait3A_947 = tpu.memref_squeeze %dma_wait3A_946 : memref<1x128xi32, #tpu.memory_space<vmem>> -> memref<128xi32, #tpu.memory_space<vmem>>
    %dma_wait3A_948 = arith.constant 0 : i32
    %dma_wait3A_949 = arith.constant 0 : i32
    %dma_wait3A_950 = tpu.memref_slice %arg5[%dma_wait3A_948, %dma_wait3A_949] : memref<106496x128xf32, #tpu.memory_space<hbm>> -> memref<106496x128xf32, #tpu.memory_space<hbm>>
    tpu.wait_indirect_dma semaphore(%arg10 : memref<!tpu.dma_semaphore, #tpu.memory_space<semaphore_mem>>) src(%arg8 : memref<128x128xf32, #tpu.memory_space<vmem>>) dst(%dma_wait3A_950 : memref<106496x128xf32, #tpu.memory_space<hbm>>)
    %mul3A_951 = arith.constant 26 : i32
    %mul3A_952 = arith.muli %add3A, %mul3A_951 : i32
    %add3A_953 = arith.constant 15 : i32
    %add3A_954 = arith.addi %mul3A_952, %add3A_953 : i32
    %jit3A_955 = arith.constant 32 : i32
    %div3A_956 = arith.divsi %add3A_954, %jit3A_955 : i32
    %sign3A_957 = arith.constant 0 : i32
    %sign3A_958 = arith.cmpi sgt, %add3A_954, %sign3A_957 : i32
    %sign3A_959 = arith.extui %sign3A_958 : i1 to i32
    %sign3A_960 = arith.constant 0 : i32
    %sign3A_961 = arith.cmpi slt, %add3A_954, %sign3A_960 : i32
    %sign3A_962 = arith.extui %sign3A_961 : i1 to i32
    %sign3A_963 = arith.subi %sign3A_959, %sign3A_962 : i32
    %sign3A_964 = arith.constant 0 : i32
    %sign3A_965 = arith.cmpi sgt, %jit3A_955, %sign3A_964 : i32
    %sign3A_966 = arith.extui %sign3A_965 : i1 to i32
    %sign3A_967 = arith.constant 0 : i32
    %sign3A_968 = arith.cmpi slt, %jit3A_955, %sign3A_967 : i32
    %sign3A_969 = arith.extui %sign3A_968 : i1 to i32
    %sign3A_970 = arith.subi %sign3A_966, %sign3A_969 : i32
    %ne3A_971 = arith.cmpi ne, %sign3A_963, %sign3A_970 : i32
    %rem3A_972 = arith.remsi %add3A_954, %jit3A_955 : i32
    %ne3A_973 = arith.constant 0 : i32
    %ne3A_974 = arith.cmpi ne, %rem3A_972, %ne3A_973 : i32
    %and3A_975 = arith.andi %ne3A_971, %ne3A_974 : i1
    %sub3A_976 = arith.constant 1 : i32
    %sub3A_977 = arith.subi %div3A_956, %sub3A_976 : i32
    %select_n3A_978 = arith.select %and3A_975, %sub3A_977, %div3A_956 : i32
    %dma_start3A_979 = arith.constant 15 : i32
    %dma_start3A_980 = arith.constant 0 : i32
    %dma_start3A_981 = tpu.memref_slice %arg6[%dma_start3A_979, %dma_start3A_980] : memref<26x128xi32, #tpu.memory_space<vmem>> -> memref<1x128xi32, #tpu.memory_space<vmem>>
    %dma_start3A_982 = tpu.memref_squeeze %dma_start3A_981 : memref<1x128xi32, #tpu.memory_space<vmem>> -> memref<128xi32, #tpu.memory_space<vmem>>
    %dma_start3A_983 = arith.constant 0 : i32
    %dma_start3A_984 = arith.constant 0 : i32
    %dma_start3A_985 = tpu.memref_slice %arg2[%select_n3A_978, %dma_start3A_983, %dma_start3A_984] : memref<26x50000x128xf32, #tpu.memory_space<hbm>> -> memref<1x50000x128xf32, #tpu.memory_space<hbm>>
    %dma_start3A_986 = tpu.memref_squeeze %dma_start3A_985 : memref<1x50000x128xf32, #tpu.memory_space<hbm>> -> memref<50000x128xf32, #tpu.memory_space<hbm>>
    %dma_start3A_987 = arith.constant 0 : i32
    %dma_start3A_988 = arith.constant 0 : i32
    %dma_start3A_989 = tpu.memref_slice %dma_start3A_986[%dma_start3A_987, %dma_start3A_988] : memref<50000x128xf32, #tpu.memory_space<hbm>> -> memref<50000x128xf32, #tpu.memory_space<hbm>>
    tpu.enqueue_indirect_dma source(%dma_start3A_989 : memref<50000x128xf32, #tpu.memory_space<hbm>>) target(%arg8 : memref<128x128xf32, #tpu.memory_space<vmem>>) offsets(%dma_start3A_982 : memref<128xi32, #tpu.memory_space<vmem>>) semaphore(%arg9 : memref<!tpu.dma_semaphore, #tpu.memory_space<semaphore_mem>>)
    %dma_wait3A_990 = arith.constant 15 : i32
    %dma_wait3A_991 = arith.constant 0 : i32
    %dma_wait3A_992 = tpu.memref_slice %arg6[%dma_wait3A_990, %dma_wait3A_991] : memref<26x128xi32, #tpu.memory_space<vmem>> -> memref<1x128xi32, #tpu.memory_space<vmem>>
    %dma_wait3A_993 = tpu.memref_squeeze %dma_wait3A_992 : memref<1x128xi32, #tpu.memory_space<vmem>> -> memref<128xi32, #tpu.memory_space<vmem>>
    %dma_wait3A_994 = arith.constant 0 : i32
    %dma_wait3A_995 = arith.constant 0 : i32
    %dma_wait3A_996 = tpu.memref_slice %arg2[%select_n3A_978, %dma_wait3A_994, %dma_wait3A_995] : memref<26x50000x128xf32, #tpu.memory_space<hbm>> -> memref<1x50000x128xf32, #tpu.memory_space<hbm>>
    %dma_wait3A_997 = tpu.memref_squeeze %dma_wait3A_996 : memref<1x50000x128xf32, #tpu.memory_space<hbm>> -> memref<50000x128xf32, #tpu.memory_space<hbm>>
    %dma_wait3A_998 = arith.constant 0 : i32
    %dma_wait3A_999 = arith.constant 0 : i32
    %dma_wait3A_1000 = tpu.memref_slice %dma_wait3A_997[%dma_wait3A_998, %dma_wait3A_999] : memref<50000x128xf32, #tpu.memory_space<hbm>> -> memref<50000x128xf32, #tpu.memory_space<hbm>>
    tpu.wait_indirect_dma semaphore(%arg9 : memref<!tpu.dma_semaphore, #tpu.memory_space<semaphore_mem>>) src(%dma_wait3A_1000 : memref<50000x128xf32, #tpu.memory_space<hbm>>) dst(%arg8 : memref<128x128xf32, #tpu.memory_space<vmem>>)
    %dma_start3A_1001 = arith.constant 15 : i32
    %dma_start3A_1002 = arith.constant 0 : i32
    %dma_start3A_1003 = tpu.memref_slice %arg7[%dma_start3A_1001, %dma_start3A_1002] : memref<26x128xi32, #tpu.memory_space<vmem>> -> memref<1x128xi32, #tpu.memory_space<vmem>>
    %dma_start3A_1004 = tpu.memref_squeeze %dma_start3A_1003 : memref<1x128xi32, #tpu.memory_space<vmem>> -> memref<128xi32, #tpu.memory_space<vmem>>
    %dma_start3A_1005 = arith.constant 0 : i32
    %dma_start3A_1006 = arith.constant 0 : i32
    %dma_start3A_1007 = tpu.memref_slice %arg5[%dma_start3A_1005, %dma_start3A_1006] : memref<106496x128xf32, #tpu.memory_space<hbm>> -> memref<106496x128xf32, #tpu.memory_space<hbm>>
    tpu.enqueue_indirect_dma source(%arg8 : memref<128x128xf32, #tpu.memory_space<vmem>>) target(%dma_start3A_1007 : memref<106496x128xf32, #tpu.memory_space<hbm>>) offsets(%dma_start3A_1004 : memref<128xi32, #tpu.memory_space<vmem>>) semaphore(%arg10 : memref<!tpu.dma_semaphore, #tpu.memory_space<semaphore_mem>>)
    %dma_wait3A_1008 = arith.constant 15 : i32
    %dma_wait3A_1009 = arith.constant 0 : i32
    %dma_wait3A_1010 = tpu.memref_slice %arg7[%dma_wait3A_1008, %dma_wait3A_1009] : memref<26x128xi32, #tpu.memory_space<vmem>> -> memref<1x128xi32, #tpu.memory_space<vmem>>
    %dma_wait3A_1011 = tpu.memref_squeeze %dma_wait3A_1010 : memref<1x128xi32, #tpu.memory_space<vmem>> -> memref<128xi32, #tpu.memory_space<vmem>>
    %dma_wait3A_1012 = arith.constant 0 : i32
    %dma_wait3A_1013 = arith.constant 0 : i32
    %dma_wait3A_1014 = tpu.memref_slice %arg5[%dma_wait3A_1012, %dma_wait3A_1013] : memref<106496x128xf32, #tpu.memory_space<hbm>> -> memref<106496x128xf32, #tpu.memory_space<hbm>>
    tpu.wait_indirect_dma semaphore(%arg10 : memref<!tpu.dma_semaphore, #tpu.memory_space<semaphore_mem>>) src(%arg8 : memref<128x128xf32, #tpu.memory_space<vmem>>) dst(%dma_wait3A_1014 : memref<106496x128xf32, #tpu.memory_space<hbm>>)
    %mul3A_1015 = arith.constant 26 : i32
    %mul3A_1016 = arith.muli %add3A, %mul3A_1015 : i32
    %add3A_1017 = arith.constant 16 : i32
    %add3A_1018 = arith.addi %mul3A_1016, %add3A_1017 : i32
    %jit3A_1019 = arith.constant 32 : i32
    %div3A_1020 = arith.divsi %add3A_1018, %jit3A_1019 : i32
    %sign3A_1021 = arith.constant 0 : i32
    %sign3A_1022 = arith.cmpi sgt, %add3A_1018, %sign3A_1021 : i32
    %sign3A_1023 = arith.extui %sign3A_1022 : i1 to i32
    %sign3A_1024 = arith.constant 0 : i32
    %sign3A_1025 = arith.cmpi slt, %add3A_1018, %sign3A_1024 : i32
    %sign3A_1026 = arith.extui %sign3A_1025 : i1 to i32
    %sign3A_1027 = arith.subi %sign3A_1023, %sign3A_1026 : i32
    %sign3A_1028 = arith.constant 0 : i32
    %sign3A_1029 = arith.cmpi sgt, %jit3A_1019, %sign3A_1028 : i32
    %sign3A_1030 = arith.extui %sign3A_1029 : i1 to i32
    %sign3A_1031 = arith.constant 0 : i32
    %sign3A_1032 = arith.cmpi slt, %jit3A_1019, %sign3A_1031 : i32
    %sign3A_1033 = arith.extui %sign3A_1032 : i1 to i32
    %sign3A_1034 = arith.subi %sign3A_1030, %sign3A_1033 : i32
    %ne3A_1035 = arith.cmpi ne, %sign3A_1027, %sign3A_1034 : i32
    %rem3A_1036 = arith.remsi %add3A_1018, %jit3A_1019 : i32
    %ne3A_1037 = arith.constant 0 : i32
    %ne3A_1038 = arith.cmpi ne, %rem3A_1036, %ne3A_1037 : i32
    %and3A_1039 = arith.andi %ne3A_1035, %ne3A_1038 : i1
    %sub3A_1040 = arith.constant 1 : i32
    %sub3A_1041 = arith.subi %div3A_1020, %sub3A_1040 : i32
    %select_n3A_1042 = arith.select %and3A_1039, %sub3A_1041, %div3A_1020 : i32
    %dma_start3A_1043 = arith.constant 16 : i32
    %dma_start3A_1044 = arith.constant 0 : i32
    %dma_start3A_1045 = tpu.memref_slice %arg6[%dma_start3A_1043, %dma_start3A_1044] : memref<26x128xi32, #tpu.memory_space<vmem>> -> memref<1x128xi32, #tpu.memory_space<vmem>>
    %dma_start3A_1046 = tpu.memref_squeeze %dma_start3A_1045 : memref<1x128xi32, #tpu.memory_space<vmem>> -> memref<128xi32, #tpu.memory_space<vmem>>
    %dma_start3A_1047 = arith.constant 0 : i32
    %dma_start3A_1048 = arith.constant 0 : i32
    %dma_start3A_1049 = tpu.memref_slice %arg2[%select_n3A_1042, %dma_start3A_1047, %dma_start3A_1048] : memref<26x50000x128xf32, #tpu.memory_space<hbm>> -> memref<1x50000x128xf32, #tpu.memory_space<hbm>>
    %dma_start3A_1050 = tpu.memref_squeeze %dma_start3A_1049 : memref<1x50000x128xf32, #tpu.memory_space<hbm>> -> memref<50000x128xf32, #tpu.memory_space<hbm>>
    %dma_start3A_1051 = arith.constant 0 : i32
    %dma_start3A_1052 = arith.constant 0 : i32
    %dma_start3A_1053 = tpu.memref_slice %dma_start3A_1050[%dma_start3A_1051, %dma_start3A_1052] : memref<50000x128xf32, #tpu.memory_space<hbm>> -> memref<50000x128xf32, #tpu.memory_space<hbm>>
    tpu.enqueue_indirect_dma source(%dma_start3A_1053 : memref<50000x128xf32, #tpu.memory_space<hbm>>) target(%arg8 : memref<128x128xf32, #tpu.memory_space<vmem>>) offsets(%dma_start3A_1046 : memref<128xi32, #tpu.memory_space<vmem>>) semaphore(%arg9 : memref<!tpu.dma_semaphore, #tpu.memory_space<semaphore_mem>>)
    %dma_wait3A_1054 = arith.constant 16 : i32
    %dma_wait3A_1055 = arith.constant 0 : i32
    %dma_wait3A_1056 = tpu.memref_slice %arg6[%dma_wait3A_1054, %dma_wait3A_1055] : memref<26x128xi32, #tpu.memory_space<vmem>> -> memref<1x128xi32, #tpu.memory_space<vmem>>
    %dma_wait3A_1057 = tpu.memref_squeeze %dma_wait3A_1056 : memref<1x128xi32, #tpu.memory_space<vmem>> -> memref<128xi32, #tpu.memory_space<vmem>>
    %dma_wait3A_1058 = arith.constant 0 : i32
    %dma_wait3A_1059 = arith.constant 0 : i32
    %dma_wait3A_1060 = tpu.memref_slice %arg2[%select_n3A_1042, %dma_wait3A_1058, %dma_wait3A_1059] : memref<26x50000x128xf32, #tpu.memory_space<hbm>> -> memref<1x50000x128xf32, #tpu.memory_space<hbm>>
    %dma_wait3A_1061 = tpu.memref_squeeze %dma_wait3A_1060 : memref<1x50000x128xf32, #tpu.memory_space<hbm>> -> memref<50000x128xf32, #tpu.memory_space<hbm>>
    %dma_wait3A_1062 = arith.constant 0 : i32
    %dma_wait3A_1063 = arith.constant 0 : i32
    %dma_wait3A_1064 = tpu.memref_slice %dma_wait3A_1061[%dma_wait3A_1062, %dma_wait3A_1063] : memref<50000x128xf32, #tpu.memory_space<hbm>> -> memref<50000x128xf32, #tpu.memory_space<hbm>>
    tpu.wait_indirect_dma semaphore(%arg9 : memref<!tpu.dma_semaphore, #tpu.memory_space<semaphore_mem>>) src(%dma_wait3A_1064 : memref<50000x128xf32, #tpu.memory_space<hbm>>) dst(%arg8 : memref<128x128xf32, #tpu.memory_space<vmem>>)
    %dma_start3A_1065 = arith.constant 16 : i32
    %dma_start3A_1066 = arith.constant 0 : i32
    %dma_start3A_1067 = tpu.memref_slice %arg7[%dma_start3A_1065, %dma_start3A_1066] : memref<26x128xi32, #tpu.memory_space<vmem>> -> memref<1x128xi32, #tpu.memory_space<vmem>>
    %dma_start3A_1068 = tpu.memref_squeeze %dma_start3A_1067 : memref<1x128xi32, #tpu.memory_space<vmem>> -> memref<128xi32, #tpu.memory_space<vmem>>
    %dma_start3A_1069 = arith.constant 0 : i32
    %dma_start3A_1070 = arith.constant 0 : i32
    %dma_start3A_1071 = tpu.memref_slice %arg5[%dma_start3A_1069, %dma_start3A_1070] : memref<106496x128xf32, #tpu.memory_space<hbm>> -> memref<106496x128xf32, #tpu.memory_space<hbm>>
    tpu.enqueue_indirect_dma source(%arg8 : memref<128x128xf32, #tpu.memory_space<vmem>>) target(%dma_start3A_1071 : memref<106496x128xf32, #tpu.memory_space<hbm>>) offsets(%dma_start3A_1068 : memref<128xi32, #tpu.memory_space<vmem>>) semaphore(%arg10 : memref<!tpu.dma_semaphore, #tpu.memory_space<semaphore_mem>>)
    %dma_wait3A_1072 = arith.constant 16 : i32
    %dma_wait3A_1073 = arith.constant 0 : i32
    %dma_wait3A_1074 = tpu.memref_slice %arg7[%dma_wait3A_1072, %dma_wait3A_1073] : memref<26x128xi32, #tpu.memory_space<vmem>> -> memref<1x128xi32, #tpu.memory_space<vmem>>
    %dma_wait3A_1075 = tpu.memref_squeeze %dma_wait3A_1074 : memref<1x128xi32, #tpu.memory_space<vmem>> -> memref<128xi32, #tpu.memory_space<vmem>>
    %dma_wait3A_1076 = arith.constant 0 : i32
    %dma_wait3A_1077 = arith.constant 0 : i32
    %dma_wait3A_1078 = tpu.memref_slice %arg5[%dma_wait3A_1076, %dma_wait3A_1077] : memref<106496x128xf32, #tpu.memory_space<hbm>> -> memref<106496x128xf32, #tpu.memory_space<hbm>>
    tpu.wait_indirect_dma semaphore(%arg10 : memref<!tpu.dma_semaphore, #tpu.memory_space<semaphore_mem>>) src(%arg8 : memref<128x128xf32, #tpu.memory_space<vmem>>) dst(%dma_wait3A_1078 : memref<106496x128xf32, #tpu.memory_space<hbm>>)
    %mul3A_1079 = arith.constant 26 : i32
    %mul3A_1080 = arith.muli %add3A, %mul3A_1079 : i32
    %add3A_1081 = arith.constant 17 : i32
    %add3A_1082 = arith.addi %mul3A_1080, %add3A_1081 : i32
    %jit3A_1083 = arith.constant 32 : i32
    %div3A_1084 = arith.divsi %add3A_1082, %jit3A_1083 : i32
    %sign3A_1085 = arith.constant 0 : i32
    %sign3A_1086 = arith.cmpi sgt, %add3A_1082, %sign3A_1085 : i32
    %sign3A_1087 = arith.extui %sign3A_1086 : i1 to i32
    %sign3A_1088 = arith.constant 0 : i32
    %sign3A_1089 = arith.cmpi slt, %add3A_1082, %sign3A_1088 : i32
    %sign3A_1090 = arith.extui %sign3A_1089 : i1 to i32
    %sign3A_1091 = arith.subi %sign3A_1087, %sign3A_1090 : i32
    %sign3A_1092 = arith.constant 0 : i32
    %sign3A_1093 = arith.cmpi sgt, %jit3A_1083, %sign3A_1092 : i32
    %sign3A_1094 = arith.extui %sign3A_1093 : i1 to i32
    %sign3A_1095 = arith.constant 0 : i32
    %sign3A_1096 = arith.cmpi slt, %jit3A_1083, %sign3A_1095 : i32
    %sign3A_1097 = arith.extui %sign3A_1096 : i1 to i32
    %sign3A_1098 = arith.subi %sign3A_1094, %sign3A_1097 : i32
    %ne3A_1099 = arith.cmpi ne, %sign3A_1091, %sign3A_1098 : i32
    %rem3A_1100 = arith.remsi %add3A_1082, %jit3A_1083 : i32
    %ne3A_1101 = arith.constant 0 : i32
    %ne3A_1102 = arith.cmpi ne, %rem3A_1100, %ne3A_1101 : i32
    %and3A_1103 = arith.andi %ne3A_1099, %ne3A_1102 : i1
    %sub3A_1104 = arith.constant 1 : i32
    %sub3A_1105 = arith.subi %div3A_1084, %sub3A_1104 : i32
    %select_n3A_1106 = arith.select %and3A_1103, %sub3A_1105, %div3A_1084 : i32
    %dma_start3A_1107 = arith.constant 17 : i32
    %dma_start3A_1108 = arith.constant 0 : i32
    %dma_start3A_1109 = tpu.memref_slice %arg6[%dma_start3A_1107, %dma_start3A_1108] : memref<26x128xi32, #tpu.memory_space<vmem>> -> memref<1x128xi32, #tpu.memory_space<vmem>>
    %dma_start3A_1110 = tpu.memref_squeeze %dma_start3A_1109 : memref<1x128xi32, #tpu.memory_space<vmem>> -> memref<128xi32, #tpu.memory_space<vmem>>
    %dma_start3A_1111 = arith.constant 0 : i32
    %dma_start3A_1112 = arith.constant 0 : i32
    %dma_start3A_1113 = tpu.memref_slice %arg2[%select_n3A_1106, %dma_start3A_1111, %dma_start3A_1112] : memref<26x50000x128xf32, #tpu.memory_space<hbm>> -> memref<1x50000x128xf32, #tpu.memory_space<hbm>>
    %dma_start3A_1114 = tpu.memref_squeeze %dma_start3A_1113 : memref<1x50000x128xf32, #tpu.memory_space<hbm>> -> memref<50000x128xf32, #tpu.memory_space<hbm>>
    %dma_start3A_1115 = arith.constant 0 : i32
    %dma_start3A_1116 = arith.constant 0 : i32
    %dma_start3A_1117 = tpu.memref_slice %dma_start3A_1114[%dma_start3A_1115, %dma_start3A_1116] : memref<50000x128xf32, #tpu.memory_space<hbm>> -> memref<50000x128xf32, #tpu.memory_space<hbm>>
    tpu.enqueue_indirect_dma source(%dma_start3A_1117 : memref<50000x128xf32, #tpu.memory_space<hbm>>) target(%arg8 : memref<128x128xf32, #tpu.memory_space<vmem>>) offsets(%dma_start3A_1110 : memref<128xi32, #tpu.memory_space<vmem>>) semaphore(%arg9 : memref<!tpu.dma_semaphore, #tpu.memory_space<semaphore_mem>>)
    %dma_wait3A_1118 = arith.constant 17 : i32
    %dma_wait3A_1119 = arith.constant 0 : i32
    %dma_wait3A_1120 = tpu.memref_slice %arg6[%dma_wait3A_1118, %dma_wait3A_1119] : memref<26x128xi32, #tpu.memory_space<vmem>> -> memref<1x128xi32, #tpu.memory_space<vmem>>
    %dma_wait3A_1121 = tpu.memref_squeeze %dma_wait3A_1120 : memref<1x128xi32, #tpu.memory_space<vmem>> -> memref<128xi32, #tpu.memory_space<vmem>>
    %dma_wait3A_1122 = arith.constant 0 : i32
    %dma_wait3A_1123 = arith.constant 0 : i32
    %dma_wait3A_1124 = tpu.memref_slice %arg2[%select_n3A_1106, %dma_wait3A_1122, %dma_wait3A_1123] : memref<26x50000x128xf32, #tpu.memory_space<hbm>> -> memref<1x50000x128xf32, #tpu.memory_space<hbm>>
    %dma_wait3A_1125 = tpu.memref_squeeze %dma_wait3A_1124 : memref<1x50000x128xf32, #tpu.memory_space<hbm>> -> memref<50000x128xf32, #tpu.memory_space<hbm>>
    %dma_wait3A_1126 = arith.constant 0 : i32
    %dma_wait3A_1127 = arith.constant 0 : i32
    %dma_wait3A_1128 = tpu.memref_slice %dma_wait3A_1125[%dma_wait3A_1126, %dma_wait3A_1127] : memref<50000x128xf32, #tpu.memory_space<hbm>> -> memref<50000x128xf32, #tpu.memory_space<hbm>>
    tpu.wait_indirect_dma semaphore(%arg9 : memref<!tpu.dma_semaphore, #tpu.memory_space<semaphore_mem>>) src(%dma_wait3A_1128 : memref<50000x128xf32, #tpu.memory_space<hbm>>) dst(%arg8 : memref<128x128xf32, #tpu.memory_space<vmem>>)
    %dma_start3A_1129 = arith.constant 17 : i32
    %dma_start3A_1130 = arith.constant 0 : i32
    %dma_start3A_1131 = tpu.memref_slice %arg7[%dma_start3A_1129, %dma_start3A_1130] : memref<26x128xi32, #tpu.memory_space<vmem>> -> memref<1x128xi32, #tpu.memory_space<vmem>>
    %dma_start3A_1132 = tpu.memref_squeeze %dma_start3A_1131 : memref<1x128xi32, #tpu.memory_space<vmem>> -> memref<128xi32, #tpu.memory_space<vmem>>
    %dma_start3A_1133 = arith.constant 0 : i32
    %dma_start3A_1134 = arith.constant 0 : i32
    %dma_start3A_1135 = tpu.memref_slice %arg5[%dma_start3A_1133, %dma_start3A_1134] : memref<106496x128xf32, #tpu.memory_space<hbm>> -> memref<106496x128xf32, #tpu.memory_space<hbm>>
    tpu.enqueue_indirect_dma source(%arg8 : memref<128x128xf32, #tpu.memory_space<vmem>>) target(%dma_start3A_1135 : memref<106496x128xf32, #tpu.memory_space<hbm>>) offsets(%dma_start3A_1132 : memref<128xi32, #tpu.memory_space<vmem>>) semaphore(%arg10 : memref<!tpu.dma_semaphore, #tpu.memory_space<semaphore_mem>>)
    %dma_wait3A_1136 = arith.constant 17 : i32
    %dma_wait3A_1137 = arith.constant 0 : i32
    %dma_wait3A_1138 = tpu.memref_slice %arg7[%dma_wait3A_1136, %dma_wait3A_1137] : memref<26x128xi32, #tpu.memory_space<vmem>> -> memref<1x128xi32, #tpu.memory_space<vmem>>
    %dma_wait3A_1139 = tpu.memref_squeeze %dma_wait3A_1138 : memref<1x128xi32, #tpu.memory_space<vmem>> -> memref<128xi32, #tpu.memory_space<vmem>>
    %dma_wait3A_1140 = arith.constant 0 : i32
    %dma_wait3A_1141 = arith.constant 0 : i32
    %dma_wait3A_1142 = tpu.memref_slice %arg5[%dma_wait3A_1140, %dma_wait3A_1141] : memref<106496x128xf32, #tpu.memory_space<hbm>> -> memref<106496x128xf32, #tpu.memory_space<hbm>>
    tpu.wait_indirect_dma semaphore(%arg10 : memref<!tpu.dma_semaphore, #tpu.memory_space<semaphore_mem>>) src(%arg8 : memref<128x128xf32, #tpu.memory_space<vmem>>) dst(%dma_wait3A_1142 : memref<106496x128xf32, #tpu.memory_space<hbm>>)
    %mul3A_1143 = arith.constant 26 : i32
    %mul3A_1144 = arith.muli %add3A, %mul3A_1143 : i32
    %add3A_1145 = arith.constant 18 : i32
    %add3A_1146 = arith.addi %mul3A_1144, %add3A_1145 : i32
    %jit3A_1147 = arith.constant 32 : i32
    %div3A_1148 = arith.divsi %add3A_1146, %jit3A_1147 : i32
    %sign3A_1149 = arith.constant 0 : i32
    %sign3A_1150 = arith.cmpi sgt, %add3A_1146, %sign3A_1149 : i32
    %sign3A_1151 = arith.extui %sign3A_1150 : i1 to i32
    %sign3A_1152 = arith.constant 0 : i32
    %sign3A_1153 = arith.cmpi slt, %add3A_1146, %sign3A_1152 : i32
    %sign3A_1154 = arith.extui %sign3A_1153 : i1 to i32
    %sign3A_1155 = arith.subi %sign3A_1151, %sign3A_1154 : i32
    %sign3A_1156 = arith.constant 0 : i32
    %sign3A_1157 = arith.cmpi sgt, %jit3A_1147, %sign3A_1156 : i32
    %sign3A_1158 = arith.extui %sign3A_1157 : i1 to i32
    %sign3A_1159 = arith.constant 0 : i32
    %sign3A_1160 = arith.cmpi slt, %jit3A_1147, %sign3A_1159 : i32
    %sign3A_1161 = arith.extui %sign3A_1160 : i1 to i32
    %sign3A_1162 = arith.subi %sign3A_1158, %sign3A_1161 : i32
    %ne3A_1163 = arith.cmpi ne, %sign3A_1155, %sign3A_1162 : i32
    %rem3A_1164 = arith.remsi %add3A_1146, %jit3A_1147 : i32
    %ne3A_1165 = arith.constant 0 : i32
    %ne3A_1166 = arith.cmpi ne, %rem3A_1164, %ne3A_1165 : i32
    %and3A_1167 = arith.andi %ne3A_1163, %ne3A_1166 : i1
    %sub3A_1168 = arith.constant 1 : i32
    %sub3A_1169 = arith.subi %div3A_1148, %sub3A_1168 : i32
    %select_n3A_1170 = arith.select %and3A_1167, %sub3A_1169, %div3A_1148 : i32
    %dma_start3A_1171 = arith.constant 18 : i32
    %dma_start3A_1172 = arith.constant 0 : i32
    %dma_start3A_1173 = tpu.memref_slice %arg6[%dma_start3A_1171, %dma_start3A_1172] : memref<26x128xi32, #tpu.memory_space<vmem>> -> memref<1x128xi32, #tpu.memory_space<vmem>>
    %dma_start3A_1174 = tpu.memref_squeeze %dma_start3A_1173 : memref<1x128xi32, #tpu.memory_space<vmem>> -> memref<128xi32, #tpu.memory_space<vmem>>
    %dma_start3A_1175 = arith.constant 0 : i32
    %dma_start3A_1176 = arith.constant 0 : i32
    %dma_start3A_1177 = tpu.memref_slice %arg2[%select_n3A_1170, %dma_start3A_1175, %dma_start3A_1176] : memref<26x50000x128xf32, #tpu.memory_space<hbm>> -> memref<1x50000x128xf32, #tpu.memory_space<hbm>>
    %dma_start3A_1178 = tpu.memref_squeeze %dma_start3A_1177 : memref<1x50000x128xf32, #tpu.memory_space<hbm>> -> memref<50000x128xf32, #tpu.memory_space<hbm>>
    %dma_start3A_1179 = arith.constant 0 : i32
    %dma_start3A_1180 = arith.constant 0 : i32
    %dma_start3A_1181 = tpu.memref_slice %dma_start3A_1178[%dma_start3A_1179, %dma_start3A_1180] : memref<50000x128xf32, #tpu.memory_space<hbm>> -> memref<50000x128xf32, #tpu.memory_space<hbm>>
    tpu.enqueue_indirect_dma source(%dma_start3A_1181 : memref<50000x128xf32, #tpu.memory_space<hbm>>) target(%arg8 : memref<128x128xf32, #tpu.memory_space<vmem>>) offsets(%dma_start3A_1174 : memref<128xi32, #tpu.memory_space<vmem>>) semaphore(%arg9 : memref<!tpu.dma_semaphore, #tpu.memory_space<semaphore_mem>>)
    %dma_wait3A_1182 = arith.constant 18 : i32
    %dma_wait3A_1183 = arith.constant 0 : i32
    %dma_wait3A_1184 = tpu.memref_slice %arg6[%dma_wait3A_1182, %dma_wait3A_1183] : memref<26x128xi32, #tpu.memory_space<vmem>> -> memref<1x128xi32, #tpu.memory_space<vmem>>
    %dma_wait3A_1185 = tpu.memref_squeeze %dma_wait3A_1184 : memref<1x128xi32, #tpu.memory_space<vmem>> -> memref<128xi32, #tpu.memory_space<vmem>>
    %dma_wait3A_1186 = arith.constant 0 : i32
    %dma_wait3A_1187 = arith.constant 0 : i32
    %dma_wait3A_1188 = tpu.memref_slice %arg2[%select_n3A_1170, %dma_wait3A_1186, %dma_wait3A_1187] : memref<26x50000x128xf32, #tpu.memory_space<hbm>> -> memref<1x50000x128xf32, #tpu.memory_space<hbm>>
    %dma_wait3A_1189 = tpu.memref_squeeze %dma_wait3A_1188 : memref<1x50000x128xf32, #tpu.memory_space<hbm>> -> memref<50000x128xf32, #tpu.memory_space<hbm>>
    %dma_wait3A_1190 = arith.constant 0 : i32
    %dma_wait3A_1191 = arith.constant 0 : i32
    %dma_wait3A_1192 = tpu.memref_slice %dma_wait3A_1189[%dma_wait3A_1190, %dma_wait3A_1191] : memref<50000x128xf32, #tpu.memory_space<hbm>> -> memref<50000x128xf32, #tpu.memory_space<hbm>>
    tpu.wait_indirect_dma semaphore(%arg9 : memref<!tpu.dma_semaphore, #tpu.memory_space<semaphore_mem>>) src(%dma_wait3A_1192 : memref<50000x128xf32, #tpu.memory_space<hbm>>) dst(%arg8 : memref<128x128xf32, #tpu.memory_space<vmem>>)
    %dma_start3A_1193 = arith.constant 18 : i32
    %dma_start3A_1194 = arith.constant 0 : i32
    %dma_start3A_1195 = tpu.memref_slice %arg7[%dma_start3A_1193, %dma_start3A_1194] : memref<26x128xi32, #tpu.memory_space<vmem>> -> memref<1x128xi32, #tpu.memory_space<vmem>>
    %dma_start3A_1196 = tpu.memref_squeeze %dma_start3A_1195 : memref<1x128xi32, #tpu.memory_space<vmem>> -> memref<128xi32, #tpu.memory_space<vmem>>
    %dma_start3A_1197 = arith.constant 0 : i32
    %dma_start3A_1198 = arith.constant 0 : i32
    %dma_start3A_1199 = tpu.memref_slice %arg5[%dma_start3A_1197, %dma_start3A_1198] : memref<106496x128xf32, #tpu.memory_space<hbm>> -> memref<106496x128xf32, #tpu.memory_space<hbm>>
    tpu.enqueue_indirect_dma source(%arg8 : memref<128x128xf32, #tpu.memory_space<vmem>>) target(%dma_start3A_1199 : memref<106496x128xf32, #tpu.memory_space<hbm>>) offsets(%dma_start3A_1196 : memref<128xi32, #tpu.memory_space<vmem>>) semaphore(%arg10 : memref<!tpu.dma_semaphore, #tpu.memory_space<semaphore_mem>>)
    %dma_wait3A_1200 = arith.constant 18 : i32
    %dma_wait3A_1201 = arith.constant 0 : i32
    %dma_wait3A_1202 = tpu.memref_slice %arg7[%dma_wait3A_1200, %dma_wait3A_1201] : memref<26x128xi32, #tpu.memory_space<vmem>> -> memref<1x128xi32, #tpu.memory_space<vmem>>
    %dma_wait3A_1203 = tpu.memref_squeeze %dma_wait3A_1202 : memref<1x128xi32, #tpu.memory_space<vmem>> -> memref<128xi32, #tpu.memory_space<vmem>>
    %dma_wait3A_1204 = arith.constant 0 : i32
    %dma_wait3A_1205 = arith.constant 0 : i32
    %dma_wait3A_1206 = tpu.memref_slice %arg5[%dma_wait3A_1204, %dma_wait3A_1205] : memref<106496x128xf32, #tpu.memory_space<hbm>> -> memref<106496x128xf32, #tpu.memory_space<hbm>>
    tpu.wait_indirect_dma semaphore(%arg10 : memref<!tpu.dma_semaphore, #tpu.memory_space<semaphore_mem>>) src(%arg8 : memref<128x128xf32, #tpu.memory_space<vmem>>) dst(%dma_wait3A_1206 : memref<106496x128xf32, #tpu.memory_space<hbm>>)
    %mul3A_1207 = arith.constant 26 : i32
    %mul3A_1208 = arith.muli %add3A, %mul3A_1207 : i32
    %add3A_1209 = arith.constant 19 : i32
    %add3A_1210 = arith.addi %mul3A_1208, %add3A_1209 : i32
    %jit3A_1211 = arith.constant 32 : i32
    %div3A_1212 = arith.divsi %add3A_1210, %jit3A_1211 : i32
    %sign3A_1213 = arith.constant 0 : i32
    %sign3A_1214 = arith.cmpi sgt, %add3A_1210, %sign3A_1213 : i32
    %sign3A_1215 = arith.extui %sign3A_1214 : i1 to i32
    %sign3A_1216 = arith.constant 0 : i32
    %sign3A_1217 = arith.cmpi slt, %add3A_1210, %sign3A_1216 : i32
    %sign3A_1218 = arith.extui %sign3A_1217 : i1 to i32
    %sign3A_1219 = arith.subi %sign3A_1215, %sign3A_1218 : i32
    %sign3A_1220 = arith.constant 0 : i32
    %sign3A_1221 = arith.cmpi sgt, %jit3A_1211, %sign3A_1220 : i32
    %sign3A_1222 = arith.extui %sign3A_1221 : i1 to i32
    %sign3A_1223 = arith.constant 0 : i32
    %sign3A_1224 = arith.cmpi slt, %jit3A_1211, %sign3A_1223 : i32
    %sign3A_1225 = arith.extui %sign3A_1224 : i1 to i32
    %sign3A_1226 = arith.subi %sign3A_1222, %sign3A_1225 : i32
    %ne3A_1227 = arith.cmpi ne, %sign3A_1219, %sign3A_1226 : i32
    %rem3A_1228 = arith.remsi %add3A_1210, %jit3A_1211 : i32
    %ne3A_1229 = arith.constant 0 : i32
    %ne3A_1230 = arith.cmpi ne, %rem3A_1228, %ne3A_1229 : i32
    %and3A_1231 = arith.andi %ne3A_1227, %ne3A_1230 : i1
    %sub3A_1232 = arith.constant 1 : i32
    %sub3A_1233 = arith.subi %div3A_1212, %sub3A_1232 : i32
    %select_n3A_1234 = arith.select %and3A_1231, %sub3A_1233, %div3A_1212 : i32
    %dma_start3A_1235 = arith.constant 19 : i32
    %dma_start3A_1236 = arith.constant 0 : i32
    %dma_start3A_1237 = tpu.memref_slice %arg6[%dma_start3A_1235, %dma_start3A_1236] : memref<26x128xi32, #tpu.memory_space<vmem>> -> memref<1x128xi32, #tpu.memory_space<vmem>>
    %dma_start3A_1238 = tpu.memref_squeeze %dma_start3A_1237 : memref<1x128xi32, #tpu.memory_space<vmem>> -> memref<128xi32, #tpu.memory_space<vmem>>
    %dma_start3A_1239 = arith.constant 0 : i32
    %dma_start3A_1240 = arith.constant 0 : i32
    %dma_start3A_1241 = tpu.memref_slice %arg2[%select_n3A_1234, %dma_start3A_1239, %dma_start3A_1240] : memref<26x50000x128xf32, #tpu.memory_space<hbm>> -> memref<1x50000x128xf32, #tpu.memory_space<hbm>>
    %dma_start3A_1242 = tpu.memref_squeeze %dma_start3A_1241 : memref<1x50000x128xf32, #tpu.memory_space<hbm>> -> memref<50000x128xf32, #tpu.memory_space<hbm>>
    %dma_start3A_1243 = arith.constant 0 : i32
    %dma_start3A_1244 = arith.constant 0 : i32
    %dma_start3A_1245 = tpu.memref_slice %dma_start3A_1242[%dma_start3A_1243, %dma_start3A_1244] : memref<50000x128xf32, #tpu.memory_space<hbm>> -> memref<50000x128xf32, #tpu.memory_space<hbm>>
    tpu.enqueue_indirect_dma source(%dma_start3A_1245 : memref<50000x128xf32, #tpu.memory_space<hbm>>) target(%arg8 : memref<128x128xf32, #tpu.memory_space<vmem>>) offsets(%dma_start3A_1238 : memref<128xi32, #tpu.memory_space<vmem>>) semaphore(%arg9 : memref<!tpu.dma_semaphore, #tpu.memory_space<semaphore_mem>>)
    %dma_wait3A_1246 = arith.constant 19 : i32
    %dma_wait3A_1247 = arith.constant 0 : i32
    %dma_wait3A_1248 = tpu.memref_slice %arg6[%dma_wait3A_1246, %dma_wait3A_1247] : memref<26x128xi32, #tpu.memory_space<vmem>> -> memref<1x128xi32, #tpu.memory_space<vmem>>
    %dma_wait3A_1249 = tpu.memref_squeeze %dma_wait3A_1248 : memref<1x128xi32, #tpu.memory_space<vmem>> -> memref<128xi32, #tpu.memory_space<vmem>>
    %dma_wait3A_1250 = arith.constant 0 : i32
    %dma_wait3A_1251 = arith.constant 0 : i32
    %dma_wait3A_1252 = tpu.memref_slice %arg2[%select_n3A_1234, %dma_wait3A_1250, %dma_wait3A_1251] : memref<26x50000x128xf32, #tpu.memory_space<hbm>> -> memref<1x50000x128xf32, #tpu.memory_space<hbm>>
    %dma_wait3A_1253 = tpu.memref_squeeze %dma_wait3A_1252 : memref<1x50000x128xf32, #tpu.memory_space<hbm>> -> memref<50000x128xf32, #tpu.memory_space<hbm>>
    %dma_wait3A_1254 = arith.constant 0 : i32
    %dma_wait3A_1255 = arith.constant 0 : i32
    %dma_wait3A_1256 = tpu.memref_slice %dma_wait3A_1253[%dma_wait3A_1254, %dma_wait3A_1255] : memref<50000x128xf32, #tpu.memory_space<hbm>> -> memref<50000x128xf32, #tpu.memory_space<hbm>>
    tpu.wait_indirect_dma semaphore(%arg9 : memref<!tpu.dma_semaphore, #tpu.memory_space<semaphore_mem>>) src(%dma_wait3A_1256 : memref<50000x128xf32, #tpu.memory_space<hbm>>) dst(%arg8 : memref<128x128xf32, #tpu.memory_space<vmem>>)
    %dma_start3A_1257 = arith.constant 19 : i32
    %dma_start3A_1258 = arith.constant 0 : i32
    %dma_start3A_1259 = tpu.memref_slice %arg7[%dma_start3A_1257, %dma_start3A_1258] : memref<26x128xi32, #tpu.memory_space<vmem>> -> memref<1x128xi32, #tpu.memory_space<vmem>>
    %dma_start3A_1260 = tpu.memref_squeeze %dma_start3A_1259 : memref<1x128xi32, #tpu.memory_space<vmem>> -> memref<128xi32, #tpu.memory_space<vmem>>
    %dma_start3A_1261 = arith.constant 0 : i32
    %dma_start3A_1262 = arith.constant 0 : i32
    %dma_start3A_1263 = tpu.memref_slice %arg5[%dma_start3A_1261, %dma_start3A_1262] : memref<106496x128xf32, #tpu.memory_space<hbm>> -> memref<106496x128xf32, #tpu.memory_space<hbm>>
    tpu.enqueue_indirect_dma source(%arg8 : memref<128x128xf32, #tpu.memory_space<vmem>>) target(%dma_start3A_1263 : memref<106496x128xf32, #tpu.memory_space<hbm>>) offsets(%dma_start3A_1260 : memref<128xi32, #tpu.memory_space<vmem>>) semaphore(%arg10 : memref<!tpu.dma_semaphore, #tpu.memory_space<semaphore_mem>>)
    %dma_wait3A_1264 = arith.constant 19 : i32
    %dma_wait3A_1265 = arith.constant 0 : i32
    %dma_wait3A_1266 = tpu.memref_slice %arg7[%dma_wait3A_1264, %dma_wait3A_1265] : memref<26x128xi32, #tpu.memory_space<vmem>> -> memref<1x128xi32, #tpu.memory_space<vmem>>
    %dma_wait3A_1267 = tpu.memref_squeeze %dma_wait3A_1266 : memref<1x128xi32, #tpu.memory_space<vmem>> -> memref<128xi32, #tpu.memory_space<vmem>>
    %dma_wait3A_1268 = arith.constant 0 : i32
    %dma_wait3A_1269 = arith.constant 0 : i32
    %dma_wait3A_1270 = tpu.memref_slice %arg5[%dma_wait3A_1268, %dma_wait3A_1269] : memref<106496x128xf32, #tpu.memory_space<hbm>> -> memref<106496x128xf32, #tpu.memory_space<hbm>>
    tpu.wait_indirect_dma semaphore(%arg10 : memref<!tpu.dma_semaphore, #tpu.memory_space<semaphore_mem>>) src(%arg8 : memref<128x128xf32, #tpu.memory_space<vmem>>) dst(%dma_wait3A_1270 : memref<106496x128xf32, #tpu.memory_space<hbm>>)
    %mul3A_1271 = arith.constant 26 : i32
    %mul3A_1272 = arith.muli %add3A, %mul3A_1271 : i32
    %add3A_1273 = arith.constant 20 : i32
    %add3A_1274 = arith.addi %mul3A_1272, %add3A_1273 : i32
    %jit3A_1275 = arith.constant 32 : i32
    %div3A_1276 = arith.divsi %add3A_1274, %jit3A_1275 : i32
    %sign3A_1277 = arith.constant 0 : i32
    %sign3A_1278 = arith.cmpi sgt, %add3A_1274, %sign3A_1277 : i32
    %sign3A_1279 = arith.extui %sign3A_1278 : i1 to i32
    %sign3A_1280 = arith.constant 0 : i32
    %sign3A_1281 = arith.cmpi slt, %add3A_1274, %sign3A_1280 : i32
    %sign3A_1282 = arith.extui %sign3A_1281 : i1 to i32
    %sign3A_1283 = arith.subi %sign3A_1279, %sign3A_1282 : i32
    %sign3A_1284 = arith.constant 0 : i32
    %sign3A_1285 = arith.cmpi sgt, %jit3A_1275, %sign3A_1284 : i32
    %sign3A_1286 = arith.extui %sign3A_1285 : i1 to i32
    %sign3A_1287 = arith.constant 0 : i32
    %sign3A_1288 = arith.cmpi slt, %jit3A_1275, %sign3A_1287 : i32
    %sign3A_1289 = arith.extui %sign3A_1288 : i1 to i32
    %sign3A_1290 = arith.subi %sign3A_1286, %sign3A_1289 : i32
    %ne3A_1291 = arith.cmpi ne, %sign3A_1283, %sign3A_1290 : i32
    %rem3A_1292 = arith.remsi %add3A_1274, %jit3A_1275 : i32
    %ne3A_1293 = arith.constant 0 : i32
    %ne3A_1294 = arith.cmpi ne, %rem3A_1292, %ne3A_1293 : i32
    %and3A_1295 = arith.andi %ne3A_1291, %ne3A_1294 : i1
    %sub3A_1296 = arith.constant 1 : i32
    %sub3A_1297 = arith.subi %div3A_1276, %sub3A_1296 : i32
    %select_n3A_1298 = arith.select %and3A_1295, %sub3A_1297, %div3A_1276 : i32
    %dma_start3A_1299 = arith.constant 20 : i32
    %dma_start3A_1300 = arith.constant 0 : i32
    %dma_start3A_1301 = tpu.memref_slice %arg6[%dma_start3A_1299, %dma_start3A_1300] : memref<26x128xi32, #tpu.memory_space<vmem>> -> memref<1x128xi32, #tpu.memory_space<vmem>>
    %dma_start3A_1302 = tpu.memref_squeeze %dma_start3A_1301 : memref<1x128xi32, #tpu.memory_space<vmem>> -> memref<128xi32, #tpu.memory_space<vmem>>
    %dma_start3A_1303 = arith.constant 0 : i32
    %dma_start3A_1304 = arith.constant 0 : i32
    %dma_start3A_1305 = tpu.memref_slice %arg2[%select_n3A_1298, %dma_start3A_1303, %dma_start3A_1304] : memref<26x50000x128xf32, #tpu.memory_space<hbm>> -> memref<1x50000x128xf32, #tpu.memory_space<hbm>>
    %dma_start3A_1306 = tpu.memref_squeeze %dma_start3A_1305 : memref<1x50000x128xf32, #tpu.memory_space<hbm>> -> memref<50000x128xf32, #tpu.memory_space<hbm>>
    %dma_start3A_1307 = arith.constant 0 : i32
    %dma_start3A_1308 = arith.constant 0 : i32
    %dma_start3A_1309 = tpu.memref_slice %dma_start3A_1306[%dma_start3A_1307, %dma_start3A_1308] : memref<50000x128xf32, #tpu.memory_space<hbm>> -> memref<50000x128xf32, #tpu.memory_space<hbm>>
    tpu.enqueue_indirect_dma source(%dma_start3A_1309 : memref<50000x128xf32, #tpu.memory_space<hbm>>) target(%arg8 : memref<128x128xf32, #tpu.memory_space<vmem>>) offsets(%dma_start3A_1302 : memref<128xi32, #tpu.memory_space<vmem>>) semaphore(%arg9 : memref<!tpu.dma_semaphore, #tpu.memory_space<semaphore_mem>>)
    %dma_wait3A_1310 = arith.constant 20 : i32
    %dma_wait3A_1311 = arith.constant 0 : i32
    %dma_wait3A_1312 = tpu.memref_slice %arg6[%dma_wait3A_1310, %dma_wait3A_1311] : memref<26x128xi32, #tpu.memory_space<vmem>> -> memref<1x128xi32, #tpu.memory_space<vmem>>
    %dma_wait3A_1313 = tpu.memref_squeeze %dma_wait3A_1312 : memref<1x128xi32, #tpu.memory_space<vmem>> -> memref<128xi32, #tpu.memory_space<vmem>>
    %dma_wait3A_1314 = arith.constant 0 : i32
    %dma_wait3A_1315 = arith.constant 0 : i32
    %dma_wait3A_1316 = tpu.memref_slice %arg2[%select_n3A_1298, %dma_wait3A_1314, %dma_wait3A_1315] : memref<26x50000x128xf32, #tpu.memory_space<hbm>> -> memref<1x50000x128xf32, #tpu.memory_space<hbm>>
    %dma_wait3A_1317 = tpu.memref_squeeze %dma_wait3A_1316 : memref<1x50000x128xf32, #tpu.memory_space<hbm>> -> memref<50000x128xf32, #tpu.memory_space<hbm>>
    %dma_wait3A_1318 = arith.constant 0 : i32
    %dma_wait3A_1319 = arith.constant 0 : i32
    %dma_wait3A_1320 = tpu.memref_slice %dma_wait3A_1317[%dma_wait3A_1318, %dma_wait3A_1319] : memref<50000x128xf32, #tpu.memory_space<hbm>> -> memref<50000x128xf32, #tpu.memory_space<hbm>>
    tpu.wait_indirect_dma semaphore(%arg9 : memref<!tpu.dma_semaphore, #tpu.memory_space<semaphore_mem>>) src(%dma_wait3A_1320 : memref<50000x128xf32, #tpu.memory_space<hbm>>) dst(%arg8 : memref<128x128xf32, #tpu.memory_space<vmem>>)
    %dma_start3A_1321 = arith.constant 20 : i32
    %dma_start3A_1322 = arith.constant 0 : i32
    %dma_start3A_1323 = tpu.memref_slice %arg7[%dma_start3A_1321, %dma_start3A_1322] : memref<26x128xi32, #tpu.memory_space<vmem>> -> memref<1x128xi32, #tpu.memory_space<vmem>>
    %dma_start3A_1324 = tpu.memref_squeeze %dma_start3A_1323 : memref<1x128xi32, #tpu.memory_space<vmem>> -> memref<128xi32, #tpu.memory_space<vmem>>
    %dma_start3A_1325 = arith.constant 0 : i32
    %dma_start3A_1326 = arith.constant 0 : i32
    %dma_start3A_1327 = tpu.memref_slice %arg5[%dma_start3A_1325, %dma_start3A_1326] : memref<106496x128xf32, #tpu.memory_space<hbm>> -> memref<106496x128xf32, #tpu.memory_space<hbm>>
    tpu.enqueue_indirect_dma source(%arg8 : memref<128x128xf32, #tpu.memory_space<vmem>>) target(%dma_start3A_1327 : memref<106496x128xf32, #tpu.memory_space<hbm>>) offsets(%dma_start3A_1324 : memref<128xi32, #tpu.memory_space<vmem>>) semaphore(%arg10 : memref<!tpu.dma_semaphore, #tpu.memory_space<semaphore_mem>>)
    %dma_wait3A_1328 = arith.constant 20 : i32
    %dma_wait3A_1329 = arith.constant 0 : i32
    %dma_wait3A_1330 = tpu.memref_slice %arg7[%dma_wait3A_1328, %dma_wait3A_1329] : memref<26x128xi32, #tpu.memory_space<vmem>> -> memref<1x128xi32, #tpu.memory_space<vmem>>
    %dma_wait3A_1331 = tpu.memref_squeeze %dma_wait3A_1330 : memref<1x128xi32, #tpu.memory_space<vmem>> -> memref<128xi32, #tpu.memory_space<vmem>>
    %dma_wait3A_1332 = arith.constant 0 : i32
    %dma_wait3A_1333 = arith.constant 0 : i32
    %dma_wait3A_1334 = tpu.memref_slice %arg5[%dma_wait3A_1332, %dma_wait3A_1333] : memref<106496x128xf32, #tpu.memory_space<hbm>> -> memref<106496x128xf32, #tpu.memory_space<hbm>>
    tpu.wait_indirect_dma semaphore(%arg10 : memref<!tpu.dma_semaphore, #tpu.memory_space<semaphore_mem>>) src(%arg8 : memref<128x128xf32, #tpu.memory_space<vmem>>) dst(%dma_wait3A_1334 : memref<106496x128xf32, #tpu.memory_space<hbm>>)
    %mul3A_1335 = arith.constant 26 : i32
    %mul3A_1336 = arith.muli %add3A, %mul3A_1335 : i32
    %add3A_1337 = arith.constant 21 : i32
    %add3A_1338 = arith.addi %mul3A_1336, %add3A_1337 : i32
    %jit3A_1339 = arith.constant 32 : i32
    %div3A_1340 = arith.divsi %add3A_1338, %jit3A_1339 : i32
    %sign3A_1341 = arith.constant 0 : i32
    %sign3A_1342 = arith.cmpi sgt, %add3A_1338, %sign3A_1341 : i32
    %sign3A_1343 = arith.extui %sign3A_1342 : i1 to i32
    %sign3A_1344 = arith.constant 0 : i32
    %sign3A_1345 = arith.cmpi slt, %add3A_1338, %sign3A_1344 : i32
    %sign3A_1346 = arith.extui %sign3A_1345 : i1 to i32
    %sign3A_1347 = arith.subi %sign3A_1343, %sign3A_1346 : i32
    %sign3A_1348 = arith.constant 0 : i32
    %sign3A_1349 = arith.cmpi sgt, %jit3A_1339, %sign3A_1348 : i32
    %sign3A_1350 = arith.extui %sign3A_1349 : i1 to i32
    %sign3A_1351 = arith.constant 0 : i32
    %sign3A_1352 = arith.cmpi slt, %jit3A_1339, %sign3A_1351 : i32
    %sign3A_1353 = arith.extui %sign3A_1352 : i1 to i32
    %sign3A_1354 = arith.subi %sign3A_1350, %sign3A_1353 : i32
    %ne3A_1355 = arith.cmpi ne, %sign3A_1347, %sign3A_1354 : i32
    %rem3A_1356 = arith.remsi %add3A_1338, %jit3A_1339 : i32
    %ne3A_1357 = arith.constant 0 : i32
    %ne3A_1358 = arith.cmpi ne, %rem3A_1356, %ne3A_1357 : i32
    %and3A_1359 = arith.andi %ne3A_1355, %ne3A_1358 : i1
    %sub3A_1360 = arith.constant 1 : i32
    %sub3A_1361 = arith.subi %div3A_1340, %sub3A_1360 : i32
    %select_n3A_1362 = arith.select %and3A_1359, %sub3A_1361, %div3A_1340 : i32
    %dma_start3A_1363 = arith.constant 21 : i32
    %dma_start3A_1364 = arith.constant 0 : i32
    %dma_start3A_1365 = tpu.memref_slice %arg6[%dma_start3A_1363, %dma_start3A_1364] : memref<26x128xi32, #tpu.memory_space<vmem>> -> memref<1x128xi32, #tpu.memory_space<vmem>>
    %dma_start3A_1366 = tpu.memref_squeeze %dma_start3A_1365 : memref<1x128xi32, #tpu.memory_space<vmem>> -> memref<128xi32, #tpu.memory_space<vmem>>
    %dma_start3A_1367 = arith.constant 0 : i32
    %dma_start3A_1368 = arith.constant 0 : i32
    %dma_start3A_1369 = tpu.memref_slice %arg2[%select_n3A_1362, %dma_start3A_1367, %dma_start3A_1368] : memref<26x50000x128xf32, #tpu.memory_space<hbm>> -> memref<1x50000x128xf32, #tpu.memory_space<hbm>>
    %dma_start3A_1370 = tpu.memref_squeeze %dma_start3A_1369 : memref<1x50000x128xf32, #tpu.memory_space<hbm>> -> memref<50000x128xf32, #tpu.memory_space<hbm>>
    %dma_start3A_1371 = arith.constant 0 : i32
    %dma_start3A_1372 = arith.constant 0 : i32
    %dma_start3A_1373 = tpu.memref_slice %dma_start3A_1370[%dma_start3A_1371, %dma_start3A_1372] : memref<50000x128xf32, #tpu.memory_space<hbm>> -> memref<50000x128xf32, #tpu.memory_space<hbm>>
    tpu.enqueue_indirect_dma source(%dma_start3A_1373 : memref<50000x128xf32, #tpu.memory_space<hbm>>) target(%arg8 : memref<128x128xf32, #tpu.memory_space<vmem>>) offsets(%dma_start3A_1366 : memref<128xi32, #tpu.memory_space<vmem>>) semaphore(%arg9 : memref<!tpu.dma_semaphore, #tpu.memory_space<semaphore_mem>>)
    %dma_wait3A_1374 = arith.constant 21 : i32
    %dma_wait3A_1375 = arith.constant 0 : i32
    %dma_wait3A_1376 = tpu.memref_slice %arg6[%dma_wait3A_1374, %dma_wait3A_1375] : memref<26x128xi32, #tpu.memory_space<vmem>> -> memref<1x128xi32, #tpu.memory_space<vmem>>
    %dma_wait3A_1377 = tpu.memref_squeeze %dma_wait3A_1376 : memref<1x128xi32, #tpu.memory_space<vmem>> -> memref<128xi32, #tpu.memory_space<vmem>>
    %dma_wait3A_1378 = arith.constant 0 : i32
    %dma_wait3A_1379 = arith.constant 0 : i32
    %dma_wait3A_1380 = tpu.memref_slice %arg2[%select_n3A_1362, %dma_wait3A_1378, %dma_wait3A_1379] : memref<26x50000x128xf32, #tpu.memory_space<hbm>> -> memref<1x50000x128xf32, #tpu.memory_space<hbm>>
    %dma_wait3A_1381 = tpu.memref_squeeze %dma_wait3A_1380 : memref<1x50000x128xf32, #tpu.memory_space<hbm>> -> memref<50000x128xf32, #tpu.memory_space<hbm>>
    %dma_wait3A_1382 = arith.constant 0 : i32
    %dma_wait3A_1383 = arith.constant 0 : i32
    %dma_wait3A_1384 = tpu.memref_slice %dma_wait3A_1381[%dma_wait3A_1382, %dma_wait3A_1383] : memref<50000x128xf32, #tpu.memory_space<hbm>> -> memref<50000x128xf32, #tpu.memory_space<hbm>>
    tpu.wait_indirect_dma semaphore(%arg9 : memref<!tpu.dma_semaphore, #tpu.memory_space<semaphore_mem>>) src(%dma_wait3A_1384 : memref<50000x128xf32, #tpu.memory_space<hbm>>) dst(%arg8 : memref<128x128xf32, #tpu.memory_space<vmem>>)
    %dma_start3A_1385 = arith.constant 21 : i32
    %dma_start3A_1386 = arith.constant 0 : i32
    %dma_start3A_1387 = tpu.memref_slice %arg7[%dma_start3A_1385, %dma_start3A_1386] : memref<26x128xi32, #tpu.memory_space<vmem>> -> memref<1x128xi32, #tpu.memory_space<vmem>>
    %dma_start3A_1388 = tpu.memref_squeeze %dma_start3A_1387 : memref<1x128xi32, #tpu.memory_space<vmem>> -> memref<128xi32, #tpu.memory_space<vmem>>
    %dma_start3A_1389 = arith.constant 0 : i32
    %dma_start3A_1390 = arith.constant 0 : i32
    %dma_start3A_1391 = tpu.memref_slice %arg5[%dma_start3A_1389, %dma_start3A_1390] : memref<106496x128xf32, #tpu.memory_space<hbm>> -> memref<106496x128xf32, #tpu.memory_space<hbm>>
    tpu.enqueue_indirect_dma source(%arg8 : memref<128x128xf32, #tpu.memory_space<vmem>>) target(%dma_start3A_1391 : memref<106496x128xf32, #tpu.memory_space<hbm>>) offsets(%dma_start3A_1388 : memref<128xi32, #tpu.memory_space<vmem>>) semaphore(%arg10 : memref<!tpu.dma_semaphore, #tpu.memory_space<semaphore_mem>>)
    %dma_wait3A_1392 = arith.constant 21 : i32
    %dma_wait3A_1393 = arith.constant 0 : i32
    %dma_wait3A_1394 = tpu.memref_slice %arg7[%dma_wait3A_1392, %dma_wait3A_1393] : memref<26x128xi32, #tpu.memory_space<vmem>> -> memref<1x128xi32, #tpu.memory_space<vmem>>
    %dma_wait3A_1395 = tpu.memref_squeeze %dma_wait3A_1394 : memref<1x128xi32, #tpu.memory_space<vmem>> -> memref<128xi32, #tpu.memory_space<vmem>>
    %dma_wait3A_1396 = arith.constant 0 : i32
    %dma_wait3A_1397 = arith.constant 0 : i32
    %dma_wait3A_1398 = tpu.memref_slice %arg5[%dma_wait3A_1396, %dma_wait3A_1397] : memref<106496x128xf32, #tpu.memory_space<hbm>> -> memref<106496x128xf32, #tpu.memory_space<hbm>>
    tpu.wait_indirect_dma semaphore(%arg10 : memref<!tpu.dma_semaphore, #tpu.memory_space<semaphore_mem>>) src(%arg8 : memref<128x128xf32, #tpu.memory_space<vmem>>) dst(%dma_wait3A_1398 : memref<106496x128xf32, #tpu.memory_space<hbm>>)
    %mul3A_1399 = arith.constant 26 : i32
    %mul3A_1400 = arith.muli %add3A, %mul3A_1399 : i32
    %add3A_1401 = arith.constant 22 : i32
    %add3A_1402 = arith.addi %mul3A_1400, %add3A_1401 : i32
    %jit3A_1403 = arith.constant 32 : i32
    %div3A_1404 = arith.divsi %add3A_1402, %jit3A_1403 : i32
    %sign3A_1405 = arith.constant 0 : i32
    %sign3A_1406 = arith.cmpi sgt, %add3A_1402, %sign3A_1405 : i32
    %sign3A_1407 = arith.extui %sign3A_1406 : i1 to i32
    %sign3A_1408 = arith.constant 0 : i32
    %sign3A_1409 = arith.cmpi slt, %add3A_1402, %sign3A_1408 : i32
    %sign3A_1410 = arith.extui %sign3A_1409 : i1 to i32
    %sign3A_1411 = arith.subi %sign3A_1407, %sign3A_1410 : i32
    %sign3A_1412 = arith.constant 0 : i32
    %sign3A_1413 = arith.cmpi sgt, %jit3A_1403, %sign3A_1412 : i32
    %sign3A_1414 = arith.extui %sign3A_1413 : i1 to i32
    %sign3A_1415 = arith.constant 0 : i32
    %sign3A_1416 = arith.cmpi slt, %jit3A_1403, %sign3A_1415 : i32
    %sign3A_1417 = arith.extui %sign3A_1416 : i1 to i32
    %sign3A_1418 = arith.subi %sign3A_1414, %sign3A_1417 : i32
    %ne3A_1419 = arith.cmpi ne, %sign3A_1411, %sign3A_1418 : i32
    %rem3A_1420 = arith.remsi %add3A_1402, %jit3A_1403 : i32
    %ne3A_1421 = arith.constant 0 : i32
    %ne3A_1422 = arith.cmpi ne, %rem3A_1420, %ne3A_1421 : i32
    %and3A_1423 = arith.andi %ne3A_1419, %ne3A_1422 : i1
    %sub3A_1424 = arith.constant 1 : i32
    %sub3A_1425 = arith.subi %div3A_1404, %sub3A_1424 : i32
    %select_n3A_1426 = arith.select %and3A_1423, %sub3A_1425, %div3A_1404 : i32
    %dma_start3A_1427 = arith.constant 22 : i32
    %dma_start3A_1428 = arith.constant 0 : i32
    %dma_start3A_1429 = tpu.memref_slice %arg6[%dma_start3A_1427, %dma_start3A_1428] : memref<26x128xi32, #tpu.memory_space<vmem>> -> memref<1x128xi32, #tpu.memory_space<vmem>>
    %dma_start3A_1430 = tpu.memref_squeeze %dma_start3A_1429 : memref<1x128xi32, #tpu.memory_space<vmem>> -> memref<128xi32, #tpu.memory_space<vmem>>
    %dma_start3A_1431 = arith.constant 0 : i32
    %dma_start3A_1432 = arith.constant 0 : i32
    %dma_start3A_1433 = tpu.memref_slice %arg2[%select_n3A_1426, %dma_start3A_1431, %dma_start3A_1432] : memref<26x50000x128xf32, #tpu.memory_space<hbm>> -> memref<1x50000x128xf32, #tpu.memory_space<hbm>>
    %dma_start3A_1434 = tpu.memref_squeeze %dma_start3A_1433 : memref<1x50000x128xf32, #tpu.memory_space<hbm>> -> memref<50000x128xf32, #tpu.memory_space<hbm>>
    %dma_start3A_1435 = arith.constant 0 : i32
    %dma_start3A_1436 = arith.constant 0 : i32
    %dma_start3A_1437 = tpu.memref_slice %dma_start3A_1434[%dma_start3A_1435, %dma_start3A_1436] : memref<50000x128xf32, #tpu.memory_space<hbm>> -> memref<50000x128xf32, #tpu.memory_space<hbm>>
    tpu.enqueue_indirect_dma source(%dma_start3A_1437 : memref<50000x128xf32, #tpu.memory_space<hbm>>) target(%arg8 : memref<128x128xf32, #tpu.memory_space<vmem>>) offsets(%dma_start3A_1430 : memref<128xi32, #tpu.memory_space<vmem>>) semaphore(%arg9 : memref<!tpu.dma_semaphore, #tpu.memory_space<semaphore_mem>>)
    %dma_wait3A_1438 = arith.constant 22 : i32
    %dma_wait3A_1439 = arith.constant 0 : i32
    %dma_wait3A_1440 = tpu.memref_slice %arg6[%dma_wait3A_1438, %dma_wait3A_1439] : memref<26x128xi32, #tpu.memory_space<vmem>> -> memref<1x128xi32, #tpu.memory_space<vmem>>
    %dma_wait3A_1441 = tpu.memref_squeeze %dma_wait3A_1440 : memref<1x128xi32, #tpu.memory_space<vmem>> -> memref<128xi32, #tpu.memory_space<vmem>>
    %dma_wait3A_1442 = arith.constant 0 : i32
    %dma_wait3A_1443 = arith.constant 0 : i32
    %dma_wait3A_1444 = tpu.memref_slice %arg2[%select_n3A_1426, %dma_wait3A_1442, %dma_wait3A_1443] : memref<26x50000x128xf32, #tpu.memory_space<hbm>> -> memref<1x50000x128xf32, #tpu.memory_space<hbm>>
    %dma_wait3A_1445 = tpu.memref_squeeze %dma_wait3A_1444 : memref<1x50000x128xf32, #tpu.memory_space<hbm>> -> memref<50000x128xf32, #tpu.memory_space<hbm>>
    %dma_wait3A_1446 = arith.constant 0 : i32
    %dma_wait3A_1447 = arith.constant 0 : i32
    %dma_wait3A_1448 = tpu.memref_slice %dma_wait3A_1445[%dma_wait3A_1446, %dma_wait3A_1447] : memref<50000x128xf32, #tpu.memory_space<hbm>> -> memref<50000x128xf32, #tpu.memory_space<hbm>>
    tpu.wait_indirect_dma semaphore(%arg9 : memref<!tpu.dma_semaphore, #tpu.memory_space<semaphore_mem>>) src(%dma_wait3A_1448 : memref<50000x128xf32, #tpu.memory_space<hbm>>) dst(%arg8 : memref<128x128xf32, #tpu.memory_space<vmem>>)
    %dma_start3A_1449 = arith.constant 22 : i32
    %dma_start3A_1450 = arith.constant 0 : i32
    %dma_start3A_1451 = tpu.memref_slice %arg7[%dma_start3A_1449, %dma_start3A_1450] : memref<26x128xi32, #tpu.memory_space<vmem>> -> memref<1x128xi32, #tpu.memory_space<vmem>>
    %dma_start3A_1452 = tpu.memref_squeeze %dma_start3A_1451 : memref<1x128xi32, #tpu.memory_space<vmem>> -> memref<128xi32, #tpu.memory_space<vmem>>
    %dma_start3A_1453 = arith.constant 0 : i32
    %dma_start3A_1454 = arith.constant 0 : i32
    %dma_start3A_1455 = tpu.memref_slice %arg5[%dma_start3A_1453, %dma_start3A_1454] : memref<106496x128xf32, #tpu.memory_space<hbm>> -> memref<106496x128xf32, #tpu.memory_space<hbm>>
    tpu.enqueue_indirect_dma source(%arg8 : memref<128x128xf32, #tpu.memory_space<vmem>>) target(%dma_start3A_1455 : memref<106496x128xf32, #tpu.memory_space<hbm>>) offsets(%dma_start3A_1452 : memref<128xi32, #tpu.memory_space<vmem>>) semaphore(%arg10 : memref<!tpu.dma_semaphore, #tpu.memory_space<semaphore_mem>>)
    %dma_wait3A_1456 = arith.constant 22 : i32
    %dma_wait3A_1457 = arith.constant 0 : i32
    %dma_wait3A_1458 = tpu.memref_slice %arg7[%dma_wait3A_1456, %dma_wait3A_1457] : memref<26x128xi32, #tpu.memory_space<vmem>> -> memref<1x128xi32, #tpu.memory_space<vmem>>
    %dma_wait3A_1459 = tpu.memref_squeeze %dma_wait3A_1458 : memref<1x128xi32, #tpu.memory_space<vmem>> -> memref<128xi32, #tpu.memory_space<vmem>>
    %dma_wait3A_1460 = arith.constant 0 : i32
    %dma_wait3A_1461 = arith.constant 0 : i32
    %dma_wait3A_1462 = tpu.memref_slice %arg5[%dma_wait3A_1460, %dma_wait3A_1461] : memref<106496x128xf32, #tpu.memory_space<hbm>> -> memref<106496x128xf32, #tpu.memory_space<hbm>>
    tpu.wait_indirect_dma semaphore(%arg10 : memref<!tpu.dma_semaphore, #tpu.memory_space<semaphore_mem>>) src(%arg8 : memref<128x128xf32, #tpu.memory_space<vmem>>) dst(%dma_wait3A_1462 : memref<106496x128xf32, #tpu.memory_space<hbm>>)
    %mul3A_1463 = arith.constant 26 : i32
    %mul3A_1464 = arith.muli %add3A, %mul3A_1463 : i32
    %add3A_1465 = arith.constant 23 : i32
    %add3A_1466 = arith.addi %mul3A_1464, %add3A_1465 : i32
    %jit3A_1467 = arith.constant 32 : i32
    %div3A_1468 = arith.divsi %add3A_1466, %jit3A_1467 : i32
    %sign3A_1469 = arith.constant 0 : i32
    %sign3A_1470 = arith.cmpi sgt, %add3A_1466, %sign3A_1469 : i32
    %sign3A_1471 = arith.extui %sign3A_1470 : i1 to i32
    %sign3A_1472 = arith.constant 0 : i32
    %sign3A_1473 = arith.cmpi slt, %add3A_1466, %sign3A_1472 : i32
    %sign3A_1474 = arith.extui %sign3A_1473 : i1 to i32
    %sign3A_1475 = arith.subi %sign3A_1471, %sign3A_1474 : i32
    %sign3A_1476 = arith.constant 0 : i32
    %sign3A_1477 = arith.cmpi sgt, %jit3A_1467, %sign3A_1476 : i32
    %sign3A_1478 = arith.extui %sign3A_1477 : i1 to i32
    %sign3A_1479 = arith.constant 0 : i32
    %sign3A_1480 = arith.cmpi slt, %jit3A_1467, %sign3A_1479 : i32
    %sign3A_1481 = arith.extui %sign3A_1480 : i1 to i32
    %sign3A_1482 = arith.subi %sign3A_1478, %sign3A_1481 : i32
    %ne3A_1483 = arith.cmpi ne, %sign3A_1475, %sign3A_1482 : i32
    %rem3A_1484 = arith.remsi %add3A_1466, %jit3A_1467 : i32
    %ne3A_1485 = arith.constant 0 : i32
    %ne3A_1486 = arith.cmpi ne, %rem3A_1484, %ne3A_1485 : i32
    %and3A_1487 = arith.andi %ne3A_1483, %ne3A_1486 : i1
    %sub3A_1488 = arith.constant 1 : i32
    %sub3A_1489 = arith.subi %div3A_1468, %sub3A_1488 : i32
    %select_n3A_1490 = arith.select %and3A_1487, %sub3A_1489, %div3A_1468 : i32
    %dma_start3A_1491 = arith.constant 23 : i32
    %dma_start3A_1492 = arith.constant 0 : i32
    %dma_start3A_1493 = tpu.memref_slice %arg6[%dma_start3A_1491, %dma_start3A_1492] : memref<26x128xi32, #tpu.memory_space<vmem>> -> memref<1x128xi32, #tpu.memory_space<vmem>>
    %dma_start3A_1494 = tpu.memref_squeeze %dma_start3A_1493 : memref<1x128xi32, #tpu.memory_space<vmem>> -> memref<128xi32, #tpu.memory_space<vmem>>
    %dma_start3A_1495 = arith.constant 0 : i32
    %dma_start3A_1496 = arith.constant 0 : i32
    %dma_start3A_1497 = tpu.memref_slice %arg2[%select_n3A_1490, %dma_start3A_1495, %dma_start3A_1496] : memref<26x50000x128xf32, #tpu.memory_space<hbm>> -> memref<1x50000x128xf32, #tpu.memory_space<hbm>>
    %dma_start3A_1498 = tpu.memref_squeeze %dma_start3A_1497 : memref<1x50000x128xf32, #tpu.memory_space<hbm>> -> memref<50000x128xf32, #tpu.memory_space<hbm>>
    %dma_start3A_1499 = arith.constant 0 : i32
    %dma_start3A_1500 = arith.constant 0 : i32
    %dma_start3A_1501 = tpu.memref_slice %dma_start3A_1498[%dma_start3A_1499, %dma_start3A_1500] : memref<50000x128xf32, #tpu.memory_space<hbm>> -> memref<50000x128xf32, #tpu.memory_space<hbm>>
    tpu.enqueue_indirect_dma source(%dma_start3A_1501 : memref<50000x128xf32, #tpu.memory_space<hbm>>) target(%arg8 : memref<128x128xf32, #tpu.memory_space<vmem>>) offsets(%dma_start3A_1494 : memref<128xi32, #tpu.memory_space<vmem>>) semaphore(%arg9 : memref<!tpu.dma_semaphore, #tpu.memory_space<semaphore_mem>>)
    %dma_wait3A_1502 = arith.constant 23 : i32
    %dma_wait3A_1503 = arith.constant 0 : i32
    %dma_wait3A_1504 = tpu.memref_slice %arg6[%dma_wait3A_1502, %dma_wait3A_1503] : memref<26x128xi32, #tpu.memory_space<vmem>> -> memref<1x128xi32, #tpu.memory_space<vmem>>
    %dma_wait3A_1505 = tpu.memref_squeeze %dma_wait3A_1504 : memref<1x128xi32, #tpu.memory_space<vmem>> -> memref<128xi32, #tpu.memory_space<vmem>>
    %dma_wait3A_1506 = arith.constant 0 : i32
    %dma_wait3A_1507 = arith.constant 0 : i32
    %dma_wait3A_1508 = tpu.memref_slice %arg2[%select_n3A_1490, %dma_wait3A_1506, %dma_wait3A_1507] : memref<26x50000x128xf32, #tpu.memory_space<hbm>> -> memref<1x50000x128xf32, #tpu.memory_space<hbm>>
    %dma_wait3A_1509 = tpu.memref_squeeze %dma_wait3A_1508 : memref<1x50000x128xf32, #tpu.memory_space<hbm>> -> memref<50000x128xf32, #tpu.memory_space<hbm>>
    %dma_wait3A_1510 = arith.constant 0 : i32
    %dma_wait3A_1511 = arith.constant 0 : i32
    %dma_wait3A_1512 = tpu.memref_slice %dma_wait3A_1509[%dma_wait3A_1510, %dma_wait3A_1511] : memref<50000x128xf32, #tpu.memory_space<hbm>> -> memref<50000x128xf32, #tpu.memory_space<hbm>>
    tpu.wait_indirect_dma semaphore(%arg9 : memref<!tpu.dma_semaphore, #tpu.memory_space<semaphore_mem>>) src(%dma_wait3A_1512 : memref<50000x128xf32, #tpu.memory_space<hbm>>) dst(%arg8 : memref<128x128xf32, #tpu.memory_space<vmem>>)
    %dma_start3A_1513 = arith.constant 23 : i32
    %dma_start3A_1514 = arith.constant 0 : i32
    %dma_start3A_1515 = tpu.memref_slice %arg7[%dma_start3A_1513, %dma_start3A_1514] : memref<26x128xi32, #tpu.memory_space<vmem>> -> memref<1x128xi32, #tpu.memory_space<vmem>>
    %dma_start3A_1516 = tpu.memref_squeeze %dma_start3A_1515 : memref<1x128xi32, #tpu.memory_space<vmem>> -> memref<128xi32, #tpu.memory_space<vmem>>
    %dma_start3A_1517 = arith.constant 0 : i32
    %dma_start3A_1518 = arith.constant 0 : i32
    %dma_start3A_1519 = tpu.memref_slice %arg5[%dma_start3A_1517, %dma_start3A_1518] : memref<106496x128xf32, #tpu.memory_space<hbm>> -> memref<106496x128xf32, #tpu.memory_space<hbm>>
    tpu.enqueue_indirect_dma source(%arg8 : memref<128x128xf32, #tpu.memory_space<vmem>>) target(%dma_start3A_1519 : memref<106496x128xf32, #tpu.memory_space<hbm>>) offsets(%dma_start3A_1516 : memref<128xi32, #tpu.memory_space<vmem>>) semaphore(%arg10 : memref<!tpu.dma_semaphore, #tpu.memory_space<semaphore_mem>>)
    %dma_wait3A_1520 = arith.constant 23 : i32
    %dma_wait3A_1521 = arith.constant 0 : i32
    %dma_wait3A_1522 = tpu.memref_slice %arg7[%dma_wait3A_1520, %dma_wait3A_1521] : memref<26x128xi32, #tpu.memory_space<vmem>> -> memref<1x128xi32, #tpu.memory_space<vmem>>
    %dma_wait3A_1523 = tpu.memref_squeeze %dma_wait3A_1522 : memref<1x128xi32, #tpu.memory_space<vmem>> -> memref<128xi32, #tpu.memory_space<vmem>>
    %dma_wait3A_1524 = arith.constant 0 : i32
    %dma_wait3A_1525 = arith.constant 0 : i32
    %dma_wait3A_1526 = tpu.memref_slice %arg5[%dma_wait3A_1524, %dma_wait3A_1525] : memref<106496x128xf32, #tpu.memory_space<hbm>> -> memref<106496x128xf32, #tpu.memory_space<hbm>>
    tpu.wait_indirect_dma semaphore(%arg10 : memref<!tpu.dma_semaphore, #tpu.memory_space<semaphore_mem>>) src(%arg8 : memref<128x128xf32, #tpu.memory_space<vmem>>) dst(%dma_wait3A_1526 : memref<106496x128xf32, #tpu.memory_space<hbm>>)
    %mul3A_1527 = arith.constant 26 : i32
    %mul3A_1528 = arith.muli %add3A, %mul3A_1527 : i32
    %add3A_1529 = arith.constant 24 : i32
    %add3A_1530 = arith.addi %mul3A_1528, %add3A_1529 : i32
    %jit3A_1531 = arith.constant 32 : i32
    %div3A_1532 = arith.divsi %add3A_1530, %jit3A_1531 : i32
    %sign3A_1533 = arith.constant 0 : i32
    %sign3A_1534 = arith.cmpi sgt, %add3A_1530, %sign3A_1533 : i32
    %sign3A_1535 = arith.extui %sign3A_1534 : i1 to i32
    %sign3A_1536 = arith.constant 0 : i32
    %sign3A_1537 = arith.cmpi slt, %add3A_1530, %sign3A_1536 : i32
    %sign3A_1538 = arith.extui %sign3A_1537 : i1 to i32
    %sign3A_1539 = arith.subi %sign3A_1535, %sign3A_1538 : i32
    %sign3A_1540 = arith.constant 0 : i32
    %sign3A_1541 = arith.cmpi sgt, %jit3A_1531, %sign3A_1540 : i32
    %sign3A_1542 = arith.extui %sign3A_1541 : i1 to i32
    %sign3A_1543 = arith.constant 0 : i32
    %sign3A_1544 = arith.cmpi slt, %jit3A_1531, %sign3A_1543 : i32
    %sign3A_1545 = arith.extui %sign3A_1544 : i1 to i32
    %sign3A_1546 = arith.subi %sign3A_1542, %sign3A_1545 : i32
    %ne3A_1547 = arith.cmpi ne, %sign3A_1539, %sign3A_1546 : i32
    %rem3A_1548 = arith.remsi %add3A_1530, %jit3A_1531 : i32
    %ne3A_1549 = arith.constant 0 : i32
    %ne3A_1550 = arith.cmpi ne, %rem3A_1548, %ne3A_1549 : i32
    %and3A_1551 = arith.andi %ne3A_1547, %ne3A_1550 : i1
    %sub3A_1552 = arith.constant 1 : i32
    %sub3A_1553 = arith.subi %div3A_1532, %sub3A_1552 : i32
    %select_n3A_1554 = arith.select %and3A_1551, %sub3A_1553, %div3A_1532 : i32
    %dma_start3A_1555 = arith.constant 24 : i32
    %dma_start3A_1556 = arith.constant 0 : i32
    %dma_start3A_1557 = tpu.memref_slice %arg6[%dma_start3A_1555, %dma_start3A_1556] : memref<26x128xi32, #tpu.memory_space<vmem>> -> memref<1x128xi32, #tpu.memory_space<vmem>>
    %dma_start3A_1558 = tpu.memref_squeeze %dma_start3A_1557 : memref<1x128xi32, #tpu.memory_space<vmem>> -> memref<128xi32, #tpu.memory_space<vmem>>
    %dma_start3A_1559 = arith.constant 0 : i32
    %dma_start3A_1560 = arith.constant 0 : i32
    %dma_start3A_1561 = tpu.memref_slice %arg2[%select_n3A_1554, %dma_start3A_1559, %dma_start3A_1560] : memref<26x50000x128xf32, #tpu.memory_space<hbm>> -> memref<1x50000x128xf32, #tpu.memory_space<hbm>>
    %dma_start3A_1562 = tpu.memref_squeeze %dma_start3A_1561 : memref<1x50000x128xf32, #tpu.memory_space<hbm>> -> memref<50000x128xf32, #tpu.memory_space<hbm>>
    %dma_start3A_1563 = arith.constant 0 : i32
    %dma_start3A_1564 = arith.constant 0 : i32
    %dma_start3A_1565 = tpu.memref_slice %dma_start3A_1562[%dma_start3A_1563, %dma_start3A_1564] : memref<50000x128xf32, #tpu.memory_space<hbm>> -> memref<50000x128xf32, #tpu.memory_space<hbm>>
    tpu.enqueue_indirect_dma source(%dma_start3A_1565 : memref<50000x128xf32, #tpu.memory_space<hbm>>) target(%arg8 : memref<128x128xf32, #tpu.memory_space<vmem>>) offsets(%dma_start3A_1558 : memref<128xi32, #tpu.memory_space<vmem>>) semaphore(%arg9 : memref<!tpu.dma_semaphore, #tpu.memory_space<semaphore_mem>>)
    %dma_wait3A_1566 = arith.constant 24 : i32
    %dma_wait3A_1567 = arith.constant 0 : i32
    %dma_wait3A_1568 = tpu.memref_slice %arg6[%dma_wait3A_1566, %dma_wait3A_1567] : memref<26x128xi32, #tpu.memory_space<vmem>> -> memref<1x128xi32, #tpu.memory_space<vmem>>
    %dma_wait3A_1569 = tpu.memref_squeeze %dma_wait3A_1568 : memref<1x128xi32, #tpu.memory_space<vmem>> -> memref<128xi32, #tpu.memory_space<vmem>>
    %dma_wait3A_1570 = arith.constant 0 : i32
    %dma_wait3A_1571 = arith.constant 0 : i32
    %dma_wait3A_1572 = tpu.memref_slice %arg2[%select_n3A_1554, %dma_wait3A_1570, %dma_wait3A_1571] : memref<26x50000x128xf32, #tpu.memory_space<hbm>> -> memref<1x50000x128xf32, #tpu.memory_space<hbm>>
    %dma_wait3A_1573 = tpu.memref_squeeze %dma_wait3A_1572 : memref<1x50000x128xf32, #tpu.memory_space<hbm>> -> memref<50000x128xf32, #tpu.memory_space<hbm>>
    %dma_wait3A_1574 = arith.constant 0 : i32
    %dma_wait3A_1575 = arith.constant 0 : i32
    %dma_wait3A_1576 = tpu.memref_slice %dma_wait3A_1573[%dma_wait3A_1574, %dma_wait3A_1575] : memref<50000x128xf32, #tpu.memory_space<hbm>> -> memref<50000x128xf32, #tpu.memory_space<hbm>>
    tpu.wait_indirect_dma semaphore(%arg9 : memref<!tpu.dma_semaphore, #tpu.memory_space<semaphore_mem>>) src(%dma_wait3A_1576 : memref<50000x128xf32, #tpu.memory_space<hbm>>) dst(%arg8 : memref<128x128xf32, #tpu.memory_space<vmem>>)
    %dma_start3A_1577 = arith.constant 24 : i32
    %dma_start3A_1578 = arith.constant 0 : i32
    %dma_start3A_1579 = tpu.memref_slice %arg7[%dma_start3A_1577, %dma_start3A_1578] : memref<26x128xi32, #tpu.memory_space<vmem>> -> memref<1x128xi32, #tpu.memory_space<vmem>>
    %dma_start3A_1580 = tpu.memref_squeeze %dma_start3A_1579 : memref<1x128xi32, #tpu.memory_space<vmem>> -> memref<128xi32, #tpu.memory_space<vmem>>
    %dma_start3A_1581 = arith.constant 0 : i32
    %dma_start3A_1582 = arith.constant 0 : i32
    %dma_start3A_1583 = tpu.memref_slice %arg5[%dma_start3A_1581, %dma_start3A_1582] : memref<106496x128xf32, #tpu.memory_space<hbm>> -> memref<106496x128xf32, #tpu.memory_space<hbm>>
    tpu.enqueue_indirect_dma source(%arg8 : memref<128x128xf32, #tpu.memory_space<vmem>>) target(%dma_start3A_1583 : memref<106496x128xf32, #tpu.memory_space<hbm>>) offsets(%dma_start3A_1580 : memref<128xi32, #tpu.memory_space<vmem>>) semaphore(%arg10 : memref<!tpu.dma_semaphore, #tpu.memory_space<semaphore_mem>>)
    %dma_wait3A_1584 = arith.constant 24 : i32
    %dma_wait3A_1585 = arith.constant 0 : i32
    %dma_wait3A_1586 = tpu.memref_slice %arg7[%dma_wait3A_1584, %dma_wait3A_1585] : memref<26x128xi32, #tpu.memory_space<vmem>> -> memref<1x128xi32, #tpu.memory_space<vmem>>
    %dma_wait3A_1587 = tpu.memref_squeeze %dma_wait3A_1586 : memref<1x128xi32, #tpu.memory_space<vmem>> -> memref<128xi32, #tpu.memory_space<vmem>>
    %dma_wait3A_1588 = arith.constant 0 : i32
    %dma_wait3A_1589 = arith.constant 0 : i32
    %dma_wait3A_1590 = tpu.memref_slice %arg5[%dma_wait3A_1588, %dma_wait3A_1589] : memref<106496x128xf32, #tpu.memory_space<hbm>> -> memref<106496x128xf32, #tpu.memory_space<hbm>>
    tpu.wait_indirect_dma semaphore(%arg10 : memref<!tpu.dma_semaphore, #tpu.memory_space<semaphore_mem>>) src(%arg8 : memref<128x128xf32, #tpu.memory_space<vmem>>) dst(%dma_wait3A_1590 : memref<106496x128xf32, #tpu.memory_space<hbm>>)
    %mul3A_1591 = arith.constant 26 : i32
    %mul3A_1592 = arith.muli %add3A, %mul3A_1591 : i32
    %add3A_1593 = arith.constant 25 : i32
    %add3A_1594 = arith.addi %mul3A_1592, %add3A_1593 : i32
    %jit3A_1595 = arith.constant 32 : i32
    %div3A_1596 = arith.divsi %add3A_1594, %jit3A_1595 : i32
    %sign3A_1597 = arith.constant 0 : i32
    %sign3A_1598 = arith.cmpi sgt, %add3A_1594, %sign3A_1597 : i32
    %sign3A_1599 = arith.extui %sign3A_1598 : i1 to i32
    %sign3A_1600 = arith.constant 0 : i32
    %sign3A_1601 = arith.cmpi slt, %add3A_1594, %sign3A_1600 : i32
    %sign3A_1602 = arith.extui %sign3A_1601 : i1 to i32
    %sign3A_1603 = arith.subi %sign3A_1599, %sign3A_1602 : i32
    %sign3A_1604 = arith.constant 0 : i32
    %sign3A_1605 = arith.cmpi sgt, %jit3A_1595, %sign3A_1604 : i32
    %sign3A_1606 = arith.extui %sign3A_1605 : i1 to i32
    %sign3A_1607 = arith.constant 0 : i32
    %sign3A_1608 = arith.cmpi slt, %jit3A_1595, %sign3A_1607 : i32
    %sign3A_1609 = arith.extui %sign3A_1608 : i1 to i32
    %sign3A_1610 = arith.subi %sign3A_1606, %sign3A_1609 : i32
    %ne3A_1611 = arith.cmpi ne, %sign3A_1603, %sign3A_1610 : i32
    %rem3A_1612 = arith.remsi %add3A_1594, %jit3A_1595 : i32
    %ne3A_1613 = arith.constant 0 : i32
    %ne3A_1614 = arith.cmpi ne, %rem3A_1612, %ne3A_1613 : i32
    %and3A_1615 = arith.andi %ne3A_1611, %ne3A_1614 : i1
    %sub3A_1616 = arith.constant 1 : i32
    %sub3A_1617 = arith.subi %div3A_1596, %sub3A_1616 : i32
    %select_n3A_1618 = arith.select %and3A_1615, %sub3A_1617, %div3A_1596 : i32
    %dma_start3A_1619 = arith.constant 25 : i32
    %dma_start3A_1620 = arith.constant 0 : i32
    %dma_start3A_1621 = tpu.memref_slice %arg6[%dma_start3A_1619, %dma_start3A_1620] : memref<26x128xi32, #tpu.memory_space<vmem>> -> memref<1x128xi32, #tpu.memory_space<vmem>>
    %dma_start3A_1622 = tpu.memref_squeeze %dma_start3A_1621 : memref<1x128xi32, #tpu.memory_space<vmem>> -> memref<128xi32, #tpu.memory_space<vmem>>
    %dma_start3A_1623 = arith.constant 0 : i32
    %dma_start3A_1624 = arith.constant 0 : i32
    %dma_start3A_1625 = tpu.memref_slice %arg2[%select_n3A_1618, %dma_start3A_1623, %dma_start3A_1624] : memref<26x50000x128xf32, #tpu.memory_space<hbm>> -> memref<1x50000x128xf32, #tpu.memory_space<hbm>>
    %dma_start3A_1626 = tpu.memref_squeeze %dma_start3A_1625 : memref<1x50000x128xf32, #tpu.memory_space<hbm>> -> memref<50000x128xf32, #tpu.memory_space<hbm>>
    %dma_start3A_1627 = arith.constant 0 : i32
    %dma_start3A_1628 = arith.constant 0 : i32
    %dma_start3A_1629 = tpu.memref_slice %dma_start3A_1626[%dma_start3A_1627, %dma_start3A_1628] : memref<50000x128xf32, #tpu.memory_space<hbm>> -> memref<50000x128xf32, #tpu.memory_space<hbm>>
    tpu.enqueue_indirect_dma source(%dma_start3A_1629 : memref<50000x128xf32, #tpu.memory_space<hbm>>) target(%arg8 : memref<128x128xf32, #tpu.memory_space<vmem>>) offsets(%dma_start3A_1622 : memref<128xi32, #tpu.memory_space<vmem>>) semaphore(%arg9 : memref<!tpu.dma_semaphore, #tpu.memory_space<semaphore_mem>>)
    %dma_wait3A_1630 = arith.constant 25 : i32
    %dma_wait3A_1631 = arith.constant 0 : i32
    %dma_wait3A_1632 = tpu.memref_slice %arg6[%dma_wait3A_1630, %dma_wait3A_1631] : memref<26x128xi32, #tpu.memory_space<vmem>> -> memref<1x128xi32, #tpu.memory_space<vmem>>
    %dma_wait3A_1633 = tpu.memref_squeeze %dma_wait3A_1632 : memref<1x128xi32, #tpu.memory_space<vmem>> -> memref<128xi32, #tpu.memory_space<vmem>>
    %dma_wait3A_1634 = arith.constant 0 : i32
    %dma_wait3A_1635 = arith.constant 0 : i32
    %dma_wait3A_1636 = tpu.memref_slice %arg2[%select_n3A_1618, %dma_wait3A_1634, %dma_wait3A_1635] : memref<26x50000x128xf32, #tpu.memory_space<hbm>> -> memref<1x50000x128xf32, #tpu.memory_space<hbm>>
    %dma_wait3A_1637 = tpu.memref_squeeze %dma_wait3A_1636 : memref<1x50000x128xf32, #tpu.memory_space<hbm>> -> memref<50000x128xf32, #tpu.memory_space<hbm>>
    %dma_wait3A_1638 = arith.constant 0 : i32
    %dma_wait3A_1639 = arith.constant 0 : i32
    %dma_wait3A_1640 = tpu.memref_slice %dma_wait3A_1637[%dma_wait3A_1638, %dma_wait3A_1639] : memref<50000x128xf32, #tpu.memory_space<hbm>> -> memref<50000x128xf32, #tpu.memory_space<hbm>>
    tpu.wait_indirect_dma semaphore(%arg9 : memref<!tpu.dma_semaphore, #tpu.memory_space<semaphore_mem>>) src(%dma_wait3A_1640 : memref<50000x128xf32, #tpu.memory_space<hbm>>) dst(%arg8 : memref<128x128xf32, #tpu.memory_space<vmem>>)
    %dma_start3A_1641 = arith.constant 25 : i32
    %dma_start3A_1642 = arith.constant 0 : i32
    %dma_start3A_1643 = tpu.memref_slice %arg7[%dma_start3A_1641, %dma_start3A_1642] : memref<26x128xi32, #tpu.memory_space<vmem>> -> memref<1x128xi32, #tpu.memory_space<vmem>>
    %dma_start3A_1644 = tpu.memref_squeeze %dma_start3A_1643 : memref<1x128xi32, #tpu.memory_space<vmem>> -> memref<128xi32, #tpu.memory_space<vmem>>
    %dma_start3A_1645 = arith.constant 0 : i32
    %dma_start3A_1646 = arith.constant 0 : i32
    %dma_start3A_1647 = tpu.memref_slice %arg5[%dma_start3A_1645, %dma_start3A_1646] : memref<106496x128xf32, #tpu.memory_space<hbm>> -> memref<106496x128xf32, #tpu.memory_space<hbm>>
    tpu.enqueue_indirect_dma source(%arg8 : memref<128x128xf32, #tpu.memory_space<vmem>>) target(%dma_start3A_1647 : memref<106496x128xf32, #tpu.memory_space<hbm>>) offsets(%dma_start3A_1644 : memref<128xi32, #tpu.memory_space<vmem>>) semaphore(%arg10 : memref<!tpu.dma_semaphore, #tpu.memory_space<semaphore_mem>>)
    %dma_wait3A_1648 = arith.constant 25 : i32
    %dma_wait3A_1649 = arith.constant 0 : i32
    %dma_wait3A_1650 = tpu.memref_slice %arg7[%dma_wait3A_1648, %dma_wait3A_1649] : memref<26x128xi32, #tpu.memory_space<vmem>> -> memref<1x128xi32, #tpu.memory_space<vmem>>
    %dma_wait3A_1651 = tpu.memref_squeeze %dma_wait3A_1650 : memref<1x128xi32, #tpu.memory_space<vmem>> -> memref<128xi32, #tpu.memory_space<vmem>>
    %dma_wait3A_1652 = arith.constant 0 : i32
    %dma_wait3A_1653 = arith.constant 0 : i32
    %dma_wait3A_1654 = tpu.memref_slice %arg5[%dma_wait3A_1652, %dma_wait3A_1653] : memref<106496x128xf32, #tpu.memory_space<hbm>> -> memref<106496x128xf32, #tpu.memory_space<hbm>>
    tpu.wait_indirect_dma semaphore(%arg10 : memref<!tpu.dma_semaphore, #tpu.memory_space<semaphore_mem>>) src(%arg8 : memref<128x128xf32, #tpu.memory_space<vmem>>) dst(%dma_wait3A_1654 : memref<106496x128xf32, #tpu.memory_space<hbm>>)
    return
  }
}

</mosaic_0001>

<sc_bundles>
// kernel: kernel.3.cloned.1.call-start
scs
__scs_entry_jumppad:
0x0: {  	(pc) =	sbr.rel $0x88, $3  }
0x1: {  	(tag) =	ssettag $0x0;
	lr =	simm.s32 $0x1  }
0x2: {  	[smem:$0x3F9F] =	sst lr;
	_ =	strace $0xD0000000  }
0x3: {  	_ = 	snop  }
0x4: {  	_ = 	snop  }
0x5: {  	_ = 	snop  }
0x6: {  	_ = 	snop  }
0x7: {  	_ = 	snop  }
__scs_overlays_trampoline_lowered:
0x8: {  	[smem:$0x3FAE] =	sst s0  }
0x9: {  	[smem:$0x3FAF] =	sst s1  }
0xa: {  	[smem:$0x3FB0] =	sst s2  }
0xb: {  	[smem:$0x3FB1] =	sst s3  }
0xc: {  	[smem:$0x3FB2] =	sst s4  }
0xd: {  	[smem:$0x3FB3] =	sst s5  }
0xe: {  	[smem:$0x3FB4] =	sst s6  }
0xf: {  	[smem:$0x3FB5] =	sst s7  }
0x10: {  	[smem:$0x3FB6] =	sst s8  }
0x11: {  	[smem:$0x3FB7] =	sst s9;
	s0 =	simm.s32 @!p0 $0x0  }
0x12: {  	s1 =	sld [smem:$0x3F9D];
	s0 =	simm.s32 @p0 $0x1  }
0x13: {  	[smem:$0x3FB8] =	sst s0;
	s0 =	simm.s32 @!p1 $0x0  }
0x14: {  	s2 =	sld [smem:$0x3F9C];
	s0 =	simm.s32 @p1 $0x1  }
0x15: {  	[smem:$0x3FB9] =	sst s0;
	s0 =	simm.s32 @!p2 $0x0  }
0x16: {  	s3 =	sld [smem:$0x3FDB];
	s0 =	simm.s32 @p2 $0x1  }
0x17: {  	s4 =	simm.s32 $0x1BF5;
	[smem:$0x3FBB] =	sst s0  }
0x18: {  	s0 =	sld [smem:$0x3F9E];
	_ =	swait.ge [sflag:s4], $0x0  }
0x19: {  	s7 =	sld [smem:$0x3F9F]  }
0x1a: {  	s8 =	sadd.s32 $0xFFFFE003, lr  }
0x1b: {  	s9 =	sadd.s32 $0xFFFFFEF7, lr;
	s5 =	simm.s32 $0xFFFFFFFF;
	p2 =	slt.u32 s8, $0xFFFFF086  }
0x1c: {  	p1 =	slt.u32 s9, $0xF7A;
	s5 =	simm.s32 @!p2 $0x0  }
0x1d: {  	s5 =	simm.s32 @p1 $0x1;
	p0 =	seq.s32 s7, s2  }
0x1e: {  	s7 =	smul.u32 @!p0 $0xF7A, s2;
	p2 =	seq.s32 @!p0 s5, $0x0  }
0x1f: {  	s9 =	smul.u32 $0xF7A, s1;
	s8 =	simm.s32 @!p0 $0x1BF5;
	p2 =	por !p2, p0  }
0x20: {  	[sflag:s8] =	ssyncset.s32 @!p0 $0xFFFFF086;
	s6 =	sadd.s32 @!p0 s3, s7;
	s7 =	simm.s32 @!p0 $0x108  }
0x21: {  	s3 =	sadd.s32 s3, s9;
	s6 =	sadd.s32 @!p0 $0x88, s6;
	s7 =	simm.s32 @p2 $0x1082  }
0x22: {  	[simem:s7], [sflag:s8] =	dma.local @!p0 [hbm:s6], $0xF7A  }
0x23: {  	s9 =	sor.u32 $0xD0000000, s2;
	s6 =	simm.s32 $0x108;
	_ =	swait.ge @!p0 [sflag:s8], $0x0  }
0x24: {  	s3 =	sadd.s32 $0x88, s3;
	s6 =	simm.s32 @!p1 $0x1082;
	[sflag:s4] =	ssyncset.s32 $0xFFFFF086  }
0x25: {  	[simem:s6], [sflag:s4] =	dma.local [hbm:s3], $0xF7A  }
0x26: {  	[smem:$0x3F9F] =	sst s1;
	(tag) =	ssettag s2;
	_ =	strace s9  }
0x27: {  	s1 =	sld [smem:$0x3FAF]  }
0x28: {  	s2 =	sld [smem:$0x3FB0]  }
0x29: {  	s4 =	sld [smem:$0x3FB2]  }
0x2a: {  	p0 =	seq.s32 s5, $0x0;
	s5 =	sld [smem:$0x3FB3]  }
0x2b: {  	s6 =	sld [smem:$0x3FB4]  }
0x2c: {  	s7 =	sld [smem:$0x3FB5]  }
0x2d: {  	s3 =	simm.s32 $0x108;
	s8 =	sld [smem:$0x3FB6]  }
0x2e: {  	s3 =	simm.s32 @!p0 $0x1082;
	s9 =	sld [smem:$0x3FB7]  }
0x2f: {  	lr =	sadd.s32 s0, s3;
	s0 =	sld [smem:$0x3FAE]  }
0x30: {  	s3 =	sld [smem:$0x3FB1]  }
0x31: {  	[smem:$0x3FBA] =	sst s10  }
0x32: {  	s10 =	sld [smem:$0x3FB8];
	_ =	sdelay $0x3  }
0x33: {  	p0 =	seq.s32 s10, $0x1;
	s10 =	sld [smem:$0x3FBA];
	_ =	sdelay $0x3  }
0x34: {  	[smem:$0x3FBA] =	sst s10  }
0x35: {  	s10 =	sld [smem:$0x3FB9];
	_ =	sdelay $0x3  }
0x36: {  	p1 =	seq.s32 s10, $0x1;
	s10 =	sld [smem:$0x3FBA];
	_ =	sdelay $0x3  }
0x37: {  	[smem:$0x3FBA] =	sst s10  }
0x38: {  	s10 =	sld [smem:$0x3FBB]  }
0x39: {  	_ = 	snop;
	(pc) =	sbr.ind lr, $3  }
0x3a: {  	_ = 	snop  }
0x3b: {  	_ = 	snop  }
0x3c: {  	p2 =	seq.s32 s10, $0x1;
	s10 =	sld [smem:$0x3FBA]  }
0x3d: {  	_ =	shalt  }
0x3e: {  	_ =	shalt  }
0x3f: {  	_ =	shalt  }
0x40: {  	_ =	shalt  }
0x41: {  	_ =	shalt  }
0x42: {  	_ =	shalt  }
0x43: {  	_ =	shalt  }
0x44: {  	_ =	shalt  }
0x45: {  	_ =	shalt  }
0x46: {  	_ =	shalt  }
0x47: {  	_ =	shalt  }
0x48: {  	_ =	shalt  }
0x49: {  	_ =	shalt  }
0x4a: {  	_ =	shalt  }
0x4b: {  	_ =	shalt  }
0x4c: {  	_ =	shalt  }
0x4d: {  	_ =	shalt  }
0x4e: {  	_ =	shalt  }
0x4f: {  	_ =	shalt  }
0x50: {  	_ =	shalt  }
0x51: {  	_ =	shalt  }
0x52: {  	_ =	shalt  }
0x53: {  	_ =	shalt  }
0x54: {  	_ =	shalt  }
0x55: {  	_ =	shalt  }
0x56: {  	_ =	shalt  }
0x57: {  	_ =	shalt  }
0x58: {  	_ =	shalt  }
0x59: {  	_ =	shalt  }
0x5a: {  	_ =	shalt  }
0x5b: {  	_ =	shalt  }
0x5c: {  	_ =	shalt  }
0x5d: {  	_ =	shalt  }
0x5e: {  	_ =	shalt  }
0x5f: {  	_ =	shalt  }
0x60: {  	_ =	shalt  }
0x61: {  	_ =	shalt  }
0x62: {  	_ =	shalt  }
0x63: {  	_ =	shalt  }
0x64: {  	_ =	shalt  }
0x65: {  	_ =	shalt  }
0x66: {  	_ =	shalt  }
0x67: {  	_ =	shalt  }
0x68: {  	_ =	shalt  }
0x69: {  	_ =	shalt  }
0x6a: {  	_ =	shalt  }
0x6b: {  	_ =	shalt  }
0x6c: {  	_ =	shalt  }
0x6d: {  	_ =	shalt  }
0x6e: {  	_ =	shalt  }
0x6f: {  	_ =	shalt  }
0x70: {  	_ =	shalt  }
0x71: {  	_ =	shalt  }
0x72: {  	_ =	shalt  }
0x73: {  	_ =	shalt  }
0x74: {  	_ =	shalt  }
0x75: {  	_ =	shalt  }
0x76: {  	_ =	shalt  }
0x77: {  	_ =	shalt  }
0x78: {  	_ =	shalt  }
0x79: {  	_ =	shalt  }
0x7a: {  	_ =	shalt  }
0x7b: {  	_ =	shalt  }
0x7c: {  	_ =	shalt  }
0x7d: {  	_ =	shalt  }
0x7e: {  	_ =	shalt  }
0x7f: {  	_ =	shalt  }
0x80: {  	_ =	shalt  }
0x81: {  	_ =	shalt  }
0x82: {  	_ =	shalt  }
0x83: {  	_ =	shalt  }
0x84: {  	_ =	shalt  }
0x85: {  	_ =	shalt  }
0x86: {  	_ =	shalt  }
0x87: {  	_ =	shalt  }
.Lfunc_end0:
.L_simem_size_0:
called_computation_lowered:
.L_overlay_start_0:
0x88: {  	s2 =	sld [smem:$0x3FD9]  }
0x89: {  	s3 =	sld [smem:$0x3FFE];
	_ =	sdelay $0x1  }
0x8a: {  	s1 =	srdreg.scid  }
0x8b: {  	s0 =	sand.u32 $0x1, s1  }
0x8c: {  	s16 =	sshll.u32 s0, $0xA;
	s2 =	sadd.s32 s3, s2  }
0x8d: {  	s2 =	sadd.s32 s2, s16  }
0x8e: {  	[smem:$0x3FC6] =	sst s2  }
0x8f: {  	_ = 	snop  }
0x90: {  	(tm) =	ssettm $0x1  }
0x91: {  	s17 =	sld [smem:$0x3FFB];
	_ =	sdelay $0x3  }
0x92: {  	_ =	strace s17  }
0x93: {  	s2 =	sld [smem:$0x3FFC];
	_ =	sdelay $0x3  }
0x94: {  	_ =	strace s2  }
0x95: {  	s2 =	sld [smem:$0x3FFD];
	_ =	sdelay $0x3  }
0x96: {  	_ =	strace s2  }
0x97: {  	_ =	strace $0x8FFFFFFF  }
0x98: {  	s18 =	sld [smem:$0x3FDB];
	_ =	sdelay $0x1  }
0x99: {  	s19 =	simm.s32 $_scs_section_size  }
0x9a: {  	s4 =	simm.s32 $_size__tile_overlayer_lowered;
	s5 =	simm.s32 $_tile_overlayer_lowered  }
0x9b: {  	s22 =	simm.s32 $0x1BFF;
	s21 =	sshll.u32 s5, $0x1;
	s2 =	sadd.s32 s19, s18  }
0x9c: {  	s6 =	simm.s32 $0x0;
	s20 =	sshll.u32 s4, $0x1;
	s4 =	sadd.s32 s21, s2  }
0x9d: {  	[timem:s6], [sflag:s22] =	dma.local [hbm:s4], s20  }
0x9e: {  	_ =	swait.ge [sflag:s22], s20  }
0x9f: {  	s3 =	ssub.s32 $0x0, s20;
	[sflag:s22] =	ssyncset.done $0x0  }
0xa0: {  	[sflag:s22] =	ssyncadd.s32 s3;
	_ =	sdelay $0x1  }
0xa1: {  	s23 =	simm.s32 $0x1B8B  }
0xa2: {  	_ =	swait.ge [sflag:s23], $0x1  }
0xa3: {  	[sflag:s23] =	ssyncset.done $0x0  }
0xa4: {  	s25 =	simm.s32 $0x1B8E;
	s24 =	sld [smem:$0x3FFE];
	[sflag:s23] =	ssyncadd.s32 $0xFFFFFFFF  }
0xa5: {  	s26 =	simm.s32 $execute0_lowered;
	[smem:$0x3FD2] =	sst s25  }
0xa6: {  	s4 =	sshll.u32 s26, $0x1;
	_ =	strace $0x80000046;
	[dreg:$0x1] =	wrdreg $0xFFFFFFFF  }
0xa7: {  	s28 =	simm.s32 $_size_execute0_lowered;
	s2 =	sadd.s32 s2, s4;
	[dreg:$0x0] =	wrdreg $0x0  }
0xa8: {  	s4 =	sshll.u32 s28, $0x1;
	[dreg:$0x2] =	wrdreg s2  }
0xa9: {  	[dreg:$0x3] =	wrdreg s4  }
0xaa: {  	[dreg:$0x4] =	wrdreg $0xC0  }
0xab: {  	_ =	task [dreg:s6], $0x5FFFF  }
0xac: {  	[dreg:$0x1] =	wrdreg $0xFFFFFFFF  }
0xad: {  	[dreg:$0x0] =	wrdreg $0x60  }
0xae: {  	[dreg:$0x2] =	wrdreg s24  }
0xaf: {  	[dreg:$0x3] =	wrdreg $0x9  }
0xb0: {  	_ =	task.clear_ibuf [dreg:s6], $0x4FFFF;
	_ =	strace $0x90000046  }
0xb1: {  	s29 =	simm.s32 $0x9;
	_ =	strace $0x80000048  }
0xb2: {  	_ =	swait.ge [sflag:s29], $0x1  }
0xb3: {  	[sflag:s29] =	ssyncadd.s32 $0xFFFFFFFF  }
0xb4: {  	_ =	strace $0x90000048  }
0xb5: {  	_ =	sfence  }
0xb6: {  	s30 =	sld [smem:$0x0];
	_ =	sdelay $0x2  }
0xb7: {  	s31 =	sshll.u32 s1, $0xD;
	s1 =	sshrl.u32 s1, $0x2  }
0xb8: {  	s3 =	sand.u32 $0x4000, s31;
	s1 =	sadd.s32 s1, s30  }
0xb9: {  	s0 =	sor.u32 s3, s0;
	s1 =	sshll.u32 s1, $0x11  }
0xba: {  	s0 =	sor.u32 s1, s0  }
0xbb: {  	s0 =	sadd.s32 $0x8F2B, s0  }
0xbc: {  	[sflag:s0] =	ssyncadd.remote.s32 $0x1  }
0xbd: {  	_ =	sfence.sel $0xFFFF  }
0xbe: {  	[dreg:$0x0] =	wrdreg $0xFFFFFFFF;
	(pc) =	sbr.abs _section_cstart, $3  }
0xbf: {  	[dreg:$0x1] =	wrdreg $0xFFFFFFFF  }
0xc0: {  	_ =	task.clear_ibuf [dreg:s6], $0x2FFFF;
	_ =	strace $0x9FFFFFFF  }
0xc1: {  	(tm) =	ssettm $0x7FFFFFFF  }
tec
execute0_lowered:
.L_overlay_start_1:
0x0: {  	(tag) =	ssettag $0x1  }
0x1: {  	s1 =	srdreg.scid;
	s0 =	stileid.u32  }
0x2: {  	s1 =	sand.u32 $0x1, s1;
	s2 =	sshll.u32 s0, $0x1  }
0x3: {  	s10 =	rddreg [dreg:$0x0];
	s5 =	sor.u32 s1, s2;
	s2 =	simm.s32 $0x0  }
0x4: {  	s16 =	simm.s32 $0x1080;
	[smem:$0x7FF] =	sst s2  }
0x5: {  	s17 =	simm.s32 $0x100;
	_ =	strace $0x80000047;
	[dreg:$0x3] =	wrdreg s16  }
0x6: {  	s18 =	simm.s32 $0x1100;
	[dreg:$0x4] =	wrdreg s17  }
0x7: {  	s19 =	simm.s32 $0x180;
	[dreg:$0x5] =	wrdreg s18  }
0x8: {  	s20 =	simm.s32 $0x1180;
	[dreg:$0x6] =	wrdreg s19  }
0x9: {  	s21 =	simm.s32 $0x200;
	[dreg:$0x7] =	wrdreg s20  }
0xa: {  	s22 =	simm.s32 $0x1200;
	[dreg:$0x8] =	wrdreg s21  }
0xb: {  	s23 =	simm.s32 $0x280;
	[dreg:$0x9] =	wrdreg s22  }
0xc: {  	s24 =	simm.s32 $0x1280;
	[dreg:$0xa] =	wrdreg s23  }
0xd: {  	s25 =	simm.s32 $0x300;
	[dreg:$0xb] =	wrdreg s24  }
0xe: {  	s26 =	simm.s32 $0x1300;
	[dreg:$0xc] =	wrdreg s25  }
0xf: {  	s0 =	simm.s32 $0x380;
	[dreg:$0xd] =	wrdreg s26  }
0x10: {  	s6 =	simm.s32 $0x1380;
	[dreg:$0xe] =	wrdreg s0  }
0x11: {  	s7 =	simm.s32 $0x400;
	[dreg:$0xf] =	wrdreg s6  }
0x12: {  	s8 =	simm.s32 $0x1400;
	[dreg:$0x10] =	wrdreg s7  }
0x13: {  	s9 =	simm.s32 $0x480;
	[dreg:$0x11] =	wrdreg s8  }
0x14: {  	s11 =	simm.s32 $0x1480;
	[dreg:$0x12] =	wrdreg s9  }
0x15: {  	s12 =	simm.s32 $0x500;
	[dreg:$0x13] =	wrdreg s11  }
0x16: {  	s13 =	simm.s32 $0x1500;
	[dreg:$0x14] =	wrdreg s12  }
0x17: {  	s14 =	simm.s32 $0x580;
	[dreg:$0x15] =	wrdreg s13  }
0x18: {  	s15 =	simm.s32 $0x1580;
	[dreg:$0x16] =	wrdreg s14  }
0x19: {  	[dreg:$0x17] =	wrdreg s15;
	s16 =	simm.s32 $0x600  }
0x1a: {  	s17 =	simm.s32 $0x1600;
	[dreg:$0x18] =	wrdreg s16  }
0x1b: {  	s18 =	simm.s32 $0x680;
	[dreg:$0x19] =	wrdreg s17  }
0x1c: {  	s19 =	simm.s32 $0x1680;
	[dreg:$0x1a] =	wrdreg s18  }
0x1d: {  	s20 =	simm.s32 $0x700;
	[dreg:$0x1b] =	wrdreg s19  }
0x1e: {  	s21 =	simm.s32 $0x1700;
	[dreg:$0x1c] =	wrdreg s20  }
0x1f: {  	s22 =	simm.s32 $0x780;
	[dreg:$0x1d] =	wrdreg s21  }
0x20: {  	s23 =	simm.s32 $0x1780;
	[dreg:$0x1e] =	wrdreg s22  }
0x21: {  	s24 =	simm.s32 $0x800;
	[dreg:$0x1f] =	wrdreg s23  }
0x22: {  	s25 =	simm.s32 $0x1800;
	[smem:$0x7F1] =	sst s24  }
0x23: {  	s26 =	simm.s32 $0x880;
	[smem:$0x7F2] =	sst s25  }
0x24: {  	s0 =	simm.s32 $0x1880;
	[smem:$0x7F3] =	sst s26  }
0x25: {  	s6 =	simm.s32 $0x900;
	[smem:$0x7F4] =	sst s0  }
0x26: {  	s7 =	simm.s32 $0x1900;
	[smem:$0x7F5] =	sst s6  }
0x27: {  	s8 =	simm.s32 $0x980;
	[smem:$0x7F6] =	sst s7  }
0x28: {  	s9 =	simm.s32 $0x1980;
	[smem:$0x7F7] =	sst s8  }
0x29: {  	s11 =	simm.s32 $0xA00;
	[smem:$0x7F8] =	sst s9  }
0x2a: {  	s12 =	simm.s32 $0x1A00;
	[smem:$0x7F9] =	sst s11  }
0x2b: {  	s3 =	sshll.u32 s5, $0x9;
	s13 =	simm.s32 $0xA80;
	[smem:$0x7FA] =	sst s12  }
0x2c: {  	s3 =	sadd.s32 s10, s3;
	s14 =	simm.s32 $0x1A80;
	[smem:$0x7FB] =	sst s13  }
0x2d: {  	s4 =	sadd.s32 $0x4000, s3;
	[smem:$0x7FC] =	sst s14  }
0x2e: {  	[tilespmem:s2], [sflag:$0x3] =	stream.linear.gather [hbm4b:s3+s2], $0xD00, $0x38;
	[tilespmem:$0x6000] =	vst v63  }
0x2f: {  	s6 =	simm.s32 $0xB00;
	[dreg:$0x2] =	wrdreg s4  }
0x30: {  	s25 =	smul.u32 $0x1A, s5;
	s4 =	simm.s32 $0x3;
	[smem:$0x7FD] =	sst s6  }
0x31: {  	_ =	swait.ge [sflag:s4], $0xD00  }
0x32: {  	s5 =	sshrl.u32 s25, $0x5;
	s15 =	rddreg [dreg:$0x2];
	[sflag:s4] =	ssyncset.done $0x0  }
0x33: {  	s7 =	smul.u32 $0xC3500, s5;
	s5 =	simm.s32 $0x1000;
	[sflag:s4] =	ssyncadd.s32 $0xFFFFF300  }
0x34: {  	[tilespmem:s5], [sflag:$0x3] =	stream.linear.gather [hbm4b:s15+s2], $0xD00, $0x38;
	[tilespmem:$0x6000] =	vst v63  }
0x35: {  	s26 =	sadd.s32 $0x27AC400, s10;
	_ =	swait.ge [sflag:s4], $0xD00  }
0x36: {  	s8 =	simm.s32 $0x2000;
	s9 =	simm.s32 $0x1;
	[sflag:s4] =	ssyncset.done $0x0  }
0x37: {  	s6 =	sadd.s32 s26, s7;
	s7 =	simm.s32 $0x80;
	[sflag:s4] =	ssyncadd.s32 $0xFFFFF300  }
0x38: {  	[tilespmem:s8], [sflag:$0x1] =	stream.indirect.gather [hbm4b:s6+s7], $0x80, s2, s7, $0xb8;
	[tilespmem:$0x6000] =	vst v63  }
0x39: {  	_ =	swait.ge [sflag:s9], $0x4000  }
0x3a: {  	[sflag:s9] =	ssyncset.done $0x0  }
0x3b: {  	s11 =	sadd.s32 $0x8000, s10;
	s10 =	simm.s32 $0x2;
	[sflag:s9] =	ssyncadd.s32 $0xFFFFC000  }
0x3c: {  	[hbm4b:s11+s7] =	stream.indirect.scatter [tilespmem:s8], [sflag:$0x2], $0x80, s5, s7, $0xb8;
	[tilespmem:$0x6000] =	vst v63  }
0x3d: {  	_ =	swait.ge [sflag:s10], $0x4000  }
0x3e: {  	[sflag:s10] =	ssyncset.done $0x0  }
0x3f: {  	[sflag:s10] =	ssyncadd.s32 $0xFFFFC000  }
0x40: {  	[tilespmem:s8], [sflag:$0x1] =	stream.indirect.gather [hbm4b:s6+s7], $0x80, s7, s7, $0xb8;
	[tilespmem:$0x6000] =	vst v63  }
0x41: {  	_ =	swait.ge [sflag:s9], $0x4000  }
0x42: {  	s13 =	sadd.s32 $0x2, s25;
	[sflag:s9] =	ssyncset.done $0x0  }
0x43: {  	s16 =	sshrl.u32 s13, $0x5;
	s12 =	rddreg [dreg:$0x3];
	[sflag:s9] =	ssyncadd.s32 $0xFFFFC000  }
0x44: {  	[hbm4b:s11+s7] =	stream.indirect.scatter [tilespmem:s8], [sflag:$0x2], $0x80, s12, s7, $0xb8;
	[tilespmem:$0x6000] =	vst v63  }
0x45: {  	s12 =	smul.u32 $0xC3500, s16;
	_ =	swait.ge [sflag:s10], $0x4000  }
0x46: {  	[sflag:s10] =	ssyncset.done $0x0  }
0x47: {  	s17 =	rddreg [dreg:$0x4];
	s12 =	sadd.s32 s26, s12;
	[sflag:s10] =	ssyncadd.s32 $0xFFFFC000  }
0x48: {  	[tilespmem:s8], [sflag:$0x1] =	stream.indirect.gather [hbm4b:s12+s7], $0x80, s17, s7, $0xb8;
	[tilespmem:$0x6000] =	vst v63  }
0x49: {  	_ =	swait.ge [sflag:s9], $0x4000  }
0x4a: {  	[sflag:s9] =	ssyncset.done $0x0  }
0x4b: {  	s18 =	rddreg [dreg:$0x5];
	[sflag:s9] =	ssyncadd.s32 $0xFFFFC000  }
0x4c: {  	[hbm4b:s11+s7] =	stream.indirect.scatter [tilespmem:s8], [sflag:$0x2], $0x80, s18, s7, $0xb8;
	[tilespmem:$0x6000] =	vst v63  }
0x4d: {  	_ =	swait.ge [sflag:s10], $0x4000  }
0x4e: {  	[sflag:s10] =	ssyncset.done $0x0  }
0x4f: {  	s19 =	rddreg [dreg:$0x6];
	[sflag:s10] =	ssyncadd.s32 $0xFFFFC000  }
0x50: {  	[tilespmem:s8], [sflag:$0x1] =	stream.indirect.gather [hbm4b:s12+s7], $0x80, s19, s7, $0xb8;
	[tilespmem:$0x6000] =	vst v63  }
0x51: {  	_ =	swait.ge [sflag:s9], $0x4000  }
0x52: {  	s14 =	sadd.s32 $0x4, s25;
	[sflag:s9] =	ssyncset.done $0x0  }
0x53: {  	s21 =	sshrl.u32 s14, $0x5;
	s20 =	rddreg [dreg:$0x7];
	[sflag:s9] =	ssyncadd.s32 $0xFFFFC000  }
0x54: {  	[hbm4b:s11+s7] =	stream.indirect.scatter [tilespmem:s8], [sflag:$0x2], $0x80, s20, s7, $0xb8;
	[tilespmem:$0x6000] =	vst v63  }
0x55: {  	s13 =	smul.u32 $0xC3500, s21;
	_ =	swait.ge [sflag:s10], $0x4000  }
0x56: {  	[sflag:s10] =	ssyncset.done $0x0  }
0x57: {  	s13 =	sadd.s32 s26, s13;
	s22 =	rddreg [dreg:$0x8];
	[sflag:s10] =	ssyncadd.s32 $0xFFFFC000  }
0x58: {  	[tilespmem:s8], [sflag:$0x1] =	stream.indirect.gather [hbm4b:s13+s7], $0x80, s22, s7, $0xb8;
	[tilespmem:$0x6000] =	vst v63  }
0x59: {  	_ =	swait.ge [sflag:s9], $0x4000  }
0x5a: {  	[sflag:s9] =	ssyncset.done $0x0  }
0x5b: {  	s23 =	rddreg [dreg:$0x9];
	[sflag:s9] =	ssyncadd.s32 $0xFFFFC000  }
0x5c: {  	[hbm4b:s11+s7] =	stream.indirect.scatter [tilespmem:s8], [sflag:$0x2], $0x80, s23, s7, $0xb8;
	[tilespmem:$0x6000] =	vst v63  }
0x5d: {  	_ =	swait.ge [sflag:s10], $0x4000  }
0x5e: {  	[sflag:s10] =	ssyncset.done $0x0  }
0x5f: {  	s24 =	rddreg [dreg:$0xa];
	[sflag:s10] =	ssyncadd.s32 $0xFFFFC000  }
0x60: {  	[tilespmem:s8], [sflag:$0x1] =	stream.indirect.gather [hbm4b:s13+s7], $0x80, s24, s7, $0xb8;
	[tilespmem:$0x6000] =	vst v63  }
0x61: {  	_ =	swait.ge [sflag:s9], $0x4000  }
0x62: {  	s15 =	sadd.s32 $0x6, s25;
	[sflag:s9] =	ssyncset.done $0x0  }
0x63: {  	s16 =	sshrl.u32 s15, $0x5;
	s0 =	rddreg [dreg:$0xb];
	[sflag:s9] =	ssyncadd.s32 $0xFFFFC000  }
0x64: {  	[hbm4b:s11+s7] =	stream.indirect.scatter [tilespmem:s8], [sflag:$0x2], $0x80, s0, s7, $0xb8;
	[tilespmem:$0x6000] =	vst v63  }
0x65: {  	s14 =	smul.u32 $0xC3500, s16;
	_ =	swait.ge [sflag:s10], $0x4000  }
0x66: {  	[sflag:s10] =	ssyncset.done $0x0  }
0x67: {  	s14 =	sadd.s32 s26, s14;
	s17 =	rddreg [dreg:$0xc];
	[sflag:s10] =	ssyncadd.s32 $0xFFFFC000  }
0x68: {  	[tilespmem:s8], [sflag:$0x1] =	stream.indirect.gather [hbm4b:s14+s7], $0x80, s17, s7, $0xb8;
	[tilespmem:$0x6000] =	vst v63  }
0x69: {  	_ =	swait.ge [sflag:s9], $0x4000  }
0x6a: {  	[sflag:s9] =	ssyncset.done $0x0  }
0x6b: {  	s18 =	rddreg [dreg:$0xd];
	[sflag:s9] =	ssyncadd.s32 $0xFFFFC000  }
0x6c: {  	[hbm4b:s11+s7] =	stream.indirect.scatter [tilespmem:s8], [sflag:$0x2], $0x80, s18, s7, $0xb8;
	[tilespmem:$0x6000] =	vst v63  }
0x6d: {  	_ =	swait.ge [sflag:s10], $0x4000  }
0x6e: {  	[sflag:s10] =	ssyncset.done $0x0  }
0x6f: {  	s19 =	rddreg [dreg:$0xe];
	[sflag:s10] =	ssyncadd.s32 $0xFFFFC000  }
0x70: {  	[tilespmem:s8], [sflag:$0x1] =	stream.indirect.gather [hbm4b:s14+s7], $0x80, s19, s7, $0xb8;
	[tilespmem:$0x6000] =	vst v63  }
0x71: {  	_ =	swait.ge [sflag:s9], $0x4000  }
0x72: {  	s16 =	sadd.s32 $0x8, s25;
	[sflag:s9] =	ssyncset.done $0x0  }
0x73: {  	s21 =	sshrl.u32 s16, $0x5;
	s20 =	rddreg [dreg:$0xf];
	[sflag:s9] =	ssyncadd.s32 $0xFFFFC000  }
0x74: {  	[hbm4b:s11+s7] =	stream.indirect.scatter [tilespmem:s8], [sflag:$0x2], $0x80, s20, s7, $0xb8;
	[tilespmem:$0x6000] =	vst v63  }
0x75: {  	s15 =	smul.u32 $0xC3500, s21;
	_ =	swait.ge [sflag:s10], $0x4000  }
0x76: {  	[sflag:s10] =	ssyncset.done $0x0  }
0x77: {  	s15 =	sadd.s32 s26, s15;
	s22 =	rddreg [dreg:$0x10];
	[sflag:s10] =	ssyncadd.s32 $0xFFFFC000  }
0x78: {  	[tilespmem:s8], [sflag:$0x1] =	stream.indirect.gather [hbm4b:s15+s7], $0x80, s22, s7, $0xb8;
	[tilespmem:$0x6000] =	vst v63  }
0x79: {  	_ =	swait.ge [sflag:s9], $0x4000  }
0x7a: {  	[sflag:s9] =	ssyncset.done $0x0  }
0x7b: {  	s23 =	rddreg [dreg:$0x11];
	[sflag:s9] =	ssyncadd.s32 $0xFFFFC000  }
0x7c: {  	[hbm4b:s11+s7] =	stream.indirect.scatter [tilespmem:s8], [sflag:$0x2], $0x80, s23, s7, $0xb8;
	[tilespmem:$0x6000] =	vst v63  }
0x7d: {  	_ =	swait.ge [sflag:s10], $0x4000  }
0x7e: {  	[sflag:s10] =	ssyncset.done $0x0  }
0x7f: {  	s24 =	rddreg [dreg:$0x12];
	[sflag:s10] =	ssyncadd.s32 $0xFFFFC000  }
0x80: {  	[tilespmem:s8], [sflag:$0x1] =	stream.indirect.gather [hbm4b:s15+s7], $0x80, s24, s7, $0xb8;
	[tilespmem:$0x6000] =	vst v63  }
0x81: {  	_ =	swait.ge [sflag:s9], $0x4000  }
0x82: {  	s17 =	sadd.s32 $0xA, s25;
	[sflag:s9] =	ssyncset.done $0x0  }
0x83: {  	s18 =	sshrl.u32 s17, $0x5;
	s0 =	rddreg [dreg:$0x13];
	[sflag:s9] =	ssyncadd.s32 $0xFFFFC000  }
0x84: {  	[hbm4b:s11+s7] =	stream.indirect.scatter [tilespmem:s8], [sflag:$0x2], $0x80, s0, s7, $0xb8;
	[tilespmem:$0x6000] =	vst v63  }
0x85: {  	s16 =	smul.u32 $0xC3500, s18;
	_ =	swait.ge [sflag:s10], $0x4000  }
0x86: {  	[sflag:s10] =	ssyncset.done $0x0  }
0x87: {  	s16 =	sadd.s32 s26, s16;
	s19 =	rddreg [dreg:$0x14];
	[sflag:s10] =	ssyncadd.s32 $0xFFFFC000  }
0x88: {  	[tilespmem:s8], [sflag:$0x1] =	stream.indirect.gather [hbm4b:s16+s7], $0x80, s19, s7, $0xb8;
	[tilespmem:$0x6000] =	vst v63  }
0x89: {  	_ =	swait.ge [sflag:s9], $0x4000  }
0x8a: {  	[sflag:s9] =	ssyncset.done $0x0  }
0x8b: {  	s20 =	rddreg [dreg:$0x15];
	[sflag:s9] =	ssyncadd.s32 $0xFFFFC000  }
0x8c: {  	[hbm4b:s11+s7] =	stream.indirect.scatter [tilespmem:s8], [sflag:$0x2], $0x80, s20, s7, $0xb8;
	[tilespmem:$0x6000] =	vst v63  }
0x8d: {  	_ =	swait.ge [sflag:s10], $0x4000  }
0x8e: {  	[sflag:s10] =	ssyncset.done $0x0  }
0x8f: {  	s21 =	rddreg [dreg:$0x16];
	[sflag:s10] =	ssyncadd.s32 $0xFFFFC000  }
0x90: {  	[tilespmem:s8], [sflag:$0x1] =	stream.indirect.gather [hbm4b:s16+s7], $0x80, s21, s7, $0xb8;
	[tilespmem:$0x6000] =	vst v63  }
0x91: {  	_ =	swait.ge [sflag:s9], $0x4000  }
0x92: {  	s18 =	sadd.s32 $0xC, s25;
	[sflag:s9] =	ssyncset.done $0x0  }
0x93: {  	s23 =	sshrl.u32 s18, $0x5;
	s22 =	rddreg [dreg:$0x17];
	[sflag:s9] =	ssyncadd.s32 $0xFFFFC000  }
0x94: {  	[hbm4b:s11+s7] =	stream.indirect.scatter [tilespmem:s8], [sflag:$0x2], $0x80, s22, s7, $0xb8;
	[tilespmem:$0x6000] =	vst v63  }
0x95: {  	s17 =	smul.u32 $0xC3500, s23;
	_ =	swait.ge [sflag:s10], $0x4000  }
0x96: {  	[sflag:s10] =	ssyncset.done $0x0  }
0x97: {  	s17 =	sadd.s32 s26, s17;
	s24 =	rddreg [dreg:$0x18];
	[sflag:s10] =	ssyncadd.s32 $0xFFFFC000  }
0x98: {  	[tilespmem:s8], [sflag:$0x1] =	stream.indirect.gather [hbm4b:s17+s7], $0x80, s24, s7, $0xb8;
	[tilespmem:$0x6000] =	vst v63  }
0x99: {  	_ =	swait.ge [sflag:s9], $0x4000  }
0x9a: {  	[sflag:s9] =	ssyncset.done $0x0  }
0x9b: {  	s0 =	rddreg [dreg:$0x19];
	[sflag:s9] =	ssyncadd.s32 $0xFFFFC000  }
0x9c: {  	[hbm4b:s11+s7] =	stream.indirect.scatter [tilespmem:s8], [sflag:$0x2], $0x80, s0, s7, $0xb8;
	[tilespmem:$0x6000] =	vst v63  }
0x9d: {  	_ =	swait.ge [sflag:s10], $0x4000  }
0x9e: {  	[sflag:s10] =	ssyncset.done $0x0  }
0x9f: {  	s19 =	rddreg [dreg:$0x1a];
	[sflag:s10] =	ssyncadd.s32 $0xFFFFC000  }
0xa0: {  	[tilespmem:s8], [sflag:$0x1] =	stream.indirect.gather [hbm4b:s17+s7], $0x80, s19, s7, $0xb8;
	[tilespmem:$0x6000] =	vst v63  }
0xa1: {  	_ =	swait.ge [sflag:s9], $0x4000  }
0xa2: {  	s19 =	sadd.s32 $0xE, s25;
	[sflag:s9] =	ssyncset.done $0x0  }
0xa3: {  	s21 =	sshrl.u32 s19, $0x5;
	s20 =	rddreg [dreg:$0x1b];
	[sflag:s9] =	ssyncadd.s32 $0xFFFFC000  }
0xa4: {  	[hbm4b:s11+s7] =	stream.indirect.scatter [tilespmem:s8], [sflag:$0x2], $0x80, s20, s7, $0xb8;
	[tilespmem:$0x6000] =	vst v63  }
0xa5: {  	s18 =	smul.u32 $0xC3500, s21;
	_ =	swait.ge [sflag:s10], $0x4000  }
0xa6: {  	[sflag:s10] =	ssyncset.done $0x0  }
0xa7: {  	s18 =	sadd.s32 s26, s18;
	s22 =	rddreg [dreg:$0x1c];
	[sflag:s10] =	ssyncadd.s32 $0xFFFFC000  }
0xa8: {  	[tilespmem:s8], [sflag:$0x1] =	stream.indirect.gather [hbm4b:s18+s7], $0x80, s22, s7, $0xb8;
	[tilespmem:$0x6000] =	vst v63  }
0xa9: {  	_ =	swait.ge [sflag:s9], $0x4000  }
0xaa: {  	[sflag:s9] =	ssyncset.done $0x0  }
0xab: {  	s23 =	rddreg [dreg:$0x1d];
	[sflag:s9] =	ssyncadd.s32 $0xFFFFC000  }
0xac: {  	[hbm4b:s11+s7] =	stream.indirect.scatter [tilespmem:s8], [sflag:$0x2], $0x80, s23, s7, $0xb8;
	[tilespmem:$0x6000] =	vst v63  }
0xad: {  	_ =	swait.ge [sflag:s10], $0x4000  }
0xae: {  	[sflag:s10] =	ssyncset.done $0x0  }
0xaf: {  	s24 =	rddreg [dreg:$0x1e];
	[sflag:s10] =	ssyncadd.s32 $0xFFFFC000  }
0xb0: {  	[tilespmem:s8], [sflag:$0x1] =	stream.indirect.gather [hbm4b:s18+s7], $0x80, s24, s7, $0xb8;
	[tilespmem:$0x6000] =	vst v63  }
0xb1: {  	_ =	swait.ge [sflag:s9], $0x4000  }
0xb2: {  	[sflag:s9] =	ssyncset.done $0x0  }
0xb3: {  	s20 =	sadd.s32 $0x10, s25;
	s0 =	rddreg [dreg:$0x1f];
	[sflag:s9] =	ssyncadd.s32 $0xFFFFC000  }
0xb4: {  	[hbm4b:s11+s7] =	stream.indirect.scatter [tilespmem:s8], [sflag:$0x2], $0x80, s0, s7, $0xb8;
	[tilespmem:$0x6000] =	vst v63  }
0xb5: {  	s21 =	sshrl.u32 s20, $0x5;
	_ =	swait.ge [sflag:s10], $0x4000  }
0xb6: {  	s19 =	smul.u32 $0xC3500, s21;
	s22 =	sld [smem:$0x7F1]  }
0xb7: {  	[sflag:s10] =	ssyncset.done $0x0  }
0xb8: {  	s19 =	sadd.s32 s26, s19;
	[sflag:s10] =	ssyncadd.s32 $0xFFFFC000  }
0xb9: {  	[tilespmem:s8], [sflag:$0x1] =	stream.indirect.gather [hbm4b:s19+s7], $0x80, s22, s7, $0xb8;
	[tilespmem:$0x6000] =	vst v63  }
0xba: {  	_ =	swait.ge [sflag:s9], $0x4000  }
0xbb: {  	s23 =	sld [smem:$0x7F2]  }
0xbc: {  	[sflag:s9] =	ssyncset.done $0x0  }
0xbd: {  	[sflag:s9] =	ssyncadd.s32 $0xFFFFC000  }
0xbe: {  	[hbm4b:s11+s7] =	stream.indirect.scatter [tilespmem:s8], [sflag:$0x2], $0x80, s23, s7, $0xb8;
	[tilespmem:$0x6000] =	vst v63  }
0xbf: {  	_ =	swait.ge [sflag:s10], $0x4000  }
0xc0: {  	s24 =	sld [smem:$0x7F3]  }
0xc1: {  	[sflag:s10] =	ssyncset.done $0x0  }
0xc2: {  	[sflag:s10] =	ssyncadd.s32 $0xFFFFC000  }
0xc3: {  	[tilespmem:s8], [sflag:$0x1] =	stream.indirect.gather [hbm4b:s19+s7], $0x80, s24, s7, $0xb8;
	[tilespmem:$0x6000] =	vst v63  }
0xc4: {  	_ =	swait.ge [sflag:s9], $0x4000  }
0xc5: {  	s0 =	sld [smem:$0x7F4]  }
0xc6: {  	[sflag:s9] =	ssyncset.done $0x0  }
0xc7: {  	s21 =	sadd.s32 $0x12, s25;
	[sflag:s9] =	ssyncadd.s32 $0xFFFFC000  }
0xc8: {  	[hbm4b:s11+s7] =	stream.indirect.scatter [tilespmem:s8], [sflag:$0x2], $0x80, s0, s7, $0xb8;
	[tilespmem:$0x6000] =	vst v63  }
0xc9: {  	s21 =	sshrl.u32 s21, $0x5;
	_ =	swait.ge [sflag:s10], $0x4000  }
0xca: {  	s20 =	smul.u32 $0xC3500, s21;
	s22 =	sld [smem:$0x7F5]  }
0xcb: {  	[sflag:s10] =	ssyncset.done $0x0  }
0xcc: {  	s20 =	sadd.s32 s26, s20;
	[sflag:s10] =	ssyncadd.s32 $0xFFFFC000  }
0xcd: {  	[tilespmem:s8], [sflag:$0x1] =	stream.indirect.gather [hbm4b:s20+s7], $0x80, s22, s7, $0xb8;
	[tilespmem:$0x6000] =	vst v63  }
0xce: {  	_ =	swait.ge [sflag:s9], $0x4000  }
0xcf: {  	s23 =	sld [smem:$0x7F6]  }
0xd0: {  	[sflag:s9] =	ssyncset.done $0x0  }
0xd1: {  	[sflag:s9] =	ssyncadd.s32 $0xFFFFC000  }
0xd2: {  	[hbm4b:s11+s7] =	stream.indirect.scatter [tilespmem:s8], [sflag:$0x2], $0x80, s23, s7, $0xb8;
	[tilespmem:$0x6000] =	vst v63  }
0xd3: {  	_ =	swait.ge [sflag:s10], $0x4000  }
0xd4: {  	s24 =	sld [smem:$0x7F7]  }
0xd5: {  	[sflag:s10] =	ssyncset.done $0x0  }
0xd6: {  	[sflag:s10] =	ssyncadd.s32 $0xFFFFC000  }
0xd7: {  	[tilespmem:s8], [sflag:$0x1] =	stream.indirect.gather [hbm4b:s20+s7], $0x80, s24, s7, $0xb8;
	[tilespmem:$0x6000] =	vst v63  }
0xd8: {  	_ =	swait.ge [sflag:s9], $0x4000  }
0xd9: {  	s0 =	sld [smem:$0x7F8]  }
0xda: {  	[sflag:s9] =	ssyncset.done $0x0  }
0xdb: {  	s22 =	sadd.s32 $0x14, s25;
	[sflag:s9] =	ssyncadd.s32 $0xFFFFC000  }
0xdc: {  	[hbm4b:s11+s7] =	stream.indirect.scatter [tilespmem:s8], [sflag:$0x2], $0x80, s0, s7, $0xb8;
	[tilespmem:$0x6000] =	vst v63  }
0xdd: {  	s22 =	sshrl.u32 s22, $0x5;
	_ =	swait.ge [sflag:s10], $0x4000  }
0xde: {  	s21 =	smul.u32 $0xC3500, s22;
	s23 =	sld [smem:$0x7F9]  }
0xdf: {  	[sflag:s10] =	ssyncset.done $0x0  }
0xe0: {  	s21 =	sadd.s32 s26, s21;
	[sflag:s10] =	ssyncadd.s32 $0xFFFFC000  }
0xe1: {  	[tilespmem:s8], [sflag:$0x1] =	stream.indirect.gather [hbm4b:s21+s7], $0x80, s23, s7, $0xb8;
	[tilespmem:$0x6000] =	vst v63  }
0xe2: {  	_ =	swait.ge [sflag:s9], $0x4000  }
0xe3: {  	s24 =	sld [smem:$0x7FA]  }
0xe4: {  	[sflag:s9] =	ssyncset.done $0x0  }
0xe5: {  	[sflag:s9] =	ssyncadd.s32 $0xFFFFC000  }
0xe6: {  	[hbm4b:s11+s7] =	stream.indirect.scatter [tilespmem:s8], [sflag:$0x2], $0x80, s24, s7, $0xb8;
	[tilespmem:$0x6000] =	vst v63  }
0xe7: {  	_ =	swait.ge [sflag:s10], $0x4000  }
0xe8: {  	s0 =	sld [smem:$0x7FB]  }
0xe9: {  	[sflag:s10] =	ssyncset.done $0x0  }
0xea: {  	[sflag:s10] =	ssyncadd.s32 $0xFFFFC000  }
0xeb: {  	[tilespmem:s8], [sflag:$0x1] =	stream.indirect.gather [hbm4b:s21+s7], $0x80, s0, s7, $0xb8;
	[tilespmem:$0x6000] =	vst v63  }
0xec: {  	_ =	swait.ge [sflag:s9], $0x4000  }
0xed: {  	s23 =	sld [smem:$0x7FC]  }
0xee: {  	[sflag:s9] =	ssyncset.done $0x0  }
0xef: {  	s24 =	sadd.s32 $0x16, s25;
	[sflag:s9] =	ssyncadd.s32 $0xFFFFC000  }
0xf0: {  	[hbm4b:s11+s7] =	stream.indirect.scatter [tilespmem:s8], [sflag:$0x2], $0x80, s23, s7, $0xb8;
	[tilespmem:$0x6000] =	vst v63  }
0xf1: {  	s22 =	sshrl.u32 s24, $0x5;
	_ =	swait.ge [sflag:s10], $0x4000  }
0xf2: {  	s22 =	smul.u32 $0xC3500, s22;
	s23 =	sld [smem:$0x7FD]  }
0xf3: {  	[sflag:s10] =	ssyncset.done $0x0  }
0xf4: {  	s22 =	sadd.s32 s26, s22;
	[sflag:s10] =	ssyncadd.s32 $0xFFFFC000  }
0xf5: {  	[tilespmem:s8], [sflag:$0x1] =	stream.indirect.gather [hbm4b:s22+s7], $0x80, s23, s7, $0xb8;
	[tilespmem:$0x6000] =	vst v63  }
0xf6: {  	_ =	swait.ge [sflag:s9], $0x4000  }
0xf7: {  	[sflag:s9] =	ssyncset.done $0x0  }
0xf8: {  	s23 =	simm.s32 $0x1B00;
	[sflag:s9] =	ssyncadd.s32 $0xFFFFC000  }
0xf9: {  	[hbm4b:s11+s7] =	stream.indirect.scatter [tilespmem:s8], [sflag:$0x2], $0x80, s23, s7, $0xb8;
	[tilespmem:$0x6000] =	vst v63  }
0xfa: {  	_ =	swait.ge [sflag:s10], $0x4000  }
0xfb: {  	[sflag:s10] =	ssyncset.done $0x0  }
0xfc: {  	s24 =	simm.s32 $0xB80;
	[sflag:s10] =	ssyncadd.s32 $0xFFFFC000  }
0xfd: {  	[tilespmem:s8], [sflag:$0x1] =	stream.indirect.gather [hbm4b:s22+s7], $0x80, s24, s7, $0xb8;
	[tilespmem:$0x6000] =	vst v63  }
0xfe: {  	_ =	swait.ge [sflag:s9], $0x4000  }
0xff: {  	s25 =	sadd.s32 $0x18, s25;
	[sflag:s9] =	ssyncset.done $0x0  }
0x100: {  	s28 =	sshrl.u32 s25, $0x5;
	s25 =	simm.s32 $0x1B80;
	[sflag:s9] =	ssyncadd.s32 $0xFFFFC000  }
0x101: {  	[hbm4b:s11+s7] =	stream.indirect.scatter [tilespmem:s8], [sflag:$0x2], $0x80, s25, s7, $0xb8;
	[tilespmem:$0x6000] =	vst v63  }
0x102: {  	s28 =	smul.u32 $0xC3500, s28;
	_ =	swait.ge [sflag:s10], $0x4000  }
0x103: {  	[sflag:s10] =	ssyncset.done $0x0  }
0x104: {  	s26 =	sadd.s32 s26, s28;
	s28 =	simm.s32 $0xC00;
	[sflag:s10] =	ssyncadd.s32 $0xFFFFC000  }
0x105: {  	[tilespmem:s8], [sflag:$0x1] =	stream.indirect.gather [hbm4b:s26+s7], $0x80, s28, s7, $0xb8;
	[tilespmem:$0x6000] =	vst v63  }
0x106: {  	_ =	swait.ge [sflag:s9], $0x4000  }
0x107: {  	[sflag:s9] =	ssyncset.done $0x0  }
0x108: {  	s29 =	simm.s32 $0x1C00;
	s1 =	ssub.s32 $0x2, s1;
	[sflag:s9] =	ssyncadd.s32 $0xFFFFC000  }
0x109: {  	[hbm4b:s11+s7] =	stream.indirect.scatter [tilespmem:s8], [sflag:$0x2], $0x80, s29, s7, $0xb8;
	[tilespmem:$0x6000] =	vst v63  }
0x10a: {  	s31 =	sshrl.u32 s1, $0x1;
	_ =	swait.ge [sflag:s10], $0x4000  }
0x10b: {  	s1 =	ssub.s32 s1, s31;
	[sflag:s10] =	ssyncset.done $0x0  }
0x10c: {  	s30 =	simm.s32 $0xC80;
	s1 =	smax.u32 s1, $0x1;
	[sflag:s10] =	ssyncadd.s32 $0xFFFFC000  }
0x10d: {  	[tilespmem:s8], [sflag:$0x1] =	stream.indirect.gather [hbm4b:s26+s7], $0x80, s30, s7, $0xb8;
	[tilespmem:$0x6000] =	vst v63  }
0x10e: {  	p0 =	sne.s32 s1, $0x1;
	_ =	swait.ge [sflag:s9], $0x4000  }
.Ltmp0:
0x10f: {  	[sflag:s9] =	ssyncset.done $0x0;
	(pc) =	sbr.rel @!p0 .LBB2_2-.Ltmp0, $4  }
0x110: {  	s31 =	simm.s32 $0x1C80;
	[sflag:s9] =	ssyncadd.s32 $0xFFFFC000  }
0x111: {  	[hbm4b:s11+s7] =	stream.indirect.scatter [tilespmem:s8], [sflag:$0x2], $0x80, s31, s7, $0xb8;
	[tilespmem:$0x6000] =	vst v63  }
0x112: {  	_ =	swait.ge [sflag:s10], $0x4000  }
0x113: {  	s1 =	sadd.s32 $0xFFFFFFFF, s1;
	[sflag:s10] =	ssyncset.done $0x0  }
.LBB2_1:
0x114: {  	[sflag:s10] =	ssyncadd.s32 $0xFFFFC000  }
0x115: {  	[tilespmem:s2], [sflag:$0x3] =	stream.linear.gather [hbm4b:s3+s2], $0xD00, $0x38;
	[tilespmem:$0x6000] =	vst v63  }
0x116: {  	_ =	swait.ge [sflag:s4], $0xD00  }
0x117: {  	[sflag:s4] =	ssyncset.done $0x0  }
0x118: {  	s0 =	rddreg [dreg:$0x2];
	[sflag:s4] =	ssyncadd.s32 $0xFFFFF300  }
0x119: {  	[tilespmem:s5], [sflag:$0x3] =	stream.linear.gather [hbm4b:s0+s2], $0xD00, $0x38;
	[tilespmem:$0x6000] =	vst v63  }
0x11a: {  	_ =	swait.ge [sflag:s4], $0xD00  }
0x11b: {  	[sflag:s4] =	ssyncset.done $0x0  }
0x11c: {  	[sflag:s4] =	ssyncadd.s32 $0xFFFFF300  }
0x11d: {  	[tilespmem:s8], [sflag:$0x1] =	stream.indirect.gather [hbm4b:s6+s7], $0x80, s2, s7, $0xb8;
	[tilespmem:$0x6000] =	vst v63  }
0x11e: {  	_ =	swait.ge [sflag:s9], $0x4000  }
0x11f: {  	[sflag:s9] =	ssyncset.done $0x0  }
0x120: {  	[sflag:s9] =	ssyncadd.s32 $0xFFFFC000  }
0x121: {  	[hbm4b:s11+s7] =	stream.indirect.scatter [tilespmem:s8], [sflag:$0x2], $0x80, s5, s7, $0xb8;
	[tilespmem:$0x6000] =	vst v63  }
0x122: {  	_ =	swait.ge [sflag:s10], $0x4000  }
0x123: {  	[sflag:s10] =	ssyncset.done $0x0  }
0x124: {  	[sflag:s10] =	ssyncadd.s32 $0xFFFFC000  }
0x125: {  	[tilespmem:s8], [sflag:$0x1] =	stream.indirect.gather [hbm4b:s6+s7], $0x80, s7, s7, $0xb8;
	[tilespmem:$0x6000] =	vst v63  }
0x126: {  	_ =	swait.ge [sflag:s9], $0x4000  }
0x127: {  	[sflag:s9] =	ssyncset.done $0x0  }
0x128: {  	s0 =	rddreg [dreg:$0x3];
	[sflag:s9] =	ssyncadd.s32 $0xFFFFC000  }
0x129: {  	[hbm4b:s11+s7] =	stream.indirect.scatter [tilespmem:s8], [sflag:$0x2], $0x80, s0, s7, $0xb8;
	[tilespmem:$0x6000] =	vst v63  }
0x12a: {  	_ =	swait.ge [sflag:s10], $0x4000  }
0x12b: {  	[sflag:s10] =	ssyncset.done $0x0  }
0x12c: {  	s0 =	rddreg [dreg:$0x4];
	[sflag:s10] =	ssyncadd.s32 $0xFFFFC000  }
0x12d: {  	[tilespmem:s8], [sflag:$0x1] =	stream.indirect.gather [hbm4b:s12+s7], $0x80, s0, s7, $0xb8;
	[tilespmem:$0x6000] =	vst v63  }
0x12e: {  	_ =	swait.ge [sflag:s9], $0x4000  }
0x12f: {  	[sflag:s9] =	ssyncset.done $0x0  }
0x130: {  	s0 =	rddreg [dreg:$0x5];
	[sflag:s9] =	ssyncadd.s32 $0xFFFFC000  }
0x131: {  	[hbm4b:s11+s7] =	stream.indirect.scatter [tilespmem:s8], [sflag:$0x2], $0x80, s0, s7, $0xb8;
	[tilespmem:$0x6000] =	vst v63  }
0x132: {  	_ =	swait.ge [sflag:s10], $0x4000  }
0x133: {  	[sflag:s10] =	ssyncset.done $0x0  }
0x134: {  	s0 =	rddreg [dreg:$0x6];
	[sflag:s10] =	ssyncadd.s32 $0xFFFFC000  }
0x135: {  	[tilespmem:s8], [sflag:$0x1] =	stream.indirect.gather [hbm4b:s12+s7], $0x80, s0, s7, $0xb8;
	[tilespmem:$0x6000] =	vst v63  }
0x136: {  	_ =	swait.ge [sflag:s9], $0x4000  }
0x137: {  	[sflag:s9] =	ssyncset.done $0x0  }
0x138: {  	s0 =	rddreg [dreg:$0x7];
	[sflag:s9] =	ssyncadd.s32 $0xFFFFC000  }
0x139: {  	[hbm4b:s11+s7] =	stream.indirect.scatter [tilespmem:s8], [sflag:$0x2], $0x80, s0, s7, $0xb8;
	[tilespmem:$0x6000] =	vst v63  }
0x13a: {  	_ =	swait.ge [sflag:s10], $0x4000  }
0x13b: {  	[sflag:s10] =	ssyncset.done $0x0  }
0x13c: {  	s0 =	rddreg [dreg:$0x8];
	[sflag:s10] =	ssyncadd.s32 $0xFFFFC000  }
0x13d: {  	[tilespmem:s8], [sflag:$0x1] =	stream.indirect.gather [hbm4b:s13+s7], $0x80, s0, s7, $0xb8;
	[tilespmem:$0x6000] =	vst v63  }
0x13e: {  	_ =	swait.ge [sflag:s9], $0x4000  }
0x13f: {  	[sflag:s9] =	ssyncset.done $0x0  }
0x140: {  	s0 =	rddreg [dreg:$0x9];
	[sflag:s9] =	ssyncadd.s32 $0xFFFFC000  }
0x141: {  	[hbm4b:s11+s7] =	stream.indirect.scatter [tilespmem:s8], [sflag:$0x2], $0x80, s0, s7, $0xb8;
	[tilespmem:$0x6000] =	vst v63  }
0x142: {  	_ =	swait.ge [sflag:s10], $0x4000  }
0x143: {  	[sflag:s10] =	ssyncset.done $0x0  }
0x144: {  	s0 =	rddreg [dreg:$0xa];
	[sflag:s10] =	ssyncadd.s32 $0xFFFFC000  }
0x145: {  	[tilespmem:s8], [sflag:$0x1] =	stream.indirect.gather [hbm4b:s13+s7], $0x80, s0, s7, $0xb8;
	[tilespmem:$0x6000] =	vst v63  }
0x146: {  	_ =	swait.ge [sflag:s9], $0x4000  }
0x147: {  	[sflag:s9] =	ssyncset.done $0x0  }
0x148: {  	s0 =	rddreg [dreg:$0xb];
	[sflag:s9] =	ssyncadd.s32 $0xFFFFC000  }
0x149: {  	[hbm4b:s11+s7] =	stream.indirect.scatter [tilespmem:s8], [sflag:$0x2], $0x80, s0, s7, $0xb8;
	[tilespmem:$0x6000] =	vst v63  }
0x14a: {  	_ =	swait.ge [sflag:s10], $0x4000  }
0x14b: {  	[sflag:s10] =	ssyncset.done $0x0  }
0x14c: {  	s0 =	rddreg [dreg:$0xc];
	[sflag:s10] =	ssyncadd.s32 $0xFFFFC000  }
0x14d: {  	[tilespmem:s8], [sflag:$0x1] =	stream.indirect.gather [hbm4b:s14+s7], $0x80, s0, s7, $0xb8;
	[tilespmem:$0x6000] =	vst v63  }
0x14e: {  	_ =	swait.ge [sflag:s9], $0x4000  }
0x14f: {  	[sflag:s9] =	ssyncset.done $0x0  }
0x150: {  	s0 =	rddreg [dreg:$0xd];
	[sflag:s9] =	ssyncadd.s32 $0xFFFFC000  }
0x151: {  	[hbm4b:s11+s7] =	stream.indirect.scatter [tilespmem:s8], [sflag:$0x2], $0x80, s0, s7, $0xb8;
	[tilespmem:$0x6000] =	vst v63  }
0x152: {  	_ =	swait.ge [sflag:s10], $0x4000  }
0x153: {  	[sflag:s10] =	ssyncset.done $0x0  }
0x154: {  	s0 =	rddreg [dreg:$0xe];
	[sflag:s10] =	ssyncadd.s32 $0xFFFFC000  }
0x155: {  	[tilespmem:s8], [sflag:$0x1] =	stream.indirect.gather [hbm4b:s14+s7], $0x80, s0, s7, $0xb8;
	[tilespmem:$0x6000] =	vst v63  }
0x156: {  	_ =	swait.ge [sflag:s9], $0x4000  }
0x157: {  	[sflag:s9] =	ssyncset.done $0x0  }
0x158: {  	s0 =	rddreg [dreg:$0xf];
	[sflag:s9] =	ssyncadd.s32 $0xFFFFC000  }
0x159: {  	[hbm4b:s11+s7] =	stream.indirect.scatter [tilespmem:s8], [sflag:$0x2], $0x80, s0, s7, $0xb8;
	[tilespmem:$0x6000] =	vst v63  }
0x15a: {  	_ =	swait.ge [sflag:s10], $0x4000  }
0x15b: {  	[sflag:s10] =	ssyncset.done $0x0  }
0x15c: {  	s0 =	rddreg [dreg:$0x10];
	[sflag:s10] =	ssyncadd.s32 $0xFFFFC000  }
0x15d: {  	[tilespmem:s8], [sflag:$0x1] =	stream.indirect.gather [hbm4b:s15+s7], $0x80, s0, s7, $0xb8;
	[tilespmem:$0x6000] =	vst v63  }
0x15e: {  	_ =	swait.ge [sflag:s9], $0x4000  }
0x15f: {  	[sflag:s9] =	ssyncset.done $0x0  }
0x160: {  	s0 =	rddreg [dreg:$0x11];
	[sflag:s9] =	ssyncadd.s32 $0xFFFFC000  }
0x161: {  	[hbm4b:s11+s7] =	stream.indirect.scatter [tilespmem:s8], [sflag:$0x2], $0x80, s0, s7, $0xb8;
	[tilespmem:$0x6000] =	vst v63  }
0x162: {  	_ =	swait.ge [sflag:s10], $0x4000  }
0x163: {  	[sflag:s10] =	ssyncset.done $0x0  }
0x164: {  	s0 =	rddreg [dreg:$0x12];
	[sflag:s10] =	ssyncadd.s32 $0xFFFFC000  }
0x165: {  	[tilespmem:s8], [sflag:$0x1] =	stream.indirect.gather [hbm4b:s15+s7], $0x80, s0, s7, $0xb8;
	[tilespmem:$0x6000] =	vst v63  }
0x166: {  	_ =	swait.ge [sflag:s9], $0x4000  }
0x167: {  	[sflag:s9] =	ssyncset.done $0x0  }
0x168: {  	s0 =	rddreg [dreg:$0x13];
	[sflag:s9] =	ssyncadd.s32 $0xFFFFC000  }
0x169: {  	[hbm4b:s11+s7] =	stream.indirect.scatter [tilespmem:s8], [sflag:$0x2], $0x80, s0, s7, $0xb8;
	[tilespmem:$0x6000] =	vst v63  }
0x16a: {  	_ =	swait.ge [sflag:s10], $0x4000  }
0x16b: {  	[sflag:s10] =	ssyncset.done $0x0  }
0x16c: {  	s0 =	rddreg [dreg:$0x14];
	[sflag:s10] =	ssyncadd.s32 $0xFFFFC000  }
0x16d: {  	[tilespmem:s8], [sflag:$0x1] =	stream.indirect.gather [hbm4b:s16+s7], $0x80, s0, s7, $0xb8;
	[tilespmem:$0x6000] =	vst v63  }
0x16e: {  	_ =	swait.ge [sflag:s9], $0x4000  }
0x16f: {  	[sflag:s9] =	ssyncset.done $0x0  }
0x170: {  	s0 =	rddreg [dreg:$0x15];
	[sflag:s9] =	ssyncadd.s32 $0xFFFFC000  }
0x171: {  	[hbm4b:s11+s7] =	stream.indirect.scatter [tilespmem:s8], [sflag:$0x2], $0x80, s0, s7, $0xb8;
	[tilespmem:$0x6000] =	vst v63  }
0x172: {  	_ =	swait.ge [sflag:s10], $0x4000  }
0x173: {  	[sflag:s10] =	ssyncset.done $0x0  }
0x174: {  	s0 =	rddreg [dreg:$0x16];
	[sflag:s10] =	ssyncadd.s32 $0xFFFFC000  }
0x175: {  	[tilespmem:s8], [sflag:$0x1] =	stream.indirect.gather [hbm4b:s16+s7], $0x80, s0, s7, $0xb8;
	[tilespmem:$0x6000] =	vst v63  }
0x176: {  	_ =	swait.ge [sflag:s9], $0x4000  }
0x177: {  	[sflag:s9] =	ssyncset.done $0x0  }
0x178: {  	s0 =	rddreg [dreg:$0x17];
	[sflag:s9] =	ssyncadd.s32 $0xFFFFC000  }
0x179: {  	[hbm4b:s11+s7] =	stream.indirect.scatter [tilespmem:s8], [sflag:$0x2], $0x80, s0, s7, $0xb8;
	[tilespmem:$0x6000] =	vst v63  }
0x17a: {  	_ =	swait.ge [sflag:s10], $0x4000  }
0x17b: {  	[sflag:s10] =	ssyncset.done $0x0  }
0x17c: {  	s0 =	rddreg [dreg:$0x18];
	[sflag:s10] =	ssyncadd.s32 $0xFFFFC000  }
0x17d: {  	[tilespmem:s8], [sflag:$0x1] =	stream.indirect.gather [hbm4b:s17+s7], $0x80, s0, s7, $0xb8;
	[tilespmem:$0x6000] =	vst v63  }
0x17e: {  	_ =	swait.ge [sflag:s9], $0x4000  }
0x17f: {  	[sflag:s9] =	ssyncset.done $0x0  }
0x180: {  	s0 =	rddreg [dreg:$0x19];
	[sflag:s9] =	ssyncadd.s32 $0xFFFFC000  }
0x181: {  	[hbm4b:s11+s7] =	stream.indirect.scatter [tilespmem:s8], [sflag:$0x2], $0x80, s0, s7, $0xb8;
	[tilespmem:$0x6000] =	vst v63  }
0x182: {  	_ =	swait.ge [sflag:s10], $0x4000  }
0x183: {  	[sflag:s10] =	ssyncset.done $0x0  }
0x184: {  	s0 =	rddreg [dreg:$0x1a];
	[sflag:s10] =	ssyncadd.s32 $0xFFFFC000  }
0x185: {  	[tilespmem:s8], [sflag:$0x1] =	stream.indirect.gather [hbm4b:s17+s7], $0x80, s0, s7, $0xb8;
	[tilespmem:$0x6000] =	vst v63  }
0x186: {  	_ =	swait.ge [sflag:s9], $0x4000  }
0x187: {  	[sflag:s9] =	ssyncset.done $0x0  }
0x188: {  	s0 =	rddreg [dreg:$0x1b];
	[sflag:s9] =	ssyncadd.s32 $0xFFFFC000  }
0x189: {  	[hbm4b:s11+s7] =	stream.indirect.scatter [tilespmem:s8], [sflag:$0x2], $0x80, s0, s7, $0xb8;
	[tilespmem:$0x6000] =	vst v63  }
0x18a: {  	_ =	swait.ge [sflag:s10], $0x4000  }
0x18b: {  	[sflag:s10] =	ssyncset.done $0x0  }
0x18c: {  	s0 =	rddreg [dreg:$0x1c];
	[sflag:s10] =	ssyncadd.s32 $0xFFFFC000  }
0x18d: {  	[tilespmem:s8], [sflag:$0x1] =	stream.indirect.gather [hbm4b:s18+s7], $0x80, s0, s7, $0xb8;
	[tilespmem:$0x6000] =	vst v63  }
0x18e: {  	_ =	swait.ge [sflag:s9], $0x4000  }
0x18f: {  	[sflag:s9] =	ssyncset.done $0x0  }
0x190: {  	s0 =	rddreg [dreg:$0x1d];
	[sflag:s9] =	ssyncadd.s32 $0xFFFFC000  }
0x191: {  	[hbm4b:s11+s7] =	stream.indirect.scatter [tilespmem:s8], [sflag:$0x2], $0x80, s0, s7, $0xb8;
	[tilespmem:$0x6000] =	vst v63  }
0x192: {  	_ =	swait.ge [sflag:s10], $0x4000  }
0x193: {  	[sflag:s10] =	ssyncset.done $0x0  }
0x194: {  	s0 =	rddreg [dreg:$0x1e];
	[sflag:s10] =	ssyncadd.s32 $0xFFFFC000  }
0x195: {  	[tilespmem:s8], [sflag:$0x1] =	stream.indirect.gather [hbm4b:s18+s7], $0x80, s0, s7, $0xb8;
	[tilespmem:$0x6000] =	vst v63  }
0x196: {  	_ =	swait.ge [sflag:s9], $0x4000  }
0x197: {  	[sflag:s9] =	ssyncset.done $0x0  }
0x198: {  	s0 =	rddreg [dreg:$0x1f];
	[sflag:s9] =	ssyncadd.s32 $0xFFFFC000  }
0x199: {  	[hbm4b:s11+s7] =	stream.indirect.scatter [tilespmem:s8], [sflag:$0x2], $0x80, s0, s7, $0xb8;
	[tilespmem:$0x6000] =	vst v63  }
0x19a: {  	_ =	swait.ge [sflag:s10], $0x4000  }
0x19b: {  	s0 =	sld [smem:$0x7F1]  }
0x19c: {  	[sflag:s10] =	ssyncset.done $0x0  }
0x19d: {  	[sflag:s10] =	ssyncadd.s32 $0xFFFFC000  }
0x19e: {  	[tilespmem:s8], [sflag:$0x1] =	stream.indirect.gather [hbm4b:s19+s7], $0x80, s0, s7, $0xb8;
	[tilespmem:$0x6000] =	vst v63  }
0x19f: {  	_ =	swait.ge [sflag:s9], $0x4000  }
0x1a0: {  	s0 =	sld [smem:$0x7F2]  }
0x1a1: {  	[sflag:s9] =	ssyncset.done $0x0  }
0x1a2: {  	[sflag:s9] =	ssyncadd.s32 $0xFFFFC000  }
0x1a3: {  	[hbm4b:s11+s7] =	stream.indirect.scatter [tilespmem:s8], [sflag:$0x2], $0x80, s0, s7, $0xb8;
	[tilespmem:$0x6000] =	vst v63  }
0x1a4: {  	_ =	swait.ge [sflag:s10], $0x4000  }
0x1a5: {  	s0 =	sld [smem:$0x7F3]  }
0x1a6: {  	[sflag:s10] =	ssyncset.done $0x0  }
0x1a7: {  	[sflag:s10] =	ssyncadd.s32 $0xFFFFC000  }
0x1a8: {  	[tilespmem:s8], [sflag:$0x1] =	stream.indirect.gather [hbm4b:s19+s7], $0x80, s0, s7, $0xb8;
	[tilespmem:$0x6000] =	vst v63  }
0x1a9: {  	_ =	swait.ge [sflag:s9], $0x4000  }
0x1aa: {  	s0 =	sld [smem:$0x7F4]  }
0x1ab: {  	[sflag:s9] =	ssyncset.done $0x0  }
0x1ac: {  	[sflag:s9] =	ssyncadd.s32 $0xFFFFC000  }
0x1ad: {  	[hbm4b:s11+s7] =	stream.indirect.scatter [tilespmem:s8], [sflag:$0x2], $0x80, s0, s7, $0xb8;
	[tilespmem:$0x6000] =	vst v63  }
0x1ae: {  	_ =	swait.ge [sflag:s10], $0x4000  }
0x1af: {  	s0 =	sld [smem:$0x7F5]  }
0x1b0: {  	[sflag:s10] =	ssyncset.done $0x0  }
0x1b1: {  	[sflag:s10] =	ssyncadd.s32 $0xFFFFC000  }
0x1b2: {  	[tilespmem:s8], [sflag:$0x1] =	stream.indirect.gather [hbm4b:s20+s7], $0x80, s0, s7, $0xb8;
	[tilespmem:$0x6000] =	vst v63  }
0x1b3: {  	_ =	swait.ge [sflag:s9], $0x4000  }
0x1b4: {  	s0 =	sld [smem:$0x7F6]  }
0x1b5: {  	[sflag:s9] =	ssyncset.done $0x0  }
0x1b6: {  	[sflag:s9] =	ssyncadd.s32 $0xFFFFC000  }
0x1b7: {  	[hbm4b:s11+s7] =	stream.indirect.scatter [tilespmem:s8], [sflag:$0x2], $0x80, s0, s7, $0xb8;
	[tilespmem:$0x6000] =	vst v63  }
0x1b8: {  	_ =	swait.ge [sflag:s10], $0x4000  }
0x1b9: {  	s0 =	sld [smem:$0x7F7]  }
0x1ba: {  	[sflag:s10] =	ssyncset.done $0x0  }
0x1bb: {  	[sflag:s10] =	ssyncadd.s32 $0xFFFFC000  }
0x1bc: {  	[tilespmem:s8], [sflag:$0x1] =	stream.indirect.gather [hbm4b:s20+s7], $0x80, s0, s7, $0xb8;
	[tilespmem:$0x6000] =	vst v63  }
0x1bd: {  	_ =	swait.ge [sflag:s9], $0x4000  }
0x1be: {  	s0 =	sld [smem:$0x7F8]  }
0x1bf: {  	[sflag:s9] =	ssyncset.done $0x0  }
0x1c0: {  	[sflag:s9] =	ssyncadd.s32 $0xFFFFC000  }
0x1c1: {  	[hbm4b:s11+s7] =	stream.indirect.scatter [tilespmem:s8], [sflag:$0x2], $0x80, s0, s7, $0xb8;
	[tilespmem:$0x6000] =	vst v63  }
0x1c2: {  	_ =	swait.ge [sflag:s10], $0x4000  }
0x1c3: {  	s0 =	sld [smem:$0x7F9]  }
0x1c4: {  	[sflag:s10] =	ssyncset.done $0x0  }
0x1c5: {  	[sflag:s10] =	ssyncadd.s32 $0xFFFFC000  }
0x1c6: {  	[tilespmem:s8], [sflag:$0x1] =	stream.indirect.gather [hbm4b:s21+s7], $0x80, s0, s7, $0xb8;
	[tilespmem:$0x6000] =	vst v63  }
0x1c7: {  	_ =	swait.ge [sflag:s9], $0x4000  }
0x1c8: {  	s0 =	sld [smem:$0x7FA]  }
0x1c9: {  	[sflag:s9] =	ssyncset.done $0x0  }
0x1ca: {  	[sflag:s9] =	ssyncadd.s32 $0xFFFFC000  }
0x1cb: {  	[hbm4b:s11+s7] =	stream.indirect.scatter [tilespmem:s8], [sflag:$0x2], $0x80, s0, s7, $0xb8;
	[tilespmem:$0x6000] =	vst v63  }
0x1cc: {  	_ =	swait.ge [sflag:s10], $0x4000  }
0x1cd: {  	s0 =	sld [smem:$0x7FB]  }
0x1ce: {  	[sflag:s10] =	ssyncset.done $0x0  }
0x1cf: {  	[sflag:s10] =	ssyncadd.s32 $0xFFFFC000  }
0x1d0: {  	[tilespmem:s8], [sflag:$0x1] =	stream.indirect.gather [hbm4b:s21+s7], $0x80, s0, s7, $0xb8;
	[tilespmem:$0x6000] =	vst v63  }
0x1d1: {  	_ =	swait.ge [sflag:s9], $0x4000  }
0x1d2: {  	s0 =	sld [smem:$0x7FC]  }
0x1d3: {  	[sflag:s9] =	ssyncset.done $0x0  }
0x1d4: {  	[sflag:s9] =	ssyncadd.s32 $0xFFFFC000  }
0x1d5: {  	[hbm4b:s11+s7] =	stream.indirect.scatter [tilespmem:s8], [sflag:$0x2], $0x80, s0, s7, $0xb8;
	[tilespmem:$0x6000] =	vst v63  }
0x1d6: {  	_ =	swait.ge [sflag:s10], $0x4000  }
0x1d7: {  	s0 =	sld [smem:$0x7FD]  }
0x1d8: {  	[sflag:s10] =	ssyncset.done $0x0  }
0x1d9: {  	[sflag:s10] =	ssyncadd.s32 $0xFFFFC000  }
0x1da: {  	[tilespmem:s8], [sflag:$0x1] =	stream.indirect.gather [hbm4b:s22+s7], $0x80, s0, s7, $0xb8;
	[tilespmem:$0x6000] =	vst v63  }
0x1db: {  	_ =	swait.ge [sflag:s9], $0x4000  }
0x1dc: {  	[sflag:s9] =	ssyncset.done $0x0  }
0x1dd: {  	[sflag:s9] =	ssyncadd.s32 $0xFFFFC000  }
0x1de: {  	[hbm4b:s11+s7] =	stream.indirect.scatter [tilespmem:s8], [sflag:$0x2], $0x80, s23, s7, $0xb8;
	[tilespmem:$0x6000] =	vst v63  }
0x1df: {  	_ =	swait.ge [sflag:s10], $0x4000  }
0x1e0: {  	[sflag:s10] =	ssyncset.done $0x0  }
0x1e1: {  	[sflag:s10] =	ssyncadd.s32 $0xFFFFC000  }
0x1e2: {  	[tilespmem:s8], [sflag:$0x1] =	stream.indirect.gather [hbm4b:s22+s7], $0x80, s24, s7, $0xb8;
	[tilespmem:$0x6000] =	vst v63  }
0x1e3: {  	_ =	swait.ge [sflag:s9], $0x4000  }
0x1e4: {  	[sflag:s9] =	ssyncset.done $0x0  }
0x1e5: {  	[sflag:s9] =	ssyncadd.s32 $0xFFFFC000  }
0x1e6: {  	[hbm4b:s11+s7] =	stream.indirect.scatter [tilespmem:s8], [sflag:$0x2], $0x80, s25, s7, $0xb8;
	[tilespmem:$0x6000] =	vst v63  }
0x1e7: {  	_ =	swait.ge [sflag:s10], $0x4000  }
0x1e8: {  	[sflag:s10] =	ssyncset.done $0x0  }
0x1e9: {  	[sflag:s10] =	ssyncadd.s32 $0xFFFFC000  }
0x1ea: {  	[tilespmem:s8], [sflag:$0x1] =	stream.indirect.gather [hbm4b:s26+s7], $0x80, s28, s7, $0xb8;
	[tilespmem:$0x6000] =	vst v63  }
0x1eb: {  	_ =	swait.ge [sflag:s9], $0x4000  }
0x1ec: {  	[sflag:s9] =	ssyncset.done $0x0  }
0x1ed: {  	[sflag:s9] =	ssyncadd.s32 $0xFFFFC000  }
0x1ee: {  	[hbm4b:s11+s7] =	stream.indirect.scatter [tilespmem:s8], [sflag:$0x2], $0x80, s29, s7, $0xb8;
	[tilespmem:$0x6000] =	vst v63  }
0x1ef: {  	_ =	swait.ge [sflag:s10], $0x4000  }
0x1f0: {  	[sflag:s10] =	ssyncset.done $0x0  }
0x1f1: {  	[sflag:s10] =	ssyncadd.s32 $0xFFFFC000  }
0x1f2: {  	[tilespmem:s8], [sflag:$0x1] =	stream.indirect.gather [hbm4b:s26+s7], $0x80, s30, s7, $0xb8;
	[tilespmem:$0x6000] =	vst v63  }
0x1f3: {  	p0 =	sne.s32 s1, $0x1;
	_ =	swait.ge [sflag:s9], $0x4000  }
.Ltmp1:
0x1f4: {  	[sflag:s9] =	ssyncset.done $0x0;
	(pc) =	sbr.rel @p0 .LBB2_1-.Ltmp1, $4  }
0x1f5: {  	[sflag:s9] =	ssyncadd.s32 $0xFFFFC000  }
0x1f6: {  	[hbm4b:s11+s7] =	stream.indirect.scatter [tilespmem:s8], [sflag:$0x2], $0x80, s31, s7, $0xb8;
	[tilespmem:$0x6000] =	vst v63  }
0x1f7: {  	_ =	swait.ge [sflag:s10], $0x4000  }
0x1f8: {  	s1 =	sadd.s32 $0xFFFFFFFF, s1;
	[sflag:s10] =	ssyncset.done $0x0  }
.LBB2_2:
0x1f9: {  	[sflag:s10] =	ssyncadd.s32 $0xFFFFC000  }
0x1fa: {  	_ =	sfence.sel $0x180000  }
0x1fb: {  	[bflag:$0x0] =	sbarrier.arrive $0xFFFF  }
0x1fc: {  	_ =	strace $0x90000047  }
0x1fd: {  	s0 =	stileid.u32;
	[bflag:$0x2] =	sbarrier.arrive $0xFFFF  }
0x1fe: {  	p0 =	sne.s32 s0, $0x0;
	s0 =	rddreg [dreg:$0x1]  }
0x1ff: {  	s0 =	sadd.s32 @!p0 $0x100000, s0  }
0x200: {  	[sflag:s0] =	ssyncadd.tile.s32 @!p0 $0x1;
	_ =	shalt  }
.Lfunc_end2:
_tile_overlayer_lowered:
.L_overlay_start_2:
0x201: {  	(tag) =	ssettag $0x2  }
0x202: {  	s0 =	rddreg [dreg:$0x0];
	s2 =	stileid.u32  }
0x203: {  	s1 =	rddreg [dreg:$0x1];
	p0 =	sne.s32 s2, $0x0  }
0x204: {  	s3 =	rddreg [dreg:$0x2];
	[bflag:$0x3] =	sbarrier.arrive $0xFFFF;
	s2 =	simm.s32 @!p0 $0x1C03  }
0x205: {  	[timem:s3], [sflag:s2] =	dma.local @!p0 [hbm:s0], s1  }
0x206: {  	s0 =	simm.s32 @!p0 $0x3  }
0x207: {  	_ =	swait.ge @!p0 [sflag:s0], s1  }
0x208: {  	s1 =	ssub.s32 @!p0 $0x0, s1;
	[sflag:s0] =	ssyncset.done @!p0 $0x0  }
0x209: {  	[sflag:s0] =	ssyncadd.s32 @!p0 s1  }
0x20a: {  	[bflag:$0x3] =	sbarrier.arrive $0xFFFF  }
0x20b: {  	_ =	shalt  }

</sc_bundles>
